<compile_context>
chip_gen: v7x
topology: tpu7x:2x2x1
jax: 0.10.2.dev20260603
libtpu: 0.0.44.dev20260713+nightly
codegen_flags: <defaults>
</compile_context>

<pallas_src>
import functools

import jax
import jax.numpy as jnp
from jax import lax
from jax.experimental import pallas as pl
from jax.experimental.pallas import tpu as pltpu
from jax.experimental.pallas import tpu_sc as plsc
from jax._src.pallas import mpmd as _mpmd

_N = 100000
_D = 128
_B = 16384
_MOM = 0.9

_NC = 2
_NS = 16
_NW = _NC * _NS
_BPW = _B // _NW
_ROWS_PW = 3128
_MAP_VREGS = (_ROWS_PW + 15) // 16
_MAP_PAD = _MAP_VREGS * 16
_CAP = ((_ROWS_PW + 127) // 128 + 1) * 128
_CHUNK = 128

_mesh = plsc.VectorSubcoreMesh(
    core_axis_name="c", subcore_axis_name="s", num_cores=_NC, num_subcores=_NS
)


def _wid():
    return lax.axis_index("c") * _NS + lax.axis_index("s")


def _lane_gather(x, i):
    dnums = lax.GatherDimensionNumbers(
        offset_dims=(), collapsed_slice_dims=(0,), start_index_map=(0,))
    return lax.gather(x, i[:, None], dnums, (1,),
                      mode=lax.GatherScatterMode.PROMISE_IN_BOUNDS)


@functools.partial(
    pl.kernel,
    out_type=(
        jax.ShapeDtypeStruct((_B, _D), jnp.float32),
        jax.ShapeDtypeStruct((_B, _D), jnp.float32),
        jax.ShapeDtypeStruct((_NW, _CAP), jnp.int32),
        jax.ShapeDtypeStruct((_NW, _CAP), jnp.int32),
        jax.ShapeDtypeStruct((_NW, 16), jnp.int32),
    ),
    mesh=_mesh,
    scratch_types=[
        pltpu.VMEM((_B,), jnp.int32),
        pltpu.VMEM((_MAP_PAD,), jnp.int32),
        pltpu.VMEM((_CAP,), jnp.int32),
        pltpu.VMEM((_CAP,), jnp.int32),
        pltpu.VMEM((16,), jnp.int32),
        pltpu.VMEM((_CHUNK, _D), jnp.float32),
        pltpu.VMEM((_CHUNK, _D), jnp.float32),
        pltpu.VMEM((_CHUNK, _D), jnp.float32),
        pltpu.VMEM((_CHUNK, _D), jnp.float32),
        pltpu.SemaphoreType.DMA,
        pltpu.SemaphoreType.DMA,
        pltpu.SemaphoreType.DMA,
        pltpu.SemaphoreType.DMA,
        pltpu.SemaphoreType.DMA,
        pltpu.SemaphoreType.DMA,
        pltpu.SemaphoreType.DMA,
        pltpu.SemaphoreType.DMA,
    ],
    compiler_params=pltpu.CompilerParams(needs_layout_passes=False),
    cost_estimate=pl.CostEstimate(
        flops=2_000_000, bytes_accessed=40_000_000, transcendentals=0),
)
def _sc_gather(idx_hbm, hidden_hbm, variance_hbm,
               hold_hbm, varold_hbm, dest_hbm, src_hbm, cnt_hbm,
               idx_v, win_v, dest_c, src_c, cnt_v,
               hb0, hb1, vb0, vb1, semh0, semh1, semv0, semv1,
               wsemh0, wsemh1, wsemv0, wsemv1):
    wid = _wid()
    base = wid * _BPW
    lo = wid * _ROWS_PW
    hi = jnp.minimum(lo + _ROWS_PW, _N)

    pltpu.sync_copy(idx_hbm, idx_v)

    def _sl(ch):
        return idx_v.at[pl.ds(base + ch * _CHUNK, _CHUNK)]

    gh0 = pltpu.async_copy(hidden_hbm.at[_sl(0)], hb0, semh0)
    gh1 = pltpu.async_copy(hidden_hbm.at[_sl(1)], hb1, semh1)
    gv0 = pltpu.async_copy(variance_hbm.at[_sl(0)], vb0, semv0)
    gv1 = pltpu.async_copy(variance_hbm.at[_sl(1)], vb1, semv1)

    iot = lax.iota(jnp.int32, 16)

    def init_body(i, _):
        win_v[pl.ds(i * 16, 16)] = jnp.full((16,), -1, jnp.int32)
        return 0

    lax.fori_loop(0, _MAP_VREGS, init_body, 0)

    def scan_body(c, _):
        for u in range(4):
            cc = c * 4 + u
            chunk = idx_v[pl.ds(cc * 16, 16)]
            k2 = chunk * 16 + iot
            pos = cc * 16 + iot
            k2s, poss = plsc.sort_key_val(k2, pos)
            idxs = lax.shift_right_arithmetic(k2s, 4)
            nxt = _lane_gather(idxs, jnp.minimum(iot + 1, 15))
            bound = (idxs != nxt) | (iot == 15)
            inr = (idxs >= lo) & (idxs < hi)
            plsc.store_scatter(win_v, [idxs - lo], poss, mask=bound & inr)
        return 0

    lax.fori_loop(0, _B // 64, scan_body, 0)

    def compact_body(i, off):
        v = win_v[pl.ds(i * 16, 16)]
        m = v >= 0
        dvals = lo + i * 16 + iot
        plsc.store_compressed(dest_c.at[pl.ds(off, 16)], dvals, mask=m)
        plsc.store_compressed(src_c.at[pl.ds(off, 16)], v, mask=m)
        return off + jnp.sum(m.astype(jnp.int32))

    k_cnt = lax.fori_loop(0, _MAP_VREGS, compact_body, 0)

    @pl.when(k_cnt > 0)
    def _pad():
        zz = jnp.zeros((16,), jnp.int32)
        dpad = _lane_gather(dest_c[pl.ds(0, 16)], zz)
        spad = _lane_gather(src_c[pl.ds(0, 16)], zz)
        for t in range(_CHUNK // 16):
            dest_c[pl.ds(k_cnt + t * 16, 16)] = dpad
            src_c[pl.ds(k_cnt + t * 16, 16)] = spad

    cnt_v[...] = jnp.full((16,), k_cnt, jnp.int32)
    pltpu.sync_copy(dest_c, dest_hbm.at[wid])
    pltpu.sync_copy(src_c, src_hbm.at[wid])
    pltpu.sync_copy(cnt_v, cnt_hbm.at[wid])

    bufs = {"h": (hb0, hb1), "v": (vb0, vb1)}
    gsems = {"h": (semh0, semh1), "v": (semv0, semv1)}
    wsems = {"h": (wsemh0, wsemh1), "v": (wsemv0, wsemv1)}
    outs = {"h": hold_hbm, "v": varold_hbm}
    srcs = {"h": hidden_hbm, "v": variance_hbm}
    pend = {"h": [gh0, gh1], "v": [gv0, gv1]}
    wb = {"h": [None, None], "v": [None, None]}

    def _writeback(t, ch):
        return pltpu.async_copy(
            bufs[t][ch % 2], outs[t].at[pl.ds(base + ch * _CHUNK, _CHUNK)],
            wsems[t][ch % 2])

    for slot in range(2):
        for t in ("h", "v"):
            pend[t][slot].wait()
            wb[t][slot] = _writeback(t, slot)
    for slot in range(2):
        for t in ("h", "v"):
            wb[t][slot].wait()
            pend[t][slot] = pltpu.async_copy(
                srcs[t].at[_sl(slot + 2)], bufs[t][slot], gsems[t][slot])
    for slot in range(2):
        for t in ("h", "v"):
            pend[t][slot].wait()
            wb[t][slot] = _writeback(t, slot + 2)
    for slot in range(2):
        for t in ("h", "v"):
            wb[t][slot].wait()


_BM = 2048


def _gru_body(x_ref, h_ref, v_ref, wih_ref, whh_ref, bih_ref, bhh_ref,
              hn_ref, vn_ref):
    x = x_ref[...]
    h = h_ref[...]
    gi = jnp.dot(x, wih_ref[...], preferred_element_type=jnp.float32) + bih_ref[...]
    gh = jnp.dot(h, whh_ref[...], preferred_element_type=jnp.float32) + bhh_ref[...]
    r = jax.nn.sigmoid(gi[:, :_D] + gh[:, :_D])
    z = jax.nn.sigmoid(gi[:, _D:2 * _D] + gh[:, _D:2 * _D])
    n = jnp.tanh(gi[:, 2 * _D:] + r * gh[:, 2 * _D:])
    hn = (1.0 - z) * n + z * h
    hn_ref[...] = hn
    d = hn - h
    vn_ref[...] = _MOM * v_ref[...] + (1.0 - _MOM) * d * d


def _tc_gru(x, h_old, var_old, wih_t, whh_t, b_ih, b_hh):
    grid = (_B // _BM,)
    row_spec = pl.BlockSpec((_BM, _D), lambda i: (i, 0))
    full_w = pl.BlockSpec((_D, 3 * _D), lambda i: (0, 0))
    full_b = pl.BlockSpec((1, 3 * _D), lambda i: (0, 0))
    return pl.pallas_call(
        _gru_body,
        grid=grid,
        in_specs=[row_spec, row_spec, row_spec, full_w, full_w, full_b, full_b],
        out_specs=[row_spec, row_spec],
        out_shape=[
            jax.ShapeDtypeStruct((_B, _D), jnp.float32),
            jax.ShapeDtypeStruct((_B, _D), jnp.float32),
        ],
    )(x, h_old, var_old, wih_t, whh_t, b_ih, b_hh)


_CBLK = 5000


def _copy_body(h_ref, v_ref, out_ref):
    out_ref[0] = h_ref[...]
    out_ref[1] = v_ref[...]


def _tc_copy(hidden, variance):
    nb = _N // _CBLK
    blk = pl.BlockSpec((_CBLK, _D), lambda i: (i, 0))
    return pl.pallas_call(
        _copy_body,
        grid=(nb,),
        in_specs=[blk, blk],
        out_specs=pl.BlockSpec((2, _CBLK, _D), lambda i: (0, i, 0)),
        out_shape=jax.ShapeDtypeStruct((2, _N, _D), jnp.float32),
    )(hidden, variance)


def _sc_scatter_body(hnew_hbm, varnew_hbm, dest_hbm, src_hbm, cnt_hbm,
                     stacked_hbm, out_hbm,
                     dest_c, src_c, cnt_v, rowh_v, rowv_v, sem1, sem2):
    del stacked_hbm
    wid = _wid()

    c1 = pltpu.async_copy(dest_hbm.at[wid], dest_c, sem1)
    c2 = pltpu.async_copy(src_hbm.at[wid], src_c, sem2)
    c3 = pltpu.async_copy(cnt_hbm.at[wid], cnt_v, sem1)
    c1.wait()
    c2.wait()
    c3.wait()
    k_cnt = jnp.max(cnt_v[...], axis=0)
    n_chunks = (k_cnt + _CHUNK - 1) // _CHUNK

    def chunk_body(j, _):
        gs, ss = [], []
        for t in range(_CHUNK // 16):
            s16 = src_c[pl.ds(j * _CHUNK + t * 16, 16)]
            gs.append(pltpu.async_copy(
                hnew_hbm.at[s16], rowh_v.at[pl.ds(t * 16, 16)], sem1))
            gs.append(pltpu.async_copy(
                varnew_hbm.at[s16], rowv_v.at[pl.ds(t * 16, 16)], sem2))
        for g in gs:
            g.wait()
        for t in range(_CHUNK // 16):
            d16 = dest_c[pl.ds(j * _CHUNK + t * 16, 16)]
            ss.append(pltpu.async_copy(
                rowh_v.at[pl.ds(t * 16, 16)], out_hbm.at[d16], sem1))
            ss.append(pltpu.async_copy(
                rowv_v.at[pl.ds(t * 16, 16)], out_hbm.at[d16 + _N], sem2))
        for s in ss:
            s.wait()
        return 0

    lax.fori_loop(0, n_chunks, chunk_body, 0)


_sc_scatter = _mpmd._mpmd_map(
    [(_mesh, _sc_scatter_body)],
    jax.ShapeDtypeStruct((2 * _N, _D), jnp.float32),
    input_output_aliases={5: 0},
    scratch_types=[
        pltpu.VMEM((_CAP,), jnp.int32),
        pltpu.VMEM((_CAP,), jnp.int32),
        pltpu.VMEM((16,), jnp.int32),
        pltpu.VMEM((_CHUNK, _D), jnp.float32),
        pltpu.VMEM((_CHUNK, _D), jnp.float32),
        pltpu.SemaphoreType.DMA,
        pltpu.SemaphoreType.DMA,
    ],
    compiler_params=pltpu.CompilerParams(needs_layout_passes=False),
    cost_estimate=pl.CostEstimate(
        flops=1_000_000, bytes_accessed=33_000_000, transcendentals=0),
)


def kernel(x, idx, hidden, variance, W_ih, W_hh, b_ih, b_hh):
    idx = idx.astype(jnp.int32)
    h_old, var_old, dest, src, cnt = _sc_gather(idx, hidden, variance)
    stacked = _tc_copy(hidden, variance).reshape(2 * _N, _D)
    h_new, var_new = _tc_gru(
        x, h_old, var_old, W_ih.T, W_hh.T,
        b_ih.reshape(1, 3 * _D), b_hh.reshape(1, 3 * _D))
    out2 = _sc_scatter(h_new, var_new, dest, src, cnt, stacked)
    return out2.reshape(2, _N, _D)

# --- scband reference (transcript-rebuilt; emitter-appended) ---
"""Pipeline reference for scband-recurrent-memory-76836964926207 (READ-ONLY COPY).

The authoritative reference and input builder live on the scoring server;
editing this copy changes nothing except your own understanding.
"""

import jax, jax.numpy as jnp
import numpy as np

N = 100000
D = 128
B = 16384
MOM = 0.9


def setup_inputs(seed: int = 0) -> dict:
    key = jax.random.key(seed)
    k1, k2, k3, k4, k5, k6 = jax.random.split(key, 6)
    s = 1.0 / np.sqrt(D)
    return {
        "x": jax.random.normal(k1, (B, D), dtype=jnp.float32),
        "idx": jax.random.randint(k2, (B,), 0, N),
        "hidden": jnp.zeros((N, D), dtype=jnp.float32),
        "variance": jnp.ones((N, D), dtype=jnp.float32) * 0.1,
        "W_ih": jax.random.uniform(k3, (3 * D, D), dtype=jnp.float32, minval=-s, maxval=s),
        "W_hh": jax.random.uniform(k4, (3 * D, D), dtype=jnp.float32, minval=-s, maxval=s),
        "b_ih": jax.random.uniform(k5, (3 * D,), dtype=jnp.float32, minval=-s, maxval=s),
        "b_hh": jax.random.uniform(k6, (3 * D,), dtype=jnp.float32, minval=-s, maxval=s),
    }


def _gru_cell(x, h, W_ih, W_hh, b_ih, b_hh):
    gi = x @ W_ih.T + b_ih
    gh = h @ W_hh.T + b_hh
    i_r, i_z, i_n = jnp.split(gi, 3, axis=1)
    h_r, h_z, h_n = jnp.split(gh, 3, axis=1)
    r = jax.nn.sigmoid(i_r + h_r)
    z = jax.nn.sigmoid(i_z + h_z)
    n = jnp.tanh(i_n + r * h_n)
    return (1.0 - z) * n + z * h


def reference(x, idx, hidden, variance, W_ih, W_hh, b_ih, b_hh):
    # RecurrentMemory.write(idx, x): gather rows, GRU update, EMA variance, scatter back
    h_old = hidden[idx]                                   # gather
    h_new = _gru_cell(x, h_old, W_ih, W_hh, b_ih, b_hh)
    delta = h_new - h_old
    var_rows = MOM * variance[idx] + (1.0 - MOM) * jnp.square(delta)
    variance_out = variance.at[idx].set(var_rows)         # scatter-overwrite
    hidden_out = hidden.at[idx].set(h_new)                # scatter-overwrite
    return jnp.stack([hidden_out, variance_out])

if __name__ == "__main__":
    import jax
    _d = setup_inputs()
    print(jax.jit(kernel)(*tuple(_d.values())))

</pallas_src>

<mosaic_0001>
#map = affine_map<(d0, d1) -> (0)>
#map1 = affine_map<(d0, d1) -> (0, 0)>
module attributes {stable_mosaic.version = 14 : i64} {
  func.func @_sc_gather(%arg0: i32, %arg1: i32, %arg2: memref<16384xi32, #tpu.memory_space<hbm>>, %arg3: memref<100000x128xf32, #tpu.memory_space<hbm>>, %arg4: memref<100000x128xf32, #tpu.memory_space<hbm>>, %arg5: memref<16384x128xf32, #tpu.memory_space<hbm>>, %arg6: memref<16384x128xf32, #tpu.memory_space<hbm>>, %arg7: memref<32x3328xi32, #tpu.memory_space<hbm>>, %arg8: memref<32x3328xi32, #tpu.memory_space<hbm>>, %arg9: memref<32x16xi32, #tpu.memory_space<hbm>>, %arg10: memref<16384xi32, #tpu.memory_space<vmem>>, %arg11: memref<3136xi32, #tpu.memory_space<vmem>>, %arg12: memref<3328xi32, #tpu.memory_space<vmem>>, %arg13: memref<3328xi32, #tpu.memory_space<vmem>>, %arg14: memref<16xi32, #tpu.memory_space<vmem>>, %arg15: memref<128x128xf32, #tpu.memory_space<vmem>>, %arg16: memref<128x128xf32, #tpu.memory_space<vmem>>, %arg17: memref<128x128xf32, #tpu.memory_space<vmem>>, %arg18: memref<128x128xf32, #tpu.memory_space<vmem>>, %arg19: memref<!tpu.dma_semaphore, #tpu.memory_space<semaphore_mem>>, %arg20: memref<!tpu.dma_semaphore, #tpu.memory_space<semaphore_mem>>, %arg21: memref<!tpu.dma_semaphore, #tpu.memory_space<semaphore_mem>>, %arg22: memref<!tpu.dma_semaphore, #tpu.memory_space<semaphore_mem>>, %arg23: memref<!tpu.dma_semaphore, #tpu.memory_space<semaphore_mem>>, %arg24: memref<!tpu.dma_semaphore, #tpu.memory_space<semaphore_mem>>, %arg25: memref<!tpu.dma_semaphore, #tpu.memory_space<semaphore_mem>>, %arg26: memref<!tpu.dma_semaphore, #tpu.memory_space<semaphore_mem>>) attributes {dimension_semantics = [#tpu.dimension_semantics<core_parallel>, #tpu.dimension_semantics<subcore_parallel>], iteration_bounds = array<i64: 2, 16>, scalar_prefetch = 0 : i64, scratch_operands = 17 : i64, tpu.core_type = #tpu.core_type<sc_vector_subcore>, window_params = [{transform_indices = #map}, {transform_indices = #map1}, {transform_indices = #map1}, {transform_indices = #map1}, {transform_indices = #map1}, {transform_indices = #map1}, {transform_indices = #map1}, {transform_indices = #map1}]} {
    %mul3A = arith.constant 16 : i32
    %mul3A_0 = arith.muli %arg0, %mul3A : i32
    %add3A = arith.addi %mul3A_0, %arg1 : i32
    %mul3A_1 = arith.constant 512 : i32
    %mul3A_2 = arith.muli %add3A, %mul3A_1 : i32
    %mul3A_3 = arith.constant 3128 : i32
    %mul3A_4 = arith.muli %add3A, %mul3A_3 : i32
    %add3A_5 = arith.constant 3128 : i32
    %add3A_6 = arith.addi %mul3A_4, %add3A_5 : i32
    %min3A = arith.constant 100000 : i32
    %min3A_7 = arith.minsi %add3A_6, %min3A : i32
    "tpu.region"() ({
      %run_scoped3A = tpu.sem_alloc : memref<!tpu.dma_semaphore, #tpu.memory_space<semaphore_mem>>
      tpu.enqueue_dma source(%arg2 : memref<16384xi32, #tpu.memory_space<hbm>>) target(%arg10 : memref<16384xi32, #tpu.memory_space<vmem>>) target_semaphore(%run_scoped3A : memref<!tpu.dma_semaphore, #tpu.memory_space<semaphore_mem>>)
      tpu.wait_dma2 semaphore(%run_scoped3A : memref<!tpu.dma_semaphore, #tpu.memory_space<semaphore_mem>>) src(%arg2 : memref<16384xi32, #tpu.memory_space<hbm>>) dst(%arg10 : memref<16384xi32, #tpu.memory_space<vmem>>)
      tpu.yield
    }) : () -> ()
    %add3A_8 = arith.constant 0 : i32
    %add3A_9 = arith.addi %mul3A_2, %add3A_8 : i32
    %dma_start3A = tpu.memref_slice %arg10[%add3A_9] : memref<16384xi32, #tpu.memory_space<vmem>> -> memref<128xi32, #tpu.memory_space<vmem>>
    %dma_start3A_10 = arith.constant 0 : i32
    %dma_start3A_11 = arith.constant 0 : i32
    %dma_start3A_12 = tpu.memref_slice %arg3[%dma_start3A_10, %dma_start3A_11] : memref<100000x128xf32, #tpu.memory_space<hbm>> -> memref<100000x128xf32, #tpu.memory_space<hbm>>
    tpu.enqueue_indirect_dma source(%dma_start3A_12 : memref<100000x128xf32, #tpu.memory_space<hbm>>) target(%arg15 : memref<128x128xf32, #tpu.memory_space<vmem>>) offsets(%dma_start3A : memref<128xi32, #tpu.memory_space<vmem>>) semaphore(%arg19 : memref<!tpu.dma_semaphore, #tpu.memory_space<semaphore_mem>>)
    %add3A_13 = arith.constant 128 : i32
    %add3A_14 = arith.addi %mul3A_2, %add3A_13 : i32
    %dma_start3A_15 = tpu.memref_slice %arg10[%add3A_14] : memref<16384xi32, #tpu.memory_space<vmem>> -> memref<128xi32, #tpu.memory_space<vmem>>
    %dma_start3A_16 = arith.constant 0 : i32
    %dma_start3A_17 = arith.constant 0 : i32
    %dma_start3A_18 = tpu.memref_slice %arg3[%dma_start3A_16, %dma_start3A_17] : memref<100000x128xf32, #tpu.memory_space<hbm>> -> memref<100000x128xf32, #tpu.memory_space<hbm>>
    tpu.enqueue_indirect_dma source(%dma_start3A_18 : memref<100000x128xf32, #tpu.memory_space<hbm>>) target(%arg16 : memref<128x128xf32, #tpu.memory_space<vmem>>) offsets(%dma_start3A_15 : memref<128xi32, #tpu.memory_space<vmem>>) semaphore(%arg20 : memref<!tpu.dma_semaphore, #tpu.memory_space<semaphore_mem>>)
    %add3A_19 = arith.constant 0 : i32
    %add3A_20 = arith.addi %mul3A_2, %add3A_19 : i32
    %dma_start3A_21 = tpu.memref_slice %arg10[%add3A_20] : memref<16384xi32, #tpu.memory_space<vmem>> -> memref<128xi32, #tpu.memory_space<vmem>>
    %dma_start3A_22 = arith.constant 0 : i32
    %dma_start3A_23 = arith.constant 0 : i32
    %dma_start3A_24 = tpu.memref_slice %arg4[%dma_start3A_22, %dma_start3A_23] : memref<100000x128xf32, #tpu.memory_space<hbm>> -> memref<100000x128xf32, #tpu.memory_space<hbm>>
    tpu.enqueue_indirect_dma source(%dma_start3A_24 : memref<100000x128xf32, #tpu.memory_space<hbm>>) target(%arg17 : memref<128x128xf32, #tpu.memory_space<vmem>>) offsets(%dma_start3A_21 : memref<128xi32, #tpu.memory_space<vmem>>) semaphore(%arg21 : memref<!tpu.dma_semaphore, #tpu.memory_space<semaphore_mem>>)
    %add3A_25 = arith.constant 128 : i32
    %add3A_26 = arith.addi %mul3A_2, %add3A_25 : i32
    %dma_start3A_27 = tpu.memref_slice %arg10[%add3A_26] : memref<16384xi32, #tpu.memory_space<vmem>> -> memref<128xi32, #tpu.memory_space<vmem>>
    %dma_start3A_28 = arith.constant 0 : i32
    %dma_start3A_29 = arith.constant 0 : i32
    %dma_start3A_30 = tpu.memref_slice %arg4[%dma_start3A_28, %dma_start3A_29] : memref<100000x128xf32, #tpu.memory_space<hbm>> -> memref<100000x128xf32, #tpu.memory_space<hbm>>
    tpu.enqueue_indirect_dma source(%dma_start3A_30 : memref<100000x128xf32, #tpu.memory_space<hbm>>) target(%arg18 : memref<128x128xf32, #tpu.memory_space<vmem>>) offsets(%dma_start3A_27 : memref<128xi32, #tpu.memory_space<vmem>>) semaphore(%arg22 : memref<!tpu.dma_semaphore, #tpu.memory_space<semaphore_mem>>)
    %iota3A = tpu.iota {dimensions = array<i32: 0>} : vector<16xi32>
    %scan3A = arith.constant 0 : i32
    %scan3A_31 = arith.constant 0 : i32
    %scan3A_32 = arith.constant 196 : i32
    %scan3A_33 = arith.addi %scan3A_31, %scan3A_32 : i32
    %scan3A_34 = arith.constant 1 : i32
    %scan3A_35 = scf.for %scan3A_189 = %scan3A_31 to %scan3A_33 step %scan3A_34 iter_args(%scan3A_190 = %scan3A) -> (i32)  : i32 {
      %broadcast_in_dim3A_191 = arith.constant -1 : i32
      %broadcast_in_dim3A_192 = vector.broadcast %broadcast_in_dim3A_191 : i32 to vector<16xi32>
      %mul3A_193 = arith.constant 16 : i32
      %mul3A_194 = arith.muli %scan3A_189, %mul3A_193 : i32
      %swap3A_195 = arith.index_cast %mul3A_194 : i32 to index
      %swap3A_196 = tpu.vector_load %arg11[%swap3A_195] {strides = array<i32>} : memref<3136xi32, #tpu.memory_space<vmem>>, vector<16xi32>,
      tpu.vector_store %arg11[%swap3A_195], %broadcast_in_dim3A_192 {strides = array<i32>} : memref<3136xi32, #tpu.memory_space<vmem>>, vector<16xi32>,
      %scan3A_197 = arith.constant 0 : i32
      scf.yield %scan3A_197 : i32
    }
    %scan3A_36 = arith.constant 196 : i32
    %scan3A_37 = arith.constant 0 : i32
    %scan3A_38 = arith.constant 0 : i32
    %scan3A_39 = arith.constant 256 : i32
    %scan3A_40 = arith.addi %scan3A_38, %scan3A_39 : i32
    %scan3A_41 = arith.constant 1 : i32
    %scan3A_42 = scf.for %scan3A_189 = %scan3A_38 to %scan3A_40 step %scan3A_41 iter_args(%scan3A_190 = %scan3A_37) -> (i32)  : i32 {
      %mul3A_191 = arith.constant 4 : i32
      %mul3A_192 = arith.muli %scan3A_189, %mul3A_191 : i32
      %add3A_193 = arith.constant 0 : i32
      %add3A_194 = arith.addi %mul3A_192, %add3A_193 : i32
      %mul3A_195 = arith.constant 16 : i32
      %mul3A_196 = arith.muli %add3A_194, %mul3A_195 : i32
      %get3A = arith.index_cast %mul3A_196 : i32 to index
      %get3A_197 = tpu.vector_load %arg10[%get3A] {strides = array<i32>} : memref<16384xi32, #tpu.memory_space<vmem>>, vector<16xi32>,
      %mul3A_198 = arith.constant 16 : i32
      %mul3A_199 = vector.broadcast %mul3A_198 : i32 to vector<16xi32>
      %mul3A_200 = arith.muli %get3A_197, %mul3A_199 : vector<16xi32>
      %add3A_201 = arith.addi %mul3A_200, %iota3A : vector<16xi32>
      %mul3A_202 = arith.constant 16 : i32
      %mul3A_203 = arith.muli %add3A_194, %mul3A_202 : i32
      %add3A_204 = vector.broadcast %mul3A_203 : i32 to vector<16xi32>
      %add3A_205 = arith.addi %add3A_204, %iota3A : vector<16xi32>
      %masked_sort3A = arith.constant dense<true> : vector<16xi1>
      %masked_sort3A_206 = arith.constant -2147483648 : i32
      %masked_sort3A_207 = vector.broadcast %masked_sort3A_206 : i32 to vector<16xi32>
      %masked_sort3A_208 = arith.xori %add3A_201, %masked_sort3A_207 : vector<16xi32>
      %masked_sort3A_209, %masked_sort3A_210, %masked_sort3A_211 = tpu.sort %masked_sort3A_208, %add3A_205 masked %masked_sort3A : (vector<16xi32>, vector<16xi32>, vector<16xi1>) -> (vector<16xi1>, vector<16xi32>, vector<16xi32>)
      %masked_sort3A_212 = arith.xori %masked_sort3A_210, %masked_sort3A_207 : vector<16xi32>
      %shift_right_arithmetic3A = arith.constant 4 : i32
      %shift_right_arithmetic3A_213 = vector.broadcast %shift_right_arithmetic3A : i32 to vector<16xi32>
      %shift_right_arithmetic3A_214 = arith.shrsi %masked_sort3A_212, %shift_right_arithmetic3A_213 : vector<16xi32>
      %add3A_215 = arith.constant 1 : i32
      %add3A_216 = vector.broadcast %add3A_215 : i32 to vector<16xi32>
      %add3A_217 = arith.addi %iota3A, %add3A_216 : vector<16xi32>
      %min3A_218 = arith.constant 15 : i32
      %min3A_219 = vector.broadcast %min3A_218 : i32 to vector<16xi32>
      %min3A_220 = arith.minsi %add3A_217, %min3A_219 : vector<16xi32>
      %broadcast_in_dim3A_221 = vector.shape_cast %min3A_220 : vector<16xi32> to vector<16x1xi32>
      %gather3A = vector.shape_cast %broadcast_in_dim3A_221 : vector<16x1xi32> to vector<16xi32>
      %gather3A_222 = tpu.dynamic_gather %shift_right_arithmetic3A_214[%gather3A] in [0] : vector<16xi32>, vector<16xi32> -> vector<16xi32>
      %ne3A = arith.cmpi ne, %shift_right_arithmetic3A_214, %gather3A_222 : vector<16xi32>
      %eq3A = arith.constant 15 : i32
      %eq3A_223 = vector.broadcast %eq3A : i32 to vector<16xi32>
      %eq3A_224 = arith.cmpi eq, %iota3A, %eq3A_223 : vector<16xi32>
      %or3A = arith.ori %ne3A, %eq3A_224 : vector<16xi1>
      %ge3A = vector.broadcast %mul3A_4 : i32 to vector<16xi32>
      %ge3A_225 = arith.cmpi sge, %shift_right_arithmetic3A_214, %ge3A : vector<16xi32>
      %lt3A = vector.broadcast %min3A_7 : i32 to vector<16xi32>
      %lt3A_226 = arith.cmpi slt, %shift_right_arithmetic3A_214, %lt3A : vector<16xi32>
      %and3A = arith.andi %ge3A_225, %lt3A_226 : vector<16xi1>
      %sub3A = vector.broadcast %mul3A_4 : i32 to vector<16xi32>
      %sub3A_227 = arith.subi %shift_right_arithmetic3A_214, %sub3A : vector<16xi32>
      %and3A_228 = arith.andi %or3A, %and3A : vector<16xi1>
      tpu.vector_store_idx %arg11[%sub3A_227], %masked_sort3A_211 masked %and3A_228 : memref<3136xi32, #tpu.memory_space<vmem>>[vector<16xi32>], vector<16xi32>, vector<16xi1>
      %mul3A_229 = arith.constant 4 : i32
      %mul3A_230 = arith.muli %scan3A_189, %mul3A_229 : i32
      %add3A_231 = arith.constant 1 : i32
      %add3A_232 = arith.addi %mul3A_230, %add3A_231 : i32
      %mul3A_233 = arith.constant 16 : i32
      %mul3A_234 = arith.muli %add3A_232, %mul3A_233 : i32
      %get3A_235 = arith.index_cast %mul3A_234 : i32 to index
      %get3A_236 = tpu.vector_load %arg10[%get3A_235] {strides = array<i32>} : memref<16384xi32, #tpu.memory_space<vmem>>, vector<16xi32>,
      %mul3A_237 = arith.constant 16 : i32
      %mul3A_238 = vector.broadcast %mul3A_237 : i32 to vector<16xi32>
      %mul3A_239 = arith.muli %get3A_236, %mul3A_238 : vector<16xi32>
      %add3A_240 = arith.addi %mul3A_239, %iota3A : vector<16xi32>
      %mul3A_241 = arith.constant 16 : i32
      %mul3A_242 = arith.muli %add3A_232, %mul3A_241 : i32
      %add3A_243 = vector.broadcast %mul3A_242 : i32 to vector<16xi32>
      %add3A_244 = arith.addi %add3A_243, %iota3A : vector<16xi32>
      %masked_sort3A_245 = arith.constant dense<true> : vector<16xi1>
      %masked_sort3A_246 = arith.constant -2147483648 : i32
      %masked_sort3A_247 = vector.broadcast %masked_sort3A_246 : i32 to vector<16xi32>
      %masked_sort3A_248 = arith.xori %add3A_240, %masked_sort3A_247 : vector<16xi32>
      %masked_sort3A_249, %masked_sort3A_250, %masked_sort3A_251 = tpu.sort %masked_sort3A_248, %add3A_244 masked %masked_sort3A_245 : (vector<16xi32>, vector<16xi32>, vector<16xi1>) -> (vector<16xi1>, vector<16xi32>, vector<16xi32>)
      %masked_sort3A_252 = arith.xori %masked_sort3A_250, %masked_sort3A_247 : vector<16xi32>
      %shift_right_arithmetic3A_253 = arith.constant 4 : i32
      %shift_right_arithmetic3A_254 = vector.broadcast %shift_right_arithmetic3A_253 : i32 to vector<16xi32>
      %shift_right_arithmetic3A_255 = arith.shrsi %masked_sort3A_252, %shift_right_arithmetic3A_254 : vector<16xi32>
      %add3A_256 = arith.constant 1 : i32
      %add3A_257 = vector.broadcast %add3A_256 : i32 to vector<16xi32>
      %add3A_258 = arith.addi %iota3A, %add3A_257 : vector<16xi32>
      %min3A_259 = arith.constant 15 : i32
      %min3A_260 = vector.broadcast %min3A_259 : i32 to vector<16xi32>
      %min3A_261 = arith.minsi %add3A_258, %min3A_260 : vector<16xi32>
      %broadcast_in_dim3A_262 = vector.shape_cast %min3A_261 : vector<16xi32> to vector<16x1xi32>
      %gather3A_263 = vector.shape_cast %broadcast_in_dim3A_262 : vector<16x1xi32> to vector<16xi32>
      %gather3A_264 = tpu.dynamic_gather %shift_right_arithmetic3A_255[%gather3A_263] in [0] : vector<16xi32>, vector<16xi32> -> vector<16xi32>
      %ne3A_265 = arith.cmpi ne, %shift_right_arithmetic3A_255, %gather3A_264 : vector<16xi32>
      %eq3A_266 = arith.constant 15 : i32
      %eq3A_267 = vector.broadcast %eq3A_266 : i32 to vector<16xi32>
      %eq3A_268 = arith.cmpi eq, %iota3A, %eq3A_267 : vector<16xi32>
      %or3A_269 = arith.ori %ne3A_265, %eq3A_268 : vector<16xi1>
      %ge3A_270 = vector.broadcast %mul3A_4 : i32 to vector<16xi32>
      %ge3A_271 = arith.cmpi sge, %shift_right_arithmetic3A_255, %ge3A_270 : vector<16xi32>
      %lt3A_272 = vector.broadcast %min3A_7 : i32 to vector<16xi32>
      %lt3A_273 = arith.cmpi slt, %shift_right_arithmetic3A_255, %lt3A_272 : vector<16xi32>
      %and3A_274 = arith.andi %ge3A_271, %lt3A_273 : vector<16xi1>
      %sub3A_275 = vector.broadcast %mul3A_4 : i32 to vector<16xi32>
      %sub3A_276 = arith.subi %shift_right_arithmetic3A_255, %sub3A_275 : vector<16xi32>
      %and3A_277 = arith.andi %or3A_269, %and3A_274 : vector<16xi1>
      tpu.vector_store_idx %arg11[%sub3A_276], %masked_sort3A_251 masked %and3A_277 : memref<3136xi32, #tpu.memory_space<vmem>>[vector<16xi32>], vector<16xi32>, vector<16xi1>
      %mul3A_278 = arith.constant 4 : i32
      %mul3A_279 = arith.muli %scan3A_189, %mul3A_278 : i32
      %add3A_280 = arith.constant 2 : i32
      %add3A_281 = arith.addi %mul3A_279, %add3A_280 : i32
      %mul3A_282 = arith.constant 16 : i32
      %mul3A_283 = arith.muli %add3A_281, %mul3A_282 : i32
      %get3A_284 = arith.index_cast %mul3A_283 : i32 to index
      %get3A_285 = tpu.vector_load %arg10[%get3A_284] {strides = array<i32>} : memref<16384xi32, #tpu.memory_space<vmem>>, vector<16xi32>,
      %mul3A_286 = arith.constant 16 : i32
      %mul3A_287 = vector.broadcast %mul3A_286 : i32 to vector<16xi32>
      %mul3A_288 = arith.muli %get3A_285, %mul3A_287 : vector<16xi32>
      %add3A_289 = arith.addi %mul3A_288, %iota3A : vector<16xi32>
      %mul3A_290 = arith.constant 16 : i32
      %mul3A_291 = arith.muli %add3A_281, %mul3A_290 : i32
      %add3A_292 = vector.broadcast %mul3A_291 : i32 to vector<16xi32>
      %add3A_293 = arith.addi %add3A_292, %iota3A : vector<16xi32>
      %masked_sort3A_294 = arith.constant dense<true> : vector<16xi1>
      %masked_sort3A_295 = arith.constant -2147483648 : i32
      %masked_sort3A_296 = vector.broadcast %masked_sort3A_295 : i32 to vector<16xi32>
      %masked_sort3A_297 = arith.xori %add3A_289, %masked_sort3A_296 : vector<16xi32>
      %masked_sort3A_298, %masked_sort3A_299, %masked_sort3A_300 = tpu.sort %masked_sort3A_297, %add3A_293 masked %masked_sort3A_294 : (vector<16xi32>, vector<16xi32>, vector<16xi1>) -> (vector<16xi1>, vector<16xi32>, vector<16xi32>)
      %masked_sort3A_301 = arith.xori %masked_sort3A_299, %masked_sort3A_296 : vector<16xi32>
      %shift_right_arithmetic3A_302 = arith.constant 4 : i32
      %shift_right_arithmetic3A_303 = vector.broadcast %shift_right_arithmetic3A_302 : i32 to vector<16xi32>
      %shift_right_arithmetic3A_304 = arith.shrsi %masked_sort3A_301, %shift_right_arithmetic3A_303 : vector<16xi32>
      %add3A_305 = arith.constant 1 : i32
      %add3A_306 = vector.broadcast %add3A_305 : i32 to vector<16xi32>
      %add3A_307 = arith.addi %iota3A, %add3A_306 : vector<16xi32>
      %min3A_308 = arith.constant 15 : i32
      %min3A_309 = vector.broadcast %min3A_308 : i32 to vector<16xi32>
      %min3A_310 = arith.minsi %add3A_307, %min3A_309 : vector<16xi32>
      %broadcast_in_dim3A_311 = vector.shape_cast %min3A_310 : vector<16xi32> to vector<16x1xi32>
      %gather3A_312 = vector.shape_cast %broadcast_in_dim3A_311 : vector<16x1xi32> to vector<16xi32>
      %gather3A_313 = tpu.dynamic_gather %shift_right_arithmetic3A_304[%gather3A_312] in [0] : vector<16xi32>, vector<16xi32> -> vector<16xi32>
      %ne3A_314 = arith.cmpi ne, %shift_right_arithmetic3A_304, %gather3A_313 : vector<16xi32>
      %eq3A_315 = arith.constant 15 : i32
      %eq3A_316 = vector.broadcast %eq3A_315 : i32 to vector<16xi32>
      %eq3A_317 = arith.cmpi eq, %iota3A, %eq3A_316 : vector<16xi32>
      %or3A_318 = arith.ori %ne3A_314, %eq3A_317 : vector<16xi1>
      %ge3A_319 = vector.broadcast %mul3A_4 : i32 to vector<16xi32>
      %ge3A_320 = arith.cmpi sge, %shift_right_arithmetic3A_304, %ge3A_319 : vector<16xi32>
      %lt3A_321 = vector.broadcast %min3A_7 : i32 to vector<16xi32>
      %lt3A_322 = arith.cmpi slt, %shift_right_arithmetic3A_304, %lt3A_321 : vector<16xi32>
      %and3A_323 = arith.andi %ge3A_320, %lt3A_322 : vector<16xi1>
      %sub3A_324 = vector.broadcast %mul3A_4 : i32 to vector<16xi32>
      %sub3A_325 = arith.subi %shift_right_arithmetic3A_304, %sub3A_324 : vector<16xi32>
      %and3A_326 = arith.andi %or3A_318, %and3A_323 : vector<16xi1>
      tpu.vector_store_idx %arg11[%sub3A_325], %masked_sort3A_300 masked %and3A_326 : memref<3136xi32, #tpu.memory_space<vmem>>[vector<16xi32>], vector<16xi32>, vector<16xi1>
      %mul3A_327 = arith.constant 4 : i32
      %mul3A_328 = arith.muli %scan3A_189, %mul3A_327 : i32
      %add3A_329 = arith.constant 3 : i32
      %add3A_330 = arith.addi %mul3A_328, %add3A_329 : i32
      %mul3A_331 = arith.constant 16 : i32
      %mul3A_332 = arith.muli %add3A_330, %mul3A_331 : i32
      %get3A_333 = arith.index_cast %mul3A_332 : i32 to index
      %get3A_334 = tpu.vector_load %arg10[%get3A_333] {strides = array<i32>} : memref<16384xi32, #tpu.memory_space<vmem>>, vector<16xi32>,
      %mul3A_335 = arith.constant 16 : i32
      %mul3A_336 = vector.broadcast %mul3A_335 : i32 to vector<16xi32>
      %mul3A_337 = arith.muli %get3A_334, %mul3A_336 : vector<16xi32>
      %add3A_338 = arith.addi %mul3A_337, %iota3A : vector<16xi32>
      %mul3A_339 = arith.constant 16 : i32
      %mul3A_340 = arith.muli %add3A_330, %mul3A_339 : i32
      %add3A_341 = vector.broadcast %mul3A_340 : i32 to vector<16xi32>
      %add3A_342 = arith.addi %add3A_341, %iota3A : vector<16xi32>
      %masked_sort3A_343 = arith.constant dense<true> : vector<16xi1>
      %masked_sort3A_344 = arith.constant -2147483648 : i32
      %masked_sort3A_345 = vector.broadcast %masked_sort3A_344 : i32 to vector<16xi32>
      %masked_sort3A_346 = arith.xori %add3A_338, %masked_sort3A_345 : vector<16xi32>
      %masked_sort3A_347, %masked_sort3A_348, %masked_sort3A_349 = tpu.sort %masked_sort3A_346, %add3A_342 masked %masked_sort3A_343 : (vector<16xi32>, vector<16xi32>, vector<16xi1>) -> (vector<16xi1>, vector<16xi32>, vector<16xi32>)
      %masked_sort3A_350 = arith.xori %masked_sort3A_348, %masked_sort3A_345 : vector<16xi32>
      %shift_right_arithmetic3A_351 = arith.constant 4 : i32
      %shift_right_arithmetic3A_352 = vector.broadcast %shift_right_arithmetic3A_351 : i32 to vector<16xi32>
      %shift_right_arithmetic3A_353 = arith.shrsi %masked_sort3A_350, %shift_right_arithmetic3A_352 : vector<16xi32>
      %add3A_354 = arith.constant 1 : i32
      %add3A_355 = vector.broadcast %add3A_354 : i32 to vector<16xi32>
      %add3A_356 = arith.addi %iota3A, %add3A_355 : vector<16xi32>
      %min3A_357 = arith.constant 15 : i32
      %min3A_358 = vector.broadcast %min3A_357 : i32 to vector<16xi32>
      %min3A_359 = arith.minsi %add3A_356, %min3A_358 : vector<16xi32>
      %broadcast_in_dim3A_360 = vector.shape_cast %min3A_359 : vector<16xi32> to vector<16x1xi32>
      %gather3A_361 = vector.shape_cast %broadcast_in_dim3A_360 : vector<16x1xi32> to vector<16xi32>
      %gather3A_362 = tpu.dynamic_gather %shift_right_arithmetic3A_353[%gather3A_361] in [0] : vector<16xi32>, vector<16xi32> -> vector<16xi32>
      %ne3A_363 = arith.cmpi ne, %shift_right_arithmetic3A_353, %gather3A_362 : vector<16xi32>
      %eq3A_364 = arith.constant 15 : i32
      %eq3A_365 = vector.broadcast %eq3A_364 : i32 to vector<16xi32>
      %eq3A_366 = arith.cmpi eq, %iota3A, %eq3A_365 : vector<16xi32>
      %or3A_367 = arith.ori %ne3A_363, %eq3A_366 : vector<16xi1>
      %ge3A_368 = vector.broadcast %mul3A_4 : i32 to vector<16xi32>
      %ge3A_369 = arith.cmpi sge, %shift_right_arithmetic3A_353, %ge3A_368 : vector<16xi32>
      %lt3A_370 = vector.broadcast %min3A_7 : i32 to vector<16xi32>
      %lt3A_371 = arith.cmpi slt, %shift_right_arithmetic3A_353, %lt3A_370 : vector<16xi32>
      %and3A_372 = arith.andi %ge3A_369, %lt3A_371 : vector<16xi1>
      %sub3A_373 = vector.broadcast %mul3A_4 : i32 to vector<16xi32>
      %sub3A_374 = arith.subi %shift_right_arithmetic3A_353, %sub3A_373 : vector<16xi32>
      %and3A_375 = arith.andi %or3A_367, %and3A_372 : vector<16xi1>
      tpu.vector_store_idx %arg11[%sub3A_374], %masked_sort3A_349 masked %and3A_375 : memref<3136xi32, #tpu.memory_space<vmem>>[vector<16xi32>], vector<16xi32>, vector<16xi1>
      %scan3A_376 = arith.constant 0 : i32
      scf.yield %scan3A_376 : i32
    }
    %scan3A_43 = arith.constant 256 : i32
    %scan3A_44 = arith.constant 0 : i32
    %scan3A_45 = arith.constant 0 : i32
    %scan3A_46 = arith.constant 196 : i32
    %scan3A_47 = arith.addi %scan3A_45, %scan3A_46 : i32
    %scan3A_48 = arith.constant 1 : i32
    %scan3A_49 = scf.for %scan3A_189 = %scan3A_45 to %scan3A_47 step %scan3A_48 iter_args(%scan3A_190 = %scan3A_44) -> (i32)  : i32 {
      %mul3A_191 = arith.constant 16 : i32
      %mul3A_192 = arith.muli %scan3A_189, %mul3A_191 : i32
      %get3A = arith.index_cast %mul3A_192 : i32 to index
      %get3A_193 = tpu.vector_load %arg11[%get3A] {strides = array<i32>} : memref<3136xi32, #tpu.memory_space<vmem>>, vector<16xi32>,
      %ge3A = arith.constant 0 : i32
      %ge3A_194 = vector.broadcast %ge3A : i32 to vector<16xi32>
      %ge3A_195 = arith.cmpi sge, %get3A_193, %ge3A_194 : vector<16xi32>
      %mul3A_196 = arith.constant 16 : i32
      %mul3A_197 = arith.muli %scan3A_189, %mul3A_196 : i32
      %add3A_198 = arith.addi %mul3A_4, %mul3A_197 : i32
      %add3A_199 = vector.broadcast %add3A_198 : i32 to vector<16xi32>
      %add3A_200 = arith.addi %add3A_199, %iota3A : vector<16xi32>
      %swap3A_201 = arith.index_cast %scan3A_190 : i32 to index
      %swap3A_202 = tpu.vector_load %arg12[%swap3A_201] masked %ge3A_195 {strides = array<i32>} : memref<3328xi32, #tpu.memory_space<vmem>>, vector<16xi32>, vector<16xi1>
      tpu.vector_store %arg12[%swap3A_201], %add3A_200 masked %ge3A_195 {strides = array<i32>} : memref<3328xi32, #tpu.memory_space<vmem>>, vector<16xi32>, vector<16xi1>
      %swap3A_203 = arith.index_cast %scan3A_190 : i32 to index
      %swap3A_204 = tpu.vector_load %arg13[%swap3A_203] masked %ge3A_195 {strides = array<i32>} : memref<3328xi32, #tpu.memory_space<vmem>>, vector<16xi32>, vector<16xi1>
      tpu.vector_store %arg13[%swap3A_203], %get3A_193 masked %ge3A_195 {strides = array<i32>} : memref<3328xi32, #tpu.memory_space<vmem>>, vector<16xi32>, vector<16xi1>
      %convert_element_type3A_205 = arith.extui %ge3A_195 : vector<16xi1> to vector<16xi32>
      %reduce_sum3A = arith.constant true
      %reduce_sum3A_206 = vector.broadcast %reduce_sum3A : i1 to vector<16xi1>
      %reduce_sum3A_207 = tpu.scan <sum>, %convert_element_type3A_205 masked %reduce_sum3A_206 : vector<16xi32>, vector<16xi1> -> vector<16xi32>
      %reduce_sum3A_208 = vector.extract %reduce_sum3A_207[15] : i32 from vector<16xi32>
      %add3A_209 = arith.addi %scan3A_190, %reduce_sum3A_208 : i32
      scf.yield %add3A_209 : i32
    }
    %scan3A_50 = arith.constant 196 : i32
    %gt3A = arith.constant 0 : i32
    %gt3A_51 = arith.cmpi sgt, %scan3A_49, %gt3A : i32
    %convert_element_type3A = arith.extui %gt3A_51 : i1 to i32
    %cond3A = arith.constant 0 : i32
    %cond3A_52 = arith.cmpi ne, %convert_element_type3A, %cond3A : i32
    scf.if %cond3A_52 {
      %broadcast_in_dim3A_189 = arith.constant 0 : i32
      %broadcast_in_dim3A_190 = vector.broadcast %broadcast_in_dim3A_189 : i32 to vector<16xi32>
      %get3A = arith.constant 0 : index
      %get3A_191 = tpu.vector_load %arg12[%get3A] {strides = array<i32>} : memref<3328xi32, #tpu.memory_space<vmem>>, vector<16xi32>,
      %broadcast_in_dim3A_192 = vector.shape_cast %broadcast_in_dim3A_190 : vector<16xi32> to vector<16x1xi32>
      %gather3A = vector.shape_cast %broadcast_in_dim3A_192 : vector<16x1xi32> to vector<16xi32>
      %gather3A_193 = tpu.dynamic_gather %get3A_191[%gather3A] in [0] : vector<16xi32>, vector<16xi32> -> vector<16xi32>
      %get3A_194 = arith.constant 0 : index
      %get3A_195 = tpu.vector_load %arg13[%get3A_194] {strides = array<i32>} : memref<3328xi32, #tpu.memory_space<vmem>>, vector<16xi32>,
      %broadcast_in_dim3A_196 = vector.shape_cast %broadcast_in_dim3A_190 : vector<16xi32> to vector<16x1xi32>
      %gather3A_197 = vector.shape_cast %broadcast_in_dim3A_196 : vector<16x1xi32> to vector<16xi32>
      %gather3A_198 = tpu.dynamic_gather %get3A_195[%gather3A_197] in [0] : vector<16xi32>, vector<16xi32> -> vector<16xi32>
      %add3A_199 = arith.constant 0 : i32
      %add3A_200 = arith.addi %scan3A_49, %add3A_199 : i32
      %swap3A_201 = arith.index_cast %add3A_200 : i32 to index
      %swap3A_202 = tpu.vector_load %arg12[%swap3A_201] {strides = array<i32>} : memref<3328xi32, #tpu.memory_space<vmem>>, vector<16xi32>,
      tpu.vector_store %arg12[%swap3A_201], %gather3A_193 {strides = array<i32>} : memref<3328xi32, #tpu.memory_space<vmem>>, vector<16xi32>,
      %add3A_203 = arith.constant 0 : i32
      %add3A_204 = arith.addi %scan3A_49, %add3A_203 : i32
      %swap3A_205 = arith.index_cast %add3A_204 : i32 to index
      %swap3A_206 = tpu.vector_load %arg13[%swap3A_205] {strides = array<i32>} : memref<3328xi32, #tpu.memory_space<vmem>>, vector<16xi32>,
      tpu.vector_store %arg13[%swap3A_205], %gather3A_198 {strides = array<i32>} : memref<3328xi32, #tpu.memory_space<vmem>>, vector<16xi32>,
      %add3A_207 = arith.constant 16 : i32
      %add3A_208 = arith.addi %scan3A_49, %add3A_207 : i32
      %swap3A_209 = arith.index_cast %add3A_208 : i32 to index
      %swap3A_210 = tpu.vector_load %arg12[%swap3A_209] {strides = array<i32>} : memref<3328xi32, #tpu.memory_space<vmem>>, vector<16xi32>,
      tpu.vector_store %arg12[%swap3A_209], %gather3A_193 {strides = array<i32>} : memref<3328xi32, #tpu.memory_space<vmem>>, vector<16xi32>,
      %add3A_211 = arith.constant 16 : i32
      %add3A_212 = arith.addi %scan3A_49, %add3A_211 : i32
      %swap3A_213 = arith.index_cast %add3A_212 : i32 to index
      %swap3A_214 = tpu.vector_load %arg13[%swap3A_213] {strides = array<i32>} : memref<3328xi32, #tpu.memory_space<vmem>>, vector<16xi32>,
      tpu.vector_store %arg13[%swap3A_213], %gather3A_198 {strides = array<i32>} : memref<3328xi32, #tpu.memory_space<vmem>>, vector<16xi32>,
      %add3A_215 = arith.constant 32 : i32
      %add3A_216 = arith.addi %scan3A_49, %add3A_215 : i32
      %swap3A_217 = arith.index_cast %add3A_216 : i32 to index
      %swap3A_218 = tpu.vector_load %arg12[%swap3A_217] {strides = array<i32>} : memref<3328xi32, #tpu.memory_space<vmem>>, vector<16xi32>,
      tpu.vector_store %arg12[%swap3A_217], %gather3A_193 {strides = array<i32>} : memref<3328xi32, #tpu.memory_space<vmem>>, vector<16xi32>,
      %add3A_219 = arith.constant 32 : i32
      %add3A_220 = arith.addi %scan3A_49, %add3A_219 : i32
      %swap3A_221 = arith.index_cast %add3A_220 : i32 to index
      %swap3A_222 = tpu.vector_load %arg13[%swap3A_221] {strides = array<i32>} : memref<3328xi32, #tpu.memory_space<vmem>>, vector<16xi32>,
      tpu.vector_store %arg13[%swap3A_221], %gather3A_198 {strides = array<i32>} : memref<3328xi32, #tpu.memory_space<vmem>>, vector<16xi32>,
      %add3A_223 = arith.constant 48 : i32
      %add3A_224 = arith.addi %scan3A_49, %add3A_223 : i32
      %swap3A_225 = arith.index_cast %add3A_224 : i32 to index
      %swap3A_226 = tpu.vector_load %arg12[%swap3A_225] {strides = array<i32>} : memref<3328xi32, #tpu.memory_space<vmem>>, vector<16xi32>,
      tpu.vector_store %arg12[%swap3A_225], %gather3A_193 {strides = array<i32>} : memref<3328xi32, #tpu.memory_space<vmem>>, vector<16xi32>,
      %add3A_227 = arith.constant 48 : i32
      %add3A_228 = arith.addi %scan3A_49, %add3A_227 : i32
      %swap3A_229 = arith.index_cast %add3A_228 : i32 to index
      %swap3A_230 = tpu.vector_load %arg13[%swap3A_229] {strides = array<i32>} : memref<3328xi32, #tpu.memory_space<vmem>>, vector<16xi32>,
      tpu.vector_store %arg13[%swap3A_229], %gather3A_198 {strides = array<i32>} : memref<3328xi32, #tpu.memory_space<vmem>>, vector<16xi32>,
      %add3A_231 = arith.constant 64 : i32
      %add3A_232 = arith.addi %scan3A_49, %add3A_231 : i32
      %swap3A_233 = arith.index_cast %add3A_232 : i32 to index
      %swap3A_234 = tpu.vector_load %arg12[%swap3A_233] {strides = array<i32>} : memref<3328xi32, #tpu.memory_space<vmem>>, vector<16xi32>,
      tpu.vector_store %arg12[%swap3A_233], %gather3A_193 {strides = array<i32>} : memref<3328xi32, #tpu.memory_space<vmem>>, vector<16xi32>,
      %add3A_235 = arith.constant 64 : i32
      %add3A_236 = arith.addi %scan3A_49, %add3A_235 : i32
      %swap3A_237 = arith.index_cast %add3A_236 : i32 to index
      %swap3A_238 = tpu.vector_load %arg13[%swap3A_237] {strides = array<i32>} : memref<3328xi32, #tpu.memory_space<vmem>>, vector<16xi32>,
      tpu.vector_store %arg13[%swap3A_237], %gather3A_198 {strides = array<i32>} : memref<3328xi32, #tpu.memory_space<vmem>>, vector<16xi32>,
      %add3A_239 = arith.constant 80 : i32
      %add3A_240 = arith.addi %scan3A_49, %add3A_239 : i32
      %swap3A_241 = arith.index_cast %add3A_240 : i32 to index
      %swap3A_242 = tpu.vector_load %arg12[%swap3A_241] {strides = array<i32>} : memref<3328xi32, #tpu.memory_space<vmem>>, vector<16xi32>,
      tpu.vector_store %arg12[%swap3A_241], %gather3A_193 {strides = array<i32>} : memref<3328xi32, #tpu.memory_space<vmem>>, vector<16xi32>,
      %add3A_243 = arith.constant 80 : i32
      %add3A_244 = arith.addi %scan3A_49, %add3A_243 : i32
      %swap3A_245 = arith.index_cast %add3A_244 : i32 to index
      %swap3A_246 = tpu.vector_load %arg13[%swap3A_245] {strides = array<i32>} : memref<3328xi32, #tpu.memory_space<vmem>>, vector<16xi32>,
      tpu.vector_store %arg13[%swap3A_245], %gather3A_198 {strides = array<i32>} : memref<3328xi32, #tpu.memory_space<vmem>>, vector<16xi32>,
      %add3A_247 = arith.constant 96 : i32
      %add3A_248 = arith.addi %scan3A_49, %add3A_247 : i32
      %swap3A_249 = arith.index_cast %add3A_248 : i32 to index
      %swap3A_250 = tpu.vector_load %arg12[%swap3A_249] {strides = array<i32>} : memref<3328xi32, #tpu.memory_space<vmem>>, vector<16xi32>,
      tpu.vector_store %arg12[%swap3A_249], %gather3A_193 {strides = array<i32>} : memref<3328xi32, #tpu.memory_space<vmem>>, vector<16xi32>,
      %add3A_251 = arith.constant 96 : i32
      %add3A_252 = arith.addi %scan3A_49, %add3A_251 : i32
      %swap3A_253 = arith.index_cast %add3A_252 : i32 to index
      %swap3A_254 = tpu.vector_load %arg13[%swap3A_253] {strides = array<i32>} : memref<3328xi32, #tpu.memory_space<vmem>>, vector<16xi32>,
      tpu.vector_store %arg13[%swap3A_253], %gather3A_198 {strides = array<i32>} : memref<3328xi32, #tpu.memory_space<vmem>>, vector<16xi32>,
      %add3A_255 = arith.constant 112 : i32
      %add3A_256 = arith.addi %scan3A_49, %add3A_255 : i32
      %swap3A_257 = arith.index_cast %add3A_256 : i32 to index
      %swap3A_258 = tpu.vector_load %arg12[%swap3A_257] {strides = array<i32>} : memref<3328xi32, #tpu.memory_space<vmem>>, vector<16xi32>,
      tpu.vector_store %arg12[%swap3A_257], %gather3A_193 {strides = array<i32>} : memref<3328xi32, #tpu.memory_space<vmem>>, vector<16xi32>,
      %add3A_259 = arith.constant 112 : i32
      %add3A_260 = arith.addi %scan3A_49, %add3A_259 : i32
      %swap3A_261 = arith.index_cast %add3A_260 : i32 to index
      %swap3A_262 = tpu.vector_load %arg13[%swap3A_261] {strides = array<i32>} : memref<3328xi32, #tpu.memory_space<vmem>>, vector<16xi32>,
      tpu.vector_store %arg13[%swap3A_261], %gather3A_198 {strides = array<i32>} : memref<3328xi32, #tpu.memory_space<vmem>>, vector<16xi32>,
    } else {
    }
    %broadcast_in_dim3A = vector.broadcast %scan3A_49 : i32 to vector<16xi32>
    %swap3A = arith.constant 0 : index
    %swap3A_53 = tpu.vector_load %arg14[%swap3A] {strides = array<i32>} : memref<16xi32, #tpu.memory_space<vmem>>, vector<16xi32>,
    tpu.vector_store %arg14[%swap3A], %broadcast_in_dim3A {strides = array<i32>} : memref<16xi32, #tpu.memory_space<vmem>>, vector<16xi32>,
    "tpu.region"() ({
      %run_scoped3A = tpu.sem_alloc : memref<!tpu.dma_semaphore, #tpu.memory_space<semaphore_mem>>
      %dma_start3A_189 = arith.constant 0 : i32
      %dma_start3A_190 = tpu.memref_slice %arg7[%add3A, %dma_start3A_189] : memref<32x3328xi32, #tpu.memory_space<hbm>> -> memref<1x3328xi32, #tpu.memory_space<hbm>>
      %dma_start3A_191 = tpu.memref_squeeze %dma_start3A_190 : memref<1x3328xi32, #tpu.memory_space<hbm>> -> memref<3328xi32, #tpu.memory_space<hbm>>
      %dma_start3A_192 = arith.constant 0 : i32
      %dma_start3A_193 = tpu.memref_slice %arg7[%add3A, %dma_start3A_192] : memref<32x3328xi32, #tpu.memory_space<hbm>> -> memref<1x3328xi32, #tpu.memory_space<hbm>>
      %dma_start3A_194 = tpu.memref_squeeze %dma_start3A_193 : memref<1x3328xi32, #tpu.memory_space<hbm>> -> memref<3328xi32, #tpu.memory_space<hbm>>
      tpu.enqueue_dma source(%arg12 : memref<3328xi32, #tpu.memory_space<vmem>>) target(%dma_start3A_194 : memref<3328xi32, #tpu.memory_space<hbm>>) target_semaphore(%run_scoped3A : memref<!tpu.dma_semaphore, #tpu.memory_space<semaphore_mem>>)
      %dma_wait3A_195 = arith.constant 0 : i32
      %dma_wait3A_196 = tpu.memref_slice %arg7[%add3A, %dma_wait3A_195] : memref<32x3328xi32, #tpu.memory_space<hbm>> -> memref<1x3328xi32, #tpu.memory_space<hbm>>
      %dma_wait3A_197 = tpu.memref_squeeze %dma_wait3A_196 : memref<1x3328xi32, #tpu.memory_space<hbm>> -> memref<3328xi32, #tpu.memory_space<hbm>>
      %dma_wait3A_198 = arith.constant 0 : i32
      %dma_wait3A_199 = tpu.memref_slice %arg7[%add3A, %dma_wait3A_198] : memref<32x3328xi32, #tpu.memory_space<hbm>> -> memref<1x3328xi32, #tpu.memory_space<hbm>>
      %dma_wait3A_200 = tpu.memref_squeeze %dma_wait3A_199 : memref<1x3328xi32, #tpu.memory_space<hbm>> -> memref<3328xi32, #tpu.memory_space<hbm>>
      tpu.wait_dma2 semaphore(%run_scoped3A : memref<!tpu.dma_semaphore, #tpu.memory_space<semaphore_mem>>) src(%arg12 : memref<3328xi32, #tpu.memory_space<vmem>>) dst(%dma_wait3A_200 : memref<3328xi32, #tpu.memory_space<hbm>>)
      tpu.yield
    }) : () -> ()
    "tpu.region"() ({
      %run_scoped3A = tpu.sem_alloc : memref<!tpu.dma_semaphore, #tpu.memory_space<semaphore_mem>>
      %dma_start3A_189 = arith.constant 0 : i32
      %dma_start3A_190 = tpu.memref_slice %arg8[%add3A, %dma_start3A_189] : memref<32x3328xi32, #tpu.memory_space<hbm>> -> memref<1x3328xi32, #tpu.memory_space<hbm>>
      %dma_start3A_191 = tpu.memref_squeeze %dma_start3A_190 : memref<1x3328xi32, #tpu.memory_space<hbm>> -> memref<3328xi32, #tpu.memory_space<hbm>>
      %dma_start3A_192 = arith.constant 0 : i32
      %dma_start3A_193 = tpu.memref_slice %arg8[%add3A, %dma_start3A_192] : memref<32x3328xi32, #tpu.memory_space<hbm>> -> memref<1x3328xi32, #tpu.memory_space<hbm>>
      %dma_start3A_194 = tpu.memref_squeeze %dma_start3A_193 : memref<1x3328xi32, #tpu.memory_space<hbm>> -> memref<3328xi32, #tpu.memory_space<hbm>>
      tpu.enqueue_dma source(%arg13 : memref<3328xi32, #tpu.memory_space<vmem>>) target(%dma_start3A_194 : memref<3328xi32, #tpu.memory_space<hbm>>) target_semaphore(%run_scoped3A : memref<!tpu.dma_semaphore, #tpu.memory_space<semaphore_mem>>)
      %dma_wait3A_195 = arith.constant 0 : i32
      %dma_wait3A_196 = tpu.memref_slice %arg8[%add3A, %dma_wait3A_195] : memref<32x3328xi32, #tpu.memory_space<hbm>> -> memref<1x3328xi32, #tpu.memory_space<hbm>>
      %dma_wait3A_197 = tpu.memref_squeeze %dma_wait3A_196 : memref<1x3328xi32, #tpu.memory_space<hbm>> -> memref<3328xi32, #tpu.memory_space<hbm>>
      %dma_wait3A_198 = arith.constant 0 : i32
      %dma_wait3A_199 = tpu.memref_slice %arg8[%add3A, %dma_wait3A_198] : memref<32x3328xi32, #tpu.memory_space<hbm>> -> memref<1x3328xi32, #tpu.memory_space<hbm>>
      %dma_wait3A_200 = tpu.memref_squeeze %dma_wait3A_199 : memref<1x3328xi32, #tpu.memory_space<hbm>> -> memref<3328xi32, #tpu.memory_space<hbm>>
      tpu.wait_dma2 semaphore(%run_scoped3A : memref<!tpu.dma_semaphore, #tpu.memory_space<semaphore_mem>>) src(%arg13 : memref<3328xi32, #tpu.memory_space<vmem>>) dst(%dma_wait3A_200 : memref<3328xi32, #tpu.memory_space<hbm>>)
      tpu.yield
    }) : () -> ()
    "tpu.region"() ({
      %run_scoped3A = tpu.sem_alloc : memref<!tpu.dma_semaphore, #tpu.memory_space<semaphore_mem>>
      %dma_start3A_189 = arith.constant 0 : i32
      %dma_start3A_190 = tpu.memref_slice %arg9[%add3A, %dma_start3A_189] : memref<32x16xi32, #tpu.memory_space<hbm>> -> memref<1x16xi32, #tpu.memory_space<hbm>>
      %dma_start3A_191 = tpu.memref_squeeze %dma_start3A_190 : memref<1x16xi32, #tpu.memory_space<hbm>> -> memref<16xi32, #tpu.memory_space<hbm>>
      %dma_start3A_192 = arith.constant 0 : i32
      %dma_start3A_193 = tpu.memref_slice %arg9[%add3A, %dma_start3A_192] : memref<32x16xi32, #tpu.memory_space<hbm>> -> memref<1x16xi32, #tpu.memory_space<hbm>>
      %dma_start3A_194 = tpu.memref_squeeze %dma_start3A_193 : memref<1x16xi32, #tpu.memory_space<hbm>> -> memref<16xi32, #tpu.memory_space<hbm>>
      tpu.enqueue_dma source(%arg14 : memref<16xi32, #tpu.memory_space<vmem>>) target(%dma_start3A_194 : memref<16xi32, #tpu.memory_space<hbm>>) target_semaphore(%run_scoped3A : memref<!tpu.dma_semaphore, #tpu.memory_space<semaphore_mem>>)
      %dma_wait3A_195 = arith.constant 0 : i32
      %dma_wait3A_196 = tpu.memref_slice %arg9[%add3A, %dma_wait3A_195] : memref<32x16xi32, #tpu.memory_space<hbm>> -> memref<1x16xi32, #tpu.memory_space<hbm>>
      %dma_wait3A_197 = tpu.memref_squeeze %dma_wait3A_196 : memref<1x16xi32, #tpu.memory_space<hbm>> -> memref<16xi32, #tpu.memory_space<hbm>>
      %dma_wait3A_198 = arith.constant 0 : i32
      %dma_wait3A_199 = tpu.memref_slice %arg9[%add3A, %dma_wait3A_198] : memref<32x16xi32, #tpu.memory_space<hbm>> -> memref<1x16xi32, #tpu.memory_space<hbm>>
      %dma_wait3A_200 = tpu.memref_squeeze %dma_wait3A_199 : memref<1x16xi32, #tpu.memory_space<hbm>> -> memref<16xi32, #tpu.memory_space<hbm>>
      tpu.wait_dma2 semaphore(%run_scoped3A : memref<!tpu.dma_semaphore, #tpu.memory_space<semaphore_mem>>) src(%arg14 : memref<16xi32, #tpu.memory_space<vmem>>) dst(%dma_wait3A_200 : memref<16xi32, #tpu.memory_space<hbm>>)
      tpu.yield
    }) : () -> ()
    %dma_wait3A = tpu.memref_slice %arg10[%add3A_9] : memref<16384xi32, #tpu.memory_space<vmem>> -> memref<128xi32, #tpu.memory_space<vmem>>
    %dma_wait3A_54 = arith.constant 0 : i32
    %dma_wait3A_55 = arith.constant 0 : i32
    %dma_wait3A_56 = tpu.memref_slice %arg3[%dma_wait3A_54, %dma_wait3A_55] : memref<100000x128xf32, #tpu.memory_space<hbm>> -> memref<100000x128xf32, #tpu.memory_space<hbm>>
    tpu.wait_indirect_dma semaphore(%arg19 : memref<!tpu.dma_semaphore, #tpu.memory_space<semaphore_mem>>) src(%dma_wait3A_56 : memref<100000x128xf32, #tpu.memory_space<hbm>>) dst(%arg15 : memref<128x128xf32, #tpu.memory_space<vmem>>)
    %add3A_57 = arith.constant 0 : i32
    %add3A_58 = arith.addi %mul3A_2, %add3A_57 : i32
    %dma_start3A_59 = arith.constant 0 : i32
    %dma_start3A_60 = tpu.memref_slice %arg5[%add3A_58, %dma_start3A_59] : memref<16384x128xf32, #tpu.memory_space<hbm>> -> memref<128x128xf32, #tpu.memory_space<hbm>>
    %dma_start3A_61 = arith.constant 0 : i32
    %dma_start3A_62 = tpu.memref_slice %arg5[%add3A_58, %dma_start3A_61] : memref<16384x128xf32, #tpu.memory_space<hbm>> -> memref<128x128xf32, #tpu.memory_space<hbm>>
    tpu.enqueue_dma source(%arg15 : memref<128x128xf32, #tpu.memory_space<vmem>>) target(%dma_start3A_62 : memref<128x128xf32, #tpu.memory_space<hbm>>) target_semaphore(%arg23 : memref<!tpu.dma_semaphore, #tpu.memory_space<semaphore_mem>>)
    %dma_wait3A_63 = tpu.memref_slice %arg10[%add3A_20] : memref<16384xi32, #tpu.memory_space<vmem>> -> memref<128xi32, #tpu.memory_space<vmem>>
    %dma_wait3A_64 = arith.constant 0 : i32
    %dma_wait3A_65 = arith.constant 0 : i32
    %dma_wait3A_66 = tpu.memref_slice %arg4[%dma_wait3A_64, %dma_wait3A_65] : memref<100000x128xf32, #tpu.memory_space<hbm>> -> memref<100000x128xf32, #tpu.memory_space<hbm>>
    tpu.wait_indirect_dma semaphore(%arg21 : memref<!tpu.dma_semaphore, #tpu.memory_space<semaphore_mem>>) src(%dma_wait3A_66 : memref<100000x128xf32, #tpu.memory_space<hbm>>) dst(%arg17 : memref<128x128xf32, #tpu.memory_space<vmem>>)
    %add3A_67 = arith.constant 0 : i32
    %add3A_68 = arith.addi %mul3A_2, %add3A_67 : i32
    %dma_start3A_69 = arith.constant 0 : i32
    %dma_start3A_70 = tpu.memref_slice %arg6[%add3A_68, %dma_start3A_69] : memref<16384x128xf32, #tpu.memory_space<hbm>> -> memref<128x128xf32, #tpu.memory_space<hbm>>
    %dma_start3A_71 = arith.constant 0 : i32
    %dma_start3A_72 = tpu.memref_slice %arg6[%add3A_68, %dma_start3A_71] : memref<16384x128xf32, #tpu.memory_space<hbm>> -> memref<128x128xf32, #tpu.memory_space<hbm>>
    tpu.enqueue_dma source(%arg17 : memref<128x128xf32, #tpu.memory_space<vmem>>) target(%dma_start3A_72 : memref<128x128xf32, #tpu.memory_space<hbm>>) target_semaphore(%arg25 : memref<!tpu.dma_semaphore, #tpu.memory_space<semaphore_mem>>)
    %dma_wait3A_73 = tpu.memref_slice %arg10[%add3A_14] : memref<16384xi32, #tpu.memory_space<vmem>> -> memref<128xi32, #tpu.memory_space<vmem>>
    %dma_wait3A_74 = arith.constant 0 : i32
    %dma_wait3A_75 = arith.constant 0 : i32
    %dma_wait3A_76 = tpu.memref_slice %arg3[%dma_wait3A_74, %dma_wait3A_75] : memref<100000x128xf32, #tpu.memory_space<hbm>> -> memref<100000x128xf32, #tpu.memory_space<hbm>>
    tpu.wait_indirect_dma semaphore(%arg20 : memref<!tpu.dma_semaphore, #tpu.memory_space<semaphore_mem>>) src(%dma_wait3A_76 : memref<100000x128xf32, #tpu.memory_space<hbm>>) dst(%arg16 : memref<128x128xf32, #tpu.memory_space<vmem>>)
    %add3A_77 = arith.constant 128 : i32
    %add3A_78 = arith.addi %mul3A_2, %add3A_77 : i32
    %dma_start3A_79 = arith.constant 0 : i32
    %dma_start3A_80 = tpu.memref_slice %arg5[%add3A_78, %dma_start3A_79] : memref<16384x128xf32, #tpu.memory_space<hbm>> -> memref<128x128xf32, #tpu.memory_space<hbm>>
    %dma_start3A_81 = arith.constant 0 : i32
    %dma_start3A_82 = tpu.memref_slice %arg5[%add3A_78, %dma_start3A_81] : memref<16384x128xf32, #tpu.memory_space<hbm>> -> memref<128x128xf32, #tpu.memory_space<hbm>>
    tpu.enqueue_dma source(%arg16 : memref<128x128xf32, #tpu.memory_space<vmem>>) target(%dma_start3A_82 : memref<128x128xf32, #tpu.memory_space<hbm>>) target_semaphore(%arg24 : memref<!tpu.dma_semaphore, #tpu.memory_space<semaphore_mem>>)
    %dma_wait3A_83 = tpu.memref_slice %arg10[%add3A_26] : memref<16384xi32, #tpu.memory_space<vmem>> -> memref<128xi32, #tpu.memory_space<vmem>>
    %dma_wait3A_84 = arith.constant 0 : i32
    %dma_wait3A_85 = arith.constant 0 : i32
    %dma_wait3A_86 = tpu.memref_slice %arg4[%dma_wait3A_84, %dma_wait3A_85] : memref<100000x128xf32, #tpu.memory_space<hbm>> -> memref<100000x128xf32, #tpu.memory_space<hbm>>
    tpu.wait_indirect_dma semaphore(%arg22 : memref<!tpu.dma_semaphore, #tpu.memory_space<semaphore_mem>>) src(%dma_wait3A_86 : memref<100000x128xf32, #tpu.memory_space<hbm>>) dst(%arg18 : memref<128x128xf32, #tpu.memory_space<vmem>>)
    %add3A_87 = arith.constant 128 : i32
    %add3A_88 = arith.addi %mul3A_2, %add3A_87 : i32
    %dma_start3A_89 = arith.constant 0 : i32
    %dma_start3A_90 = tpu.memref_slice %arg6[%add3A_88, %dma_start3A_89] : memref<16384x128xf32, #tpu.memory_space<hbm>> -> memref<128x128xf32, #tpu.memory_space<hbm>>
    %dma_start3A_91 = arith.constant 0 : i32
    %dma_start3A_92 = tpu.memref_slice %arg6[%add3A_88, %dma_start3A_91] : memref<16384x128xf32, #tpu.memory_space<hbm>> -> memref<128x128xf32, #tpu.memory_space<hbm>>
    tpu.enqueue_dma source(%arg18 : memref<128x128xf32, #tpu.memory_space<vmem>>) target(%dma_start3A_92 : memref<128x128xf32, #tpu.memory_space<hbm>>) target_semaphore(%arg26 : memref<!tpu.dma_semaphore, #tpu.memory_space<semaphore_mem>>)
    %dma_wait3A_93 = arith.constant 0 : i32
    %dma_wait3A_94 = tpu.memref_slice %arg5[%add3A_58, %dma_wait3A_93] : memref<16384x128xf32, #tpu.memory_space<hbm>> -> memref<128x128xf32, #tpu.memory_space<hbm>>
    %dma_wait3A_95 = arith.constant 0 : i32
    %dma_wait3A_96 = tpu.memref_slice %arg5[%add3A_58, %dma_wait3A_95] : memref<16384x128xf32, #tpu.memory_space<hbm>> -> memref<128x128xf32, #tpu.memory_space<hbm>>
    tpu.wait_dma2 semaphore(%arg23 : memref<!tpu.dma_semaphore, #tpu.memory_space<semaphore_mem>>) src(%arg15 : memref<128x128xf32, #tpu.memory_space<vmem>>) dst(%dma_wait3A_96 : memref<128x128xf32, #tpu.memory_space<hbm>>)
    %add3A_97 = arith.constant 256 : i32
    %add3A_98 = arith.addi %mul3A_2, %add3A_97 : i32
    %dma_start3A_99 = tpu.memref_slice %arg10[%add3A_98] : memref<16384xi32, #tpu.memory_space<vmem>> -> memref<128xi32, #tpu.memory_space<vmem>>
    %dma_start3A_100 = arith.constant 0 : i32
    %dma_start3A_101 = arith.constant 0 : i32
    %dma_start3A_102 = tpu.memref_slice %arg3[%dma_start3A_100, %dma_start3A_101] : memref<100000x128xf32, #tpu.memory_space<hbm>> -> memref<100000x128xf32, #tpu.memory_space<hbm>>
    tpu.enqueue_indirect_dma source(%dma_start3A_102 : memref<100000x128xf32, #tpu.memory_space<hbm>>) target(%arg15 : memref<128x128xf32, #tpu.memory_space<vmem>>) offsets(%dma_start3A_99 : memref<128xi32, #tpu.memory_space<vmem>>) semaphore(%arg19 : memref<!tpu.dma_semaphore, #tpu.memory_space<semaphore_mem>>)
    %dma_wait3A_103 = arith.constant 0 : i32
    %dma_wait3A_104 = tpu.memref_slice %arg6[%add3A_68, %dma_wait3A_103] : memref<16384x128xf32, #tpu.memory_space<hbm>> -> memref<128x128xf32, #tpu.memory_space<hbm>>
    %dma_wait3A_105 = arith.constant 0 : i32
    %dma_wait3A_106 = tpu.memref_slice %arg6[%add3A_68, %dma_wait3A_105] : memref<16384x128xf32, #tpu.memory_space<hbm>> -> memref<128x128xf32, #tpu.memory_space<hbm>>
    tpu.wait_dma2 semaphore(%arg25 : memref<!tpu.dma_semaphore, #tpu.memory_space<semaphore_mem>>) src(%arg17 : memref<128x128xf32, #tpu.memory_space<vmem>>) dst(%dma_wait3A_106 : memref<128x128xf32, #tpu.memory_space<hbm>>)
    %add3A_107 = arith.constant 256 : i32
    %add3A_108 = arith.addi %mul3A_2, %add3A_107 : i32
    %dma_start3A_109 = tpu.memref_slice %arg10[%add3A_108] : memref<16384xi32, #tpu.memory_space<vmem>> -> memref<128xi32, #tpu.memory_space<vmem>>
    %dma_start3A_110 = arith.constant 0 : i32
    %dma_start3A_111 = arith.constant 0 : i32
    %dma_start3A_112 = tpu.memref_slice %arg4[%dma_start3A_110, %dma_start3A_111] : memref<100000x128xf32, #tpu.memory_space<hbm>> -> memref<100000x128xf32, #tpu.memory_space<hbm>>
    tpu.enqueue_indirect_dma source(%dma_start3A_112 : memref<100000x128xf32, #tpu.memory_space<hbm>>) target(%arg17 : memref<128x128xf32, #tpu.memory_space<vmem>>) offsets(%dma_start3A_109 : memref<128xi32, #tpu.memory_space<vmem>>) semaphore(%arg21 : memref<!tpu.dma_semaphore, #tpu.memory_space<semaphore_mem>>)
    %dma_wait3A_113 = arith.constant 0 : i32
    %dma_wait3A_114 = tpu.memref_slice %arg5[%add3A_78, %dma_wait3A_113] : memref<16384x128xf32, #tpu.memory_space<hbm>> -> memref<128x128xf32, #tpu.memory_space<hbm>>
    %dma_wait3A_115 = arith.constant 0 : i32
    %dma_wait3A_116 = tpu.memref_slice %arg5[%add3A_78, %dma_wait3A_115] : memref<16384x128xf32, #tpu.memory_space<hbm>> -> memref<128x128xf32, #tpu.memory_space<hbm>>
    tpu.wait_dma2 semaphore(%arg24 : memref<!tpu.dma_semaphore, #tpu.memory_space<semaphore_mem>>) src(%arg16 : memref<128x128xf32, #tpu.memory_space<vmem>>) dst(%dma_wait3A_116 : memref<128x128xf32, #tpu.memory_space<hbm>>)
    %add3A_117 = arith.constant 384 : i32
    %add3A_118 = arith.addi %mul3A_2, %add3A_117 : i32
    %dma_start3A_119 = tpu.memref_slice %arg10[%add3A_118] : memref<16384xi32, #tpu.memory_space<vmem>> -> memref<128xi32, #tpu.memory_space<vmem>>
    %dma_start3A_120 = arith.constant 0 : i32
    %dma_start3A_121 = arith.constant 0 : i32
    %dma_start3A_122 = tpu.memref_slice %arg3[%dma_start3A_120, %dma_start3A_121] : memref<100000x128xf32, #tpu.memory_space<hbm>> -> memref<100000x128xf32, #tpu.memory_space<hbm>>
    tpu.enqueue_indirect_dma source(%dma_start3A_122 : memref<100000x128xf32, #tpu.memory_space<hbm>>) target(%arg16 : memref<128x128xf32, #tpu.memory_space<vmem>>) offsets(%dma_start3A_119 : memref<128xi32, #tpu.memory_space<vmem>>) semaphore(%arg20 : memref<!tpu.dma_semaphore, #tpu.memory_space<semaphore_mem>>)
    %dma_wait3A_123 = arith.constant 0 : i32
    %dma_wait3A_124 = tpu.memref_slice %arg6[%add3A_88, %dma_wait3A_123] : memref<16384x128xf32, #tpu.memory_space<hbm>> -> memref<128x128xf32, #tpu.memory_space<hbm>>
    %dma_wait3A_125 = arith.constant 0 : i32
    %dma_wait3A_126 = tpu.memref_slice %arg6[%add3A_88, %dma_wait3A_125] : memref<16384x128xf32, #tpu.memory_space<hbm>> -> memref<128x128xf32, #tpu.memory_space<hbm>>
    tpu.wait_dma2 semaphore(%arg26 : memref<!tpu.dma_semaphore, #tpu.memory_space<semaphore_mem>>) src(%arg18 : memref<128x128xf32, #tpu.memory_space<vmem>>) dst(%dma_wait3A_126 : memref<128x128xf32, #tpu.memory_space<hbm>>)
    %add3A_127 = arith.constant 384 : i32
    %add3A_128 = arith.addi %mul3A_2, %add3A_127 : i32
    %dma_start3A_129 = tpu.memref_slice %arg10[%add3A_128] : memref<16384xi32, #tpu.memory_space<vmem>> -> memref<128xi32, #tpu.memory_space<vmem>>
    %dma_start3A_130 = arith.constant 0 : i32
    %dma_start3A_131 = arith.constant 0 : i32
    %dma_start3A_132 = tpu.memref_slice %arg4[%dma_start3A_130, %dma_start3A_131] : memref<100000x128xf32, #tpu.memory_space<hbm>> -> memref<100000x128xf32, #tpu.memory_space<hbm>>
    tpu.enqueue_indirect_dma source(%dma_start3A_132 : memref<100000x128xf32, #tpu.memory_space<hbm>>) target(%arg18 : memref<128x128xf32, #tpu.memory_space<vmem>>) offsets(%dma_start3A_129 : memref<128xi32, #tpu.memory_space<vmem>>) semaphore(%arg22 : memref<!tpu.dma_semaphore, #tpu.memory_space<semaphore_mem>>)
    %dma_wait3A_133 = tpu.memref_slice %arg10[%add3A_98] : memref<16384xi32, #tpu.memory_space<vmem>> -> memref<128xi32, #tpu.memory_space<vmem>>
    %dma_wait3A_134 = arith.constant 0 : i32
    %dma_wait3A_135 = arith.constant 0 : i32
    %dma_wait3A_136 = tpu.memref_slice %arg3[%dma_wait3A_134, %dma_wait3A_135] : memref<100000x128xf32, #tpu.memory_space<hbm>> -> memref<100000x128xf32, #tpu.memory_space<hbm>>
    tpu.wait_indirect_dma semaphore(%arg19 : memref<!tpu.dma_semaphore, #tpu.memory_space<semaphore_mem>>) src(%dma_wait3A_136 : memref<100000x128xf32, #tpu.memory_space<hbm>>) dst(%arg15 : memref<128x128xf32, #tpu.memory_space<vmem>>)
    %add3A_137 = arith.constant 256 : i32
    %add3A_138 = arith.addi %mul3A_2, %add3A_137 : i32
    %dma_start3A_139 = arith.constant 0 : i32
    %dma_start3A_140 = tpu.memref_slice %arg5[%add3A_138, %dma_start3A_139] : memref<16384x128xf32, #tpu.memory_space<hbm>> -> memref<128x128xf32, #tpu.memory_space<hbm>>
    %dma_start3A_141 = arith.constant 0 : i32
    %dma_start3A_142 = tpu.memref_slice %arg5[%add3A_138, %dma_start3A_141] : memref<16384x128xf32, #tpu.memory_space<hbm>> -> memref<128x128xf32, #tpu.memory_space<hbm>>
    tpu.enqueue_dma source(%arg15 : memref<128x128xf32, #tpu.memory_space<vmem>>) target(%dma_start3A_142 : memref<128x128xf32, #tpu.memory_space<hbm>>) target_semaphore(%arg23 : memref<!tpu.dma_semaphore, #tpu.memory_space<semaphore_mem>>)
    %dma_wait3A_143 = tpu.memref_slice %arg10[%add3A_108] : memref<16384xi32, #tpu.memory_space<vmem>> -> memref<128xi32, #tpu.memory_space<vmem>>
    %dma_wait3A_144 = arith.constant 0 : i32
    %dma_wait3A_145 = arith.constant 0 : i32
    %dma_wait3A_146 = tpu.memref_slice %arg4[%dma_wait3A_144, %dma_wait3A_145] : memref<100000x128xf32, #tpu.memory_space<hbm>> -> memref<100000x128xf32, #tpu.memory_space<hbm>>
    tpu.wait_indirect_dma semaphore(%arg21 : memref<!tpu.dma_semaphore, #tpu.memory_space<semaphore_mem>>) src(%dma_wait3A_146 : memref<100000x128xf32, #tpu.memory_space<hbm>>) dst(%arg17 : memref<128x128xf32, #tpu.memory_space<vmem>>)
    %add3A_147 = arith.constant 256 : i32
    %add3A_148 = arith.addi %mul3A_2, %add3A_147 : i32
    %dma_start3A_149 = arith.constant 0 : i32
    %dma_start3A_150 = tpu.memref_slice %arg6[%add3A_148, %dma_start3A_149] : memref<16384x128xf32, #tpu.memory_space<hbm>> -> memref<128x128xf32, #tpu.memory_space<hbm>>
    %dma_start3A_151 = arith.constant 0 : i32
    %dma_start3A_152 = tpu.memref_slice %arg6[%add3A_148, %dma_start3A_151] : memref<16384x128xf32, #tpu.memory_space<hbm>> -> memref<128x128xf32, #tpu.memory_space<hbm>>
    tpu.enqueue_dma source(%arg17 : memref<128x128xf32, #tpu.memory_space<vmem>>) target(%dma_start3A_152 : memref<128x128xf32, #tpu.memory_space<hbm>>) target_semaphore(%arg25 : memref<!tpu.dma_semaphore, #tpu.memory_space<semaphore_mem>>)
    %dma_wait3A_153 = tpu.memref_slice %arg10[%add3A_118] : memref<16384xi32, #tpu.memory_space<vmem>> -> memref<128xi32, #tpu.memory_space<vmem>>
    %dma_wait3A_154 = arith.constant 0 : i32
    %dma_wait3A_155 = arith.constant 0 : i32
    %dma_wait3A_156 = tpu.memref_slice %arg3[%dma_wait3A_154, %dma_wait3A_155] : memref<100000x128xf32, #tpu.memory_space<hbm>> -> memref<100000x128xf32, #tpu.memory_space<hbm>>
    tpu.wait_indirect_dma semaphore(%arg20 : memref<!tpu.dma_semaphore, #tpu.memory_space<semaphore_mem>>) src(%dma_wait3A_156 : memref<100000x128xf32, #tpu.memory_space<hbm>>) dst(%arg16 : memref<128x128xf32, #tpu.memory_space<vmem>>)
    %add3A_157 = arith.constant 384 : i32
    %add3A_158 = arith.addi %mul3A_2, %add3A_157 : i32
    %dma_start3A_159 = arith.constant 0 : i32
    %dma_start3A_160 = tpu.memref_slice %arg5[%add3A_158, %dma_start3A_159] : memref<16384x128xf32, #tpu.memory_space<hbm>> -> memref<128x128xf32, #tpu.memory_space<hbm>>
    %dma_start3A_161 = arith.constant 0 : i32
    %dma_start3A_162 = tpu.memref_slice %arg5[%add3A_158, %dma_start3A_161] : memref<16384x128xf32, #tpu.memory_space<hbm>> -> memref<128x128xf32, #tpu.memory_space<hbm>>
    tpu.enqueue_dma source(%arg16 : memref<128x128xf32, #tpu.memory_space<vmem>>) target(%dma_start3A_162 : memref<128x128xf32, #tpu.memory_space<hbm>>) target_semaphore(%arg24 : memref<!tpu.dma_semaphore, #tpu.memory_space<semaphore_mem>>)
    %dma_wait3A_163 = tpu.memref_slice %arg10[%add3A_128] : memref<16384xi32, #tpu.memory_space<vmem>> -> memref<128xi32, #tpu.memory_space<vmem>>
    %dma_wait3A_164 = arith.constant 0 : i32
    %dma_wait3A_165 = arith.constant 0 : i32
    %dma_wait3A_166 = tpu.memref_slice %arg4[%dma_wait3A_164, %dma_wait3A_165] : memref<100000x128xf32, #tpu.memory_space<hbm>> -> memref<100000x128xf32, #tpu.memory_space<hbm>>
    tpu.wait_indirect_dma semaphore(%arg22 : memref<!tpu.dma_semaphore, #tpu.memory_space<semaphore_mem>>) src(%dma_wait3A_166 : memref<100000x128xf32, #tpu.memory_space<hbm>>) dst(%arg18 : memref<128x128xf32, #tpu.memory_space<vmem>>)
    %add3A_167 = arith.constant 384 : i32
    %add3A_168 = arith.addi %mul3A_2, %add3A_167 : i32
    %dma_start3A_169 = arith.constant 0 : i32
    %dma_start3A_170 = tpu.memref_slice %arg6[%add3A_168, %dma_start3A_169] : memref<16384x128xf32, #tpu.memory_space<hbm>> -> memref<128x128xf32, #tpu.memory_space<hbm>>
    %dma_start3A_171 = arith.constant 0 : i32
    %dma_start3A_172 = tpu.memref_slice %arg6[%add3A_168, %dma_start3A_171] : memref<16384x128xf32, #tpu.memory_space<hbm>> -> memref<128x128xf32, #tpu.memory_space<hbm>>
    tpu.enqueue_dma source(%arg18 : memref<128x128xf32, #tpu.memory_space<vmem>>) target(%dma_start3A_172 : memref<128x128xf32, #tpu.memory_space<hbm>>) target_semaphore(%arg26 : memref<!tpu.dma_semaphore, #tpu.memory_space<semaphore_mem>>)
    %dma_wait3A_173 = arith.constant 0 : i32
    %dma_wait3A_174 = tpu.memref_slice %arg5[%add3A_138, %dma_wait3A_173] : memref<16384x128xf32, #tpu.memory_space<hbm>> -> memref<128x128xf32, #tpu.memory_space<hbm>>
    %dma_wait3A_175 = arith.constant 0 : i32
    %dma_wait3A_176 = tpu.memref_slice %arg5[%add3A_138, %dma_wait3A_175] : memref<16384x128xf32, #tpu.memory_space<hbm>> -> memref<128x128xf32, #tpu.memory_space<hbm>>
    tpu.wait_dma2 semaphore(%arg23 : memref<!tpu.dma_semaphore, #tpu.memory_space<semaphore_mem>>) src(%arg15 : memref<128x128xf32, #tpu.memory_space<vmem>>) dst(%dma_wait3A_176 : memref<128x128xf32, #tpu.memory_space<hbm>>)
    %dma_wait3A_177 = arith.constant 0 : i32
    %dma_wait3A_178 = tpu.memref_slice %arg6[%add3A_148, %dma_wait3A_177] : memref<16384x128xf32, #tpu.memory_space<hbm>> -> memref<128x128xf32, #tpu.memory_space<hbm>>
    %dma_wait3A_179 = arith.constant 0 : i32
    %dma_wait3A_180 = tpu.memref_slice %arg6[%add3A_148, %dma_wait3A_179] : memref<16384x128xf32, #tpu.memory_space<hbm>> -> memref<128x128xf32, #tpu.memory_space<hbm>>
    tpu.wait_dma2 semaphore(%arg25 : memref<!tpu.dma_semaphore, #tpu.memory_space<semaphore_mem>>) src(%arg17 : memref<128x128xf32, #tpu.memory_space<vmem>>) dst(%dma_wait3A_180 : memref<128x128xf32, #tpu.memory_space<hbm>>)
    %dma_wait3A_181 = arith.constant 0 : i32
    %dma_wait3A_182 = tpu.memref_slice %arg5[%add3A_158, %dma_wait3A_181] : memref<16384x128xf32, #tpu.memory_space<hbm>> -> memref<128x128xf32, #tpu.memory_space<hbm>>
    %dma_wait3A_183 = arith.constant 0 : i32
    %dma_wait3A_184 = tpu.memref_slice %arg5[%add3A_158, %dma_wait3A_183] : memref<16384x128xf32, #tpu.memory_space<hbm>> -> memref<128x128xf32, #tpu.memory_space<hbm>>
    tpu.wait_dma2 semaphore(%arg24 : memref<!tpu.dma_semaphore, #tpu.memory_space<semaphore_mem>>) src(%arg16 : memref<128x128xf32, #tpu.memory_space<vmem>>) dst(%dma_wait3A_184 : memref<128x128xf32, #tpu.memory_space<hbm>>)
    %dma_wait3A_185 = arith.constant 0 : i32
    %dma_wait3A_186 = tpu.memref_slice %arg6[%add3A_168, %dma_wait3A_185] : memref<16384x128xf32, #tpu.memory_space<hbm>> -> memref<128x128xf32, #tpu.memory_space<hbm>>
    %dma_wait3A_187 = arith.constant 0 : i32
    %dma_wait3A_188 = tpu.memref_slice %arg6[%add3A_168, %dma_wait3A_187] : memref<16384x128xf32, #tpu.memory_space<hbm>> -> memref<128x128xf32, #tpu.memory_space<hbm>>
    tpu.wait_dma2 semaphore(%arg26 : memref<!tpu.dma_semaphore, #tpu.memory_space<semaphore_mem>>) src(%arg18 : memref<128x128xf32, #tpu.memory_space<vmem>>) dst(%dma_wait3A_188 : memref<128x128xf32, #tpu.memory_space<hbm>>)
    return
  }
}

#map = affine_map<(d0, d1) -> (0, 0)>
module attributes {stable_mosaic.version = 14 : i64} {
  func.func @_sc_scatter_body(%arg0: i32, %arg1: i32, %arg2: memref<16384x128xf32, #tpu.memory_space<hbm>>, %arg3: memref<16384x128xf32, #tpu.memory_space<hbm>>, %arg4: memref<32x3328xi32, #tpu.memory_space<hbm>>, %arg5: memref<32x3328xi32, #tpu.memory_space<hbm>>, %arg6: memref<32x16xi32, #tpu.memory_space<hbm>>, %arg7: memref<200000x128xf32, #tpu.memory_space<hbm>>, %arg8: memref<200000x128xf32, #tpu.memory_space<hbm>>, %arg9: memref<3328xi32, #tpu.memory_space<vmem>>, %arg10: memref<3328xi32, #tpu.memory_space<vmem>>, %arg11: memref<16xi32, #tpu.memory_space<vmem>>, %arg12: memref<128x128xf32, #tpu.memory_space<vmem>>, %arg13: memref<128x128xf32, #tpu.memory_space<vmem>>, %arg14: memref<!tpu.dma_semaphore, #tpu.memory_space<semaphore_mem>>, %arg15: memref<!tpu.dma_semaphore, #tpu.memory_space<semaphore_mem>>) attributes {dimension_semantics = [#tpu.dimension_semantics<core_parallel>, #tpu.dimension_semantics<subcore_parallel>], iteration_bounds = array<i64: 2, 16>, scalar_prefetch = 0 : i64, scratch_operands = 7 : i64, tpu.core_type = #tpu.core_type<sc_vector_subcore>, window_params = [{transform_indices = #map}, {transform_indices = #map}, {transform_indices = #map}, {transform_indices = #map}, {transform_indices = #map}, {transform_indices = #map}, {transform_indices = #map}]} {
    %mul3A = arith.constant 16 : i32
    %mul3A_0 = arith.muli %arg0, %mul3A : i32
    %add3A = arith.addi %mul3A_0, %arg1 : i32
    %dma_start3A = arith.constant 0 : i32
    %dma_start3A_1 = tpu.memref_slice %arg4[%add3A, %dma_start3A] : memref<32x3328xi32, #tpu.memory_space<hbm>> -> memref<1x3328xi32, #tpu.memory_space<hbm>>
    %dma_start3A_2 = tpu.memref_squeeze %dma_start3A_1 : memref<1x3328xi32, #tpu.memory_space<hbm>> -> memref<3328xi32, #tpu.memory_space<hbm>>
    %dma_start3A_3 = arith.constant 0 : i32
    %dma_start3A_4 = tpu.memref_slice %arg4[%add3A, %dma_start3A_3] : memref<32x3328xi32, #tpu.memory_space<hbm>> -> memref<1x3328xi32, #tpu.memory_space<hbm>>
    %dma_start3A_5 = tpu.memref_squeeze %dma_start3A_4 : memref<1x3328xi32, #tpu.memory_space<hbm>> -> memref<3328xi32, #tpu.memory_space<hbm>>
    tpu.enqueue_dma source(%dma_start3A_5 : memref<3328xi32, #tpu.memory_space<hbm>>) target(%arg9 : memref<3328xi32, #tpu.memory_space<vmem>>) target_semaphore(%arg14 : memref<!tpu.dma_semaphore, #tpu.memory_space<semaphore_mem>>)
    %dma_start3A_6 = arith.constant 0 : i32
    %dma_start3A_7 = tpu.memref_slice %arg5[%add3A, %dma_start3A_6] : memref<32x3328xi32, #tpu.memory_space<hbm>> -> memref<1x3328xi32, #tpu.memory_space<hbm>>
    %dma_start3A_8 = tpu.memref_squeeze %dma_start3A_7 : memref<1x3328xi32, #tpu.memory_space<hbm>> -> memref<3328xi32, #tpu.memory_space<hbm>>
    %dma_start3A_9 = arith.constant 0 : i32
    %dma_start3A_10 = tpu.memref_slice %arg5[%add3A, %dma_start3A_9] : memref<32x3328xi32, #tpu.memory_space<hbm>> -> memref<1x3328xi32, #tpu.memory_space<hbm>>
    %dma_start3A_11 = tpu.memref_squeeze %dma_start3A_10 : memref<1x3328xi32, #tpu.memory_space<hbm>> -> memref<3328xi32, #tpu.memory_space<hbm>>
    tpu.enqueue_dma source(%dma_start3A_11 : memref<3328xi32, #tpu.memory_space<hbm>>) target(%arg10 : memref<3328xi32, #tpu.memory_space<vmem>>) target_semaphore(%arg15 : memref<!tpu.dma_semaphore, #tpu.memory_space<semaphore_mem>>)
    %dma_start3A_12 = arith.constant 0 : i32
    %dma_start3A_13 = tpu.memref_slice %arg6[%add3A, %dma_start3A_12] : memref<32x16xi32, #tpu.memory_space<hbm>> -> memref<1x16xi32, #tpu.memory_space<hbm>>
    %dma_start3A_14 = tpu.memref_squeeze %dma_start3A_13 : memref<1x16xi32, #tpu.memory_space<hbm>> -> memref<16xi32, #tpu.memory_space<hbm>>
    %dma_start3A_15 = arith.constant 0 : i32
    %dma_start3A_16 = tpu.memref_slice %arg6[%add3A, %dma_start3A_15] : memref<32x16xi32, #tpu.memory_space<hbm>> -> memref<1x16xi32, #tpu.memory_space<hbm>>
    %dma_start3A_17 = tpu.memref_squeeze %dma_start3A_16 : memref<1x16xi32, #tpu.memory_space<hbm>> -> memref<16xi32, #tpu.memory_space<hbm>>
    tpu.enqueue_dma source(%dma_start3A_17 : memref<16xi32, #tpu.memory_space<hbm>>) target(%arg11 : memref<16xi32, #tpu.memory_space<vmem>>) target_semaphore(%arg14 : memref<!tpu.dma_semaphore, #tpu.memory_space<semaphore_mem>>)
    %dma_wait3A = arith.constant 0 : i32
    %dma_wait3A_18 = tpu.memref_slice %arg4[%add3A, %dma_wait3A] : memref<32x3328xi32, #tpu.memory_space<hbm>> -> memref<1x3328xi32, #tpu.memory_space<hbm>>
    %dma_wait3A_19 = tpu.memref_squeeze %dma_wait3A_18 : memref<1x3328xi32, #tpu.memory_space<hbm>> -> memref<3328xi32, #tpu.memory_space<hbm>>
    %dma_wait3A_20 = arith.constant 0 : i32
    %dma_wait3A_21 = tpu.memref_slice %arg4[%add3A, %dma_wait3A_20] : memref<32x3328xi32, #tpu.memory_space<hbm>> -> memref<1x3328xi32, #tpu.memory_space<hbm>>
    %dma_wait3A_22 = tpu.memref_squeeze %dma_wait3A_21 : memref<1x3328xi32, #tpu.memory_space<hbm>> -> memref<3328xi32, #tpu.memory_space<hbm>>
    tpu.wait_dma2 semaphore(%arg14 : memref<!tpu.dma_semaphore, #tpu.memory_space<semaphore_mem>>) src(%dma_wait3A_22 : memref<3328xi32, #tpu.memory_space<hbm>>) dst(%arg9 : memref<3328xi32, #tpu.memory_space<vmem>>)
    %dma_wait3A_23 = arith.constant 0 : i32
    %dma_wait3A_24 = tpu.memref_slice %arg5[%add3A, %dma_wait3A_23] : memref<32x3328xi32, #tpu.memory_space<hbm>> -> memref<1x3328xi32, #tpu.memory_space<hbm>>
    %dma_wait3A_25 = tpu.memref_squeeze %dma_wait3A_24 : memref<1x3328xi32, #tpu.memory_space<hbm>> -> memref<3328xi32, #tpu.memory_space<hbm>>
    %dma_wait3A_26 = arith.constant 0 : i32
    %dma_wait3A_27 = tpu.memref_slice %arg5[%add3A, %dma_wait3A_26] : memref<32x3328xi32, #tpu.memory_space<hbm>> -> memref<1x3328xi32, #tpu.memory_space<hbm>>
    %dma_wait3A_28 = tpu.memref_squeeze %dma_wait3A_27 : memref<1x3328xi32, #tpu.memory_space<hbm>> -> memref<3328xi32, #tpu.memory_space<hbm>>
    tpu.wait_dma2 semaphore(%arg15 : memref<!tpu.dma_semaphore, #tpu.memory_space<semaphore_mem>>) src(%dma_wait3A_28 : memref<3328xi32, #tpu.memory_space<hbm>>) dst(%arg10 : memref<3328xi32, #tpu.memory_space<vmem>>)
    %dma_wait3A_29 = arith.constant 0 : i32
    %dma_wait3A_30 = tpu.memref_slice %arg6[%add3A, %dma_wait3A_29] : memref<32x16xi32, #tpu.memory_space<hbm>> -> memref<1x16xi32, #tpu.memory_space<hbm>>
    %dma_wait3A_31 = tpu.memref_squeeze %dma_wait3A_30 : memref<1x16xi32, #tpu.memory_space<hbm>> -> memref<16xi32, #tpu.memory_space<hbm>>
    %dma_wait3A_32 = arith.constant 0 : i32
    %dma_wait3A_33 = tpu.memref_slice %arg6[%add3A, %dma_wait3A_32] : memref<32x16xi32, #tpu.memory_space<hbm>> -> memref<1x16xi32, #tpu.memory_space<hbm>>
    %dma_wait3A_34 = tpu.memref_squeeze %dma_wait3A_33 : memref<1x16xi32, #tpu.memory_space<hbm>> -> memref<16xi32, #tpu.memory_space<hbm>>
    tpu.wait_dma2 semaphore(%arg14 : memref<!tpu.dma_semaphore, #tpu.memory_space<semaphore_mem>>) src(%dma_wait3A_34 : memref<16xi32, #tpu.memory_space<hbm>>) dst(%arg11 : memref<16xi32, #tpu.memory_space<vmem>>)
    %get3A = arith.constant 0 : index
    %get3A_35 = tpu.vector_load %arg11[%get3A] {strides = array<i32>} : memref<16xi32, #tpu.memory_space<vmem>>, vector<16xi32>,
    %reduce_max3A = arith.constant true
    %reduce_max3A_36 = vector.broadcast %reduce_max3A : i1 to vector<16xi1>
    %reduce_max3A_37 = arith.constant -2147483648 : i32
    %reduce_max3A_38 = vector.broadcast %reduce_max3A_37 : i32 to vector<16xi32>
    %reduce_max3A_39 = arith.xori %get3A_35, %reduce_max3A_38 : vector<16xi32>
    %reduce_max3A_40 = tpu.scan <max>, %reduce_max3A_39 masked %reduce_max3A_36 : vector<16xi32>, vector<16xi1> -> vector<16xi32>
    %reduce_max3A_41 = arith.xori %reduce_max3A_40, %reduce_max3A_38 : vector<16xi32>
    %reduce_max3A_42 = vector.extract %reduce_max3A_41[15] : i32 from vector<16xi32>
    %add3A_43 = arith.constant 128 : i32
    %add3A_44 = arith.addi %reduce_max3A_42, %add3A_43 : i32
    %sub3A = arith.constant 1 : i32
    %sub3A_45 = arith.subi %add3A_44, %sub3A : i32
    %jit3A = arith.constant 128 : i32
    %div3A = arith.divsi %sub3A_45, %jit3A : i32
    %sign3A = arith.constant 0 : i32
    %sign3A_46 = arith.cmpi sgt, %sub3A_45, %sign3A : i32
    %sign3A_47 = arith.extui %sign3A_46 : i1 to i32
    %sign3A_48 = arith.constant 0 : i32
    %sign3A_49 = arith.cmpi slt, %sub3A_45, %sign3A_48 : i32
    %sign3A_50 = arith.extui %sign3A_49 : i1 to i32
    %sign3A_51 = arith.subi %sign3A_47, %sign3A_50 : i32
    %sign3A_52 = arith.constant 0 : i32
    %sign3A_53 = arith.cmpi sgt, %jit3A, %sign3A_52 : i32
    %sign3A_54 = arith.extui %sign3A_53 : i1 to i32
    %sign3A_55 = arith.constant 0 : i32
    %sign3A_56 = arith.cmpi slt, %jit3A, %sign3A_55 : i32
    %sign3A_57 = arith.extui %sign3A_56 : i1 to i32
    %sign3A_58 = arith.subi %sign3A_54, %sign3A_57 : i32
    %ne3A = arith.cmpi ne, %sign3A_51, %sign3A_58 : i32
    %rem3A = arith.remsi %sub3A_45, %jit3A : i32
    %ne3A_59 = arith.constant 0 : i32
    %ne3A_60 = arith.cmpi ne, %rem3A, %ne3A_59 : i32
    %and3A = arith.andi %ne3A, %ne3A_60 : i1
    %sub3A_61 = arith.constant 1 : i32
    %sub3A_62 = arith.subi %div3A, %sub3A_61 : i32
    %select_n3A = arith.select %and3A, %sub3A_62, %div3A : i32
    %while3A = arith.constant 0 : i32
    %while3A_63 = arith.constant 0 : i32
    %while3A_64 = arith.subi %select_n3A, %while3A : i32
    %while3A_65 = arith.addi %while3A, %while3A_64 : i32
    %while3A_66 = arith.constant 1 : i32
    %while3A_67 = arith.divsi %while3A_64, %while3A_66 : i32
    %while3A_68 = arith.muli %while3A_67, %while3A_66 : i32
    %while3A_69 = arith.addi %while3A, %while3A_68 : i32
    %while3A_70 = arith.constant 1 : i32
    %while3A_71 = scf.for %while3A_74 = %while3A to %while3A_69 step %while3A_70 iter_args(%while3A_75 = %while3A_63) -> (i32)  : i32 {
      %mul3A_76 = arith.constant 128 : i32
      %mul3A_77 = arith.muli %while3A_74, %mul3A_76 : i32
      %add3A_78 = arith.constant 0 : i32
      %add3A_79 = arith.addi %mul3A_77, %add3A_78 : i32
      %get3A_80 = arith.index_cast %add3A_79 : i32 to index
      %get3A_81 = tpu.vector_load %arg10[%get3A_80] {strides = array<i32>} : memref<3328xi32, #tpu.memory_space<vmem>>, vector<16xi32>,
      %dma_start3A_82 = arith.constant 0 : i32
      %dma_start3A_83 = arith.constant 0 : i32
      %dma_start3A_84 = tpu.memref_slice %arg12[%dma_start3A_82, %dma_start3A_83] : memref<128x128xf32, #tpu.memory_space<vmem>> -> memref<16x128xf32, #tpu.memory_space<vmem>>
      %dma_start3A_85 = arith.constant 0 : i32
      %dma_start3A_86 = arith.constant 0 : i32
      %dma_start3A_87 = tpu.memref_slice %arg2[%dma_start3A_85, %dma_start3A_86] : memref<16384x128xf32, #tpu.memory_space<hbm>> -> memref<16384x128xf32, #tpu.memory_space<hbm>>
      tpu.enqueue_indirect_dma source(%dma_start3A_87 : memref<16384x128xf32, #tpu.memory_space<hbm>>) target(%dma_start3A_84 : memref<16x128xf32, #tpu.memory_space<vmem>>) offsets(%get3A_81 : vector<16xi32>) semaphore(%arg14 : memref<!tpu.dma_semaphore, #tpu.memory_space<semaphore_mem>>)
      %dma_start3A_88 = arith.constant 0 : i32
      %dma_start3A_89 = arith.constant 0 : i32
      %dma_start3A_90 = tpu.memref_slice %arg13[%dma_start3A_88, %dma_start3A_89] : memref<128x128xf32, #tpu.memory_space<vmem>> -> memref<16x128xf32, #tpu.memory_space<vmem>>
      %dma_start3A_91 = arith.constant 0 : i32
      %dma_start3A_92 = arith.constant 0 : i32
      %dma_start3A_93 = tpu.memref_slice %arg3[%dma_start3A_91, %dma_start3A_92] : memref<16384x128xf32, #tpu.memory_space<hbm>> -> memref<16384x128xf32, #tpu.memory_space<hbm>>
      tpu.enqueue_indirect_dma source(%dma_start3A_93 : memref<16384x128xf32, #tpu.memory_space<hbm>>) target(%dma_start3A_90 : memref<16x128xf32, #tpu.memory_space<vmem>>) offsets(%get3A_81 : vector<16xi32>) semaphore(%arg15 : memref<!tpu.dma_semaphore, #tpu.memory_space<semaphore_mem>>)
      %mul3A_94 = arith.constant 128 : i32
      %mul3A_95 = arith.muli %while3A_74, %mul3A_94 : i32
      %add3A_96 = arith.constant 16 : i32
      %add3A_97 = arith.addi %mul3A_95, %add3A_96 : i32
      %get3A_98 = arith.index_cast %add3A_97 : i32 to index
      %get3A_99 = tpu.vector_load %arg10[%get3A_98] {strides = array<i32>} : memref<3328xi32, #tpu.memory_space<vmem>>, vector<16xi32>,
      %dma_start3A_100 = arith.constant 16 : i32
      %dma_start3A_101 = arith.constant 0 : i32
      %dma_start3A_102 = tpu.memref_slice %arg12[%dma_start3A_100, %dma_start3A_101] : memref<128x128xf32, #tpu.memory_space<vmem>> -> memref<16x128xf32, #tpu.memory_space<vmem>>
      %dma_start3A_103 = arith.constant 0 : i32
      %dma_start3A_104 = arith.constant 0 : i32
      %dma_start3A_105 = tpu.memref_slice %arg2[%dma_start3A_103, %dma_start3A_104] : memref<16384x128xf32, #tpu.memory_space<hbm>> -> memref<16384x128xf32, #tpu.memory_space<hbm>>
      tpu.enqueue_indirect_dma source(%dma_start3A_105 : memref<16384x128xf32, #tpu.memory_space<hbm>>) target(%dma_start3A_102 : memref<16x128xf32, #tpu.memory_space<vmem>>) offsets(%get3A_99 : vector<16xi32>) semaphore(%arg14 : memref<!tpu.dma_semaphore, #tpu.memory_space<semaphore_mem>>)
      %dma_start3A_106 = arith.constant 16 : i32
      %dma_start3A_107 = arith.constant 0 : i32
      %dma_start3A_108 = tpu.memref_slice %arg13[%dma_start3A_106, %dma_start3A_107] : memref<128x128xf32, #tpu.memory_space<vmem>> -> memref<16x128xf32, #tpu.memory_space<vmem>>
      %dma_start3A_109 = arith.constant 0 : i32
      %dma_start3A_110 = arith.constant 0 : i32
      %dma_start3A_111 = tpu.memref_slice %arg3[%dma_start3A_109, %dma_start3A_110] : memref<16384x128xf32, #tpu.memory_space<hbm>> -> memref<16384x128xf32, #tpu.memory_space<hbm>>
      tpu.enqueue_indirect_dma source(%dma_start3A_111 : memref<16384x128xf32, #tpu.memory_space<hbm>>) target(%dma_start3A_108 : memref<16x128xf32, #tpu.memory_space<vmem>>) offsets(%get3A_99 : vector<16xi32>) semaphore(%arg15 : memref<!tpu.dma_semaphore, #tpu.memory_space<semaphore_mem>>)
      %mul3A_112 = arith.constant 128 : i32
      %mul3A_113 = arith.muli %while3A_74, %mul3A_112 : i32
      %add3A_114 = arith.constant 32 : i32
      %add3A_115 = arith.addi %mul3A_113, %add3A_114 : i32
      %get3A_116 = arith.index_cast %add3A_115 : i32 to index
      %get3A_117 = tpu.vector_load %arg10[%get3A_116] {strides = array<i32>} : memref<3328xi32, #tpu.memory_space<vmem>>, vector<16xi32>,
      %dma_start3A_118 = arith.constant 32 : i32
      %dma_start3A_119 = arith.constant 0 : i32
      %dma_start3A_120 = tpu.memref_slice %arg12[%dma_start3A_118, %dma_start3A_119] : memref<128x128xf32, #tpu.memory_space<vmem>> -> memref<16x128xf32, #tpu.memory_space<vmem>>
      %dma_start3A_121 = arith.constant 0 : i32
      %dma_start3A_122 = arith.constant 0 : i32
      %dma_start3A_123 = tpu.memref_slice %arg2[%dma_start3A_121, %dma_start3A_122] : memref<16384x128xf32, #tpu.memory_space<hbm>> -> memref<16384x128xf32, #tpu.memory_space<hbm>>
      tpu.enqueue_indirect_dma source(%dma_start3A_123 : memref<16384x128xf32, #tpu.memory_space<hbm>>) target(%dma_start3A_120 : memref<16x128xf32, #tpu.memory_space<vmem>>) offsets(%get3A_117 : vector<16xi32>) semaphore(%arg14 : memref<!tpu.dma_semaphore, #tpu.memory_space<semaphore_mem>>)
      %dma_start3A_124 = arith.constant 32 : i32
      %dma_start3A_125 = arith.constant 0 : i32
      %dma_start3A_126 = tpu.memref_slice %arg13[%dma_start3A_124, %dma_start3A_125] : memref<128x128xf32, #tpu.memory_space<vmem>> -> memref<16x128xf32, #tpu.memory_space<vmem>>
      %dma_start3A_127 = arith.constant 0 : i32
      %dma_start3A_128 = arith.constant 0 : i32
      %dma_start3A_129 = tpu.memref_slice %arg3[%dma_start3A_127, %dma_start3A_128] : memref<16384x128xf32, #tpu.memory_space<hbm>> -> memref<16384x128xf32, #tpu.memory_space<hbm>>
      tpu.enqueue_indirect_dma source(%dma_start3A_129 : memref<16384x128xf32, #tpu.memory_space<hbm>>) target(%dma_start3A_126 : memref<16x128xf32, #tpu.memory_space<vmem>>) offsets(%get3A_117 : vector<16xi32>) semaphore(%arg15 : memref<!tpu.dma_semaphore, #tpu.memory_space<semaphore_mem>>)
      %mul3A_130 = arith.constant 128 : i32
      %mul3A_131 = arith.muli %while3A_74, %mul3A_130 : i32
      %add3A_132 = arith.constant 48 : i32
      %add3A_133 = arith.addi %mul3A_131, %add3A_132 : i32
      %get3A_134 = arith.index_cast %add3A_133 : i32 to index
      %get3A_135 = tpu.vector_load %arg10[%get3A_134] {strides = array<i32>} : memref<3328xi32, #tpu.memory_space<vmem>>, vector<16xi32>,
      %dma_start3A_136 = arith.constant 48 : i32
      %dma_start3A_137 = arith.constant 0 : i32
      %dma_start3A_138 = tpu.memref_slice %arg12[%dma_start3A_136, %dma_start3A_137] : memref<128x128xf32, #tpu.memory_space<vmem>> -> memref<16x128xf32, #tpu.memory_space<vmem>>
      %dma_start3A_139 = arith.constant 0 : i32
      %dma_start3A_140 = arith.constant 0 : i32
      %dma_start3A_141 = tpu.memref_slice %arg2[%dma_start3A_139, %dma_start3A_140] : memref<16384x128xf32, #tpu.memory_space<hbm>> -> memref<16384x128xf32, #tpu.memory_space<hbm>>
      tpu.enqueue_indirect_dma source(%dma_start3A_141 : memref<16384x128xf32, #tpu.memory_space<hbm>>) target(%dma_start3A_138 : memref<16x128xf32, #tpu.memory_space<vmem>>) offsets(%get3A_135 : vector<16xi32>) semaphore(%arg14 : memref<!tpu.dma_semaphore, #tpu.memory_space<semaphore_mem>>)
      %dma_start3A_142 = arith.constant 48 : i32
      %dma_start3A_143 = arith.constant 0 : i32
      %dma_start3A_144 = tpu.memref_slice %arg13[%dma_start3A_142, %dma_start3A_143] : memref<128x128xf32, #tpu.memory_space<vmem>> -> memref<16x128xf32, #tpu.memory_space<vmem>>
      %dma_start3A_145 = arith.constant 0 : i32
      %dma_start3A_146 = arith.constant 0 : i32
      %dma_start3A_147 = tpu.memref_slice %arg3[%dma_start3A_145, %dma_start3A_146] : memref<16384x128xf32, #tpu.memory_space<hbm>> -> memref<16384x128xf32, #tpu.memory_space<hbm>>
      tpu.enqueue_indirect_dma source(%dma_start3A_147 : memref<16384x128xf32, #tpu.memory_space<hbm>>) target(%dma_start3A_144 : memref<16x128xf32, #tpu.memory_space<vmem>>) offsets(%get3A_135 : vector<16xi32>) semaphore(%arg15 : memref<!tpu.dma_semaphore, #tpu.memory_space<semaphore_mem>>)
      %mul3A_148 = arith.constant 128 : i32
      %mul3A_149 = arith.muli %while3A_74, %mul3A_148 : i32
      %add3A_150 = arith.constant 64 : i32
      %add3A_151 = arith.addi %mul3A_149, %add3A_150 : i32
      %get3A_152 = arith.index_cast %add3A_151 : i32 to index
      %get3A_153 = tpu.vector_load %arg10[%get3A_152] {strides = array<i32>} : memref<3328xi32, #tpu.memory_space<vmem>>, vector<16xi32>,
      %dma_start3A_154 = arith.constant 64 : i32
      %dma_start3A_155 = arith.constant 0 : i32
      %dma_start3A_156 = tpu.memref_slice %arg12[%dma_start3A_154, %dma_start3A_155] : memref<128x128xf32, #tpu.memory_space<vmem>> -> memref<16x128xf32, #tpu.memory_space<vmem>>
      %dma_start3A_157 = arith.constant 0 : i32
      %dma_start3A_158 = arith.constant 0 : i32
      %dma_start3A_159 = tpu.memref_slice %arg2[%dma_start3A_157, %dma_start3A_158] : memref<16384x128xf32, #tpu.memory_space<hbm>> -> memref<16384x128xf32, #tpu.memory_space<hbm>>
      tpu.enqueue_indirect_dma source(%dma_start3A_159 : memref<16384x128xf32, #tpu.memory_space<hbm>>) target(%dma_start3A_156 : memref<16x128xf32, #tpu.memory_space<vmem>>) offsets(%get3A_153 : vector<16xi32>) semaphore(%arg14 : memref<!tpu.dma_semaphore, #tpu.memory_space<semaphore_mem>>)
      %dma_start3A_160 = arith.constant 64 : i32
      %dma_start3A_161 = arith.constant 0 : i32
      %dma_start3A_162 = tpu.memref_slice %arg13[%dma_start3A_160, %dma_start3A_161] : memref<128x128xf32, #tpu.memory_space<vmem>> -> memref<16x128xf32, #tpu.memory_space<vmem>>
      %dma_start3A_163 = arith.constant 0 : i32
      %dma_start3A_164 = arith.constant 0 : i32
      %dma_start3A_165 = tpu.memref_slice %arg3[%dma_start3A_163, %dma_start3A_164] : memref<16384x128xf32, #tpu.memory_space<hbm>> -> memref<16384x128xf32, #tpu.memory_space<hbm>>
      tpu.enqueue_indirect_dma source(%dma_start3A_165 : memref<16384x128xf32, #tpu.memory_space<hbm>>) target(%dma_start3A_162 : memref<16x128xf32, #tpu.memory_space<vmem>>) offsets(%get3A_153 : vector<16xi32>) semaphore(%arg15 : memref<!tpu.dma_semaphore, #tpu.memory_space<semaphore_mem>>)
      %mul3A_166 = arith.constant 128 : i32
      %mul3A_167 = arith.muli %while3A_74, %mul3A_166 : i32
      %add3A_168 = arith.constant 80 : i32
      %add3A_169 = arith.addi %mul3A_167, %add3A_168 : i32
      %get3A_170 = arith.index_cast %add3A_169 : i32 to index
      %get3A_171 = tpu.vector_load %arg10[%get3A_170] {strides = array<i32>} : memref<3328xi32, #tpu.memory_space<vmem>>, vector<16xi32>,
      %dma_start3A_172 = arith.constant 80 : i32
      %dma_start3A_173 = arith.constant 0 : i32
      %dma_start3A_174 = tpu.memref_slice %arg12[%dma_start3A_172, %dma_start3A_173] : memref<128x128xf32, #tpu.memory_space<vmem>> -> memref<16x128xf32, #tpu.memory_space<vmem>>
      %dma_start3A_175 = arith.constant 0 : i32
      %dma_start3A_176 = arith.constant 0 : i32
      %dma_start3A_177 = tpu.memref_slice %arg2[%dma_start3A_175, %dma_start3A_176] : memref<16384x128xf32, #tpu.memory_space<hbm>> -> memref<16384x128xf32, #tpu.memory_space<hbm>>
      tpu.enqueue_indirect_dma source(%dma_start3A_177 : memref<16384x128xf32, #tpu.memory_space<hbm>>) target(%dma_start3A_174 : memref<16x128xf32, #tpu.memory_space<vmem>>) offsets(%get3A_171 : vector<16xi32>) semaphore(%arg14 : memref<!tpu.dma_semaphore, #tpu.memory_space<semaphore_mem>>)
      %dma_start3A_178 = arith.constant 80 : i32
      %dma_start3A_179 = arith.constant 0 : i32
      %dma_start3A_180 = tpu.memref_slice %arg13[%dma_start3A_178, %dma_start3A_179] : memref<128x128xf32, #tpu.memory_space<vmem>> -> memref<16x128xf32, #tpu.memory_space<vmem>>
      %dma_start3A_181 = arith.constant 0 : i32
      %dma_start3A_182 = arith.constant 0 : i32
      %dma_start3A_183 = tpu.memref_slice %arg3[%dma_start3A_181, %dma_start3A_182] : memref<16384x128xf32, #tpu.memory_space<hbm>> -> memref<16384x128xf32, #tpu.memory_space<hbm>>
      tpu.enqueue_indirect_dma source(%dma_start3A_183 : memref<16384x128xf32, #tpu.memory_space<hbm>>) target(%dma_start3A_180 : memref<16x128xf32, #tpu.memory_space<vmem>>) offsets(%get3A_171 : vector<16xi32>) semaphore(%arg15 : memref<!tpu.dma_semaphore, #tpu.memory_space<semaphore_mem>>)
      %mul3A_184 = arith.constant 128 : i32
      %mul3A_185 = arith.muli %while3A_74, %mul3A_184 : i32
      %add3A_186 = arith.constant 96 : i32
      %add3A_187 = arith.addi %mul3A_185, %add3A_186 : i32
      %get3A_188 = arith.index_cast %add3A_187 : i32 to index
      %get3A_189 = tpu.vector_load %arg10[%get3A_188] {strides = array<i32>} : memref<3328xi32, #tpu.memory_space<vmem>>, vector<16xi32>,
      %dma_start3A_190 = arith.constant 96 : i32
      %dma_start3A_191 = arith.constant 0 : i32
      %dma_start3A_192 = tpu.memref_slice %arg12[%dma_start3A_190, %dma_start3A_191] : memref<128x128xf32, #tpu.memory_space<vmem>> -> memref<16x128xf32, #tpu.memory_space<vmem>>
      %dma_start3A_193 = arith.constant 0 : i32
      %dma_start3A_194 = arith.constant 0 : i32
      %dma_start3A_195 = tpu.memref_slice %arg2[%dma_start3A_193, %dma_start3A_194] : memref<16384x128xf32, #tpu.memory_space<hbm>> -> memref<16384x128xf32, #tpu.memory_space<hbm>>
      tpu.enqueue_indirect_dma source(%dma_start3A_195 : memref<16384x128xf32, #tpu.memory_space<hbm>>) target(%dma_start3A_192 : memref<16x128xf32, #tpu.memory_space<vmem>>) offsets(%get3A_189 : vector<16xi32>) semaphore(%arg14 : memref<!tpu.dma_semaphore, #tpu.memory_space<semaphore_mem>>)
      %dma_start3A_196 = arith.constant 96 : i32
      %dma_start3A_197 = arith.constant 0 : i32
      %dma_start3A_198 = tpu.memref_slice %arg13[%dma_start3A_196, %dma_start3A_197] : memref<128x128xf32, #tpu.memory_space<vmem>> -> memref<16x128xf32, #tpu.memory_space<vmem>>
      %dma_start3A_199 = arith.constant 0 : i32
      %dma_start3A_200 = arith.constant 0 : i32
      %dma_start3A_201 = tpu.memref_slice %arg3[%dma_start3A_199, %dma_start3A_200] : memref<16384x128xf32, #tpu.memory_space<hbm>> -> memref<16384x128xf32, #tpu.memory_space<hbm>>
      tpu.enqueue_indirect_dma source(%dma_start3A_201 : memref<16384x128xf32, #tpu.memory_space<hbm>>) target(%dma_start3A_198 : memref<16x128xf32, #tpu.memory_space<vmem>>) offsets(%get3A_189 : vector<16xi32>) semaphore(%arg15 : memref<!tpu.dma_semaphore, #tpu.memory_space<semaphore_mem>>)
      %mul3A_202 = arith.constant 128 : i32
      %mul3A_203 = arith.muli %while3A_74, %mul3A_202 : i32
      %add3A_204 = arith.constant 112 : i32
      %add3A_205 = arith.addi %mul3A_203, %add3A_204 : i32
      %get3A_206 = arith.index_cast %add3A_205 : i32 to index
      %get3A_207 = tpu.vector_load %arg10[%get3A_206] {strides = array<i32>} : memref<3328xi32, #tpu.memory_space<vmem>>, vector<16xi32>,
      %dma_start3A_208 = arith.constant 112 : i32
      %dma_start3A_209 = arith.constant 0 : i32
      %dma_start3A_210 = tpu.memref_slice %arg12[%dma_start3A_208, %dma_start3A_209] : memref<128x128xf32, #tpu.memory_space<vmem>> -> memref<16x128xf32, #tpu.memory_space<vmem>>
      %dma_start3A_211 = arith.constant 0 : i32
      %dma_start3A_212 = arith.constant 0 : i32
      %dma_start3A_213 = tpu.memref_slice %arg2[%dma_start3A_211, %dma_start3A_212] : memref<16384x128xf32, #tpu.memory_space<hbm>> -> memref<16384x128xf32, #tpu.memory_space<hbm>>
      tpu.enqueue_indirect_dma source(%dma_start3A_213 : memref<16384x128xf32, #tpu.memory_space<hbm>>) target(%dma_start3A_210 : memref<16x128xf32, #tpu.memory_space<vmem>>) offsets(%get3A_207 : vector<16xi32>) semaphore(%arg14 : memref<!tpu.dma_semaphore, #tpu.memory_space<semaphore_mem>>)
      %dma_start3A_214 = arith.constant 112 : i32
      %dma_start3A_215 = arith.constant 0 : i32
      %dma_start3A_216 = tpu.memref_slice %arg13[%dma_start3A_214, %dma_start3A_215] : memref<128x128xf32, #tpu.memory_space<vmem>> -> memref<16x128xf32, #tpu.memory_space<vmem>>
      %dma_start3A_217 = arith.constant 0 : i32
      %dma_start3A_218 = arith.constant 0 : i32
      %dma_start3A_219 = tpu.memref_slice %arg3[%dma_start3A_217, %dma_start3A_218] : memref<16384x128xf32, #tpu.memory_space<hbm>> -> memref<16384x128xf32, #tpu.memory_space<hbm>>
      tpu.enqueue_indirect_dma source(%dma_start3A_219 : memref<16384x128xf32, #tpu.memory_space<hbm>>) target(%dma_start3A_216 : memref<16x128xf32, #tpu.memory_space<vmem>>) offsets(%get3A_207 : vector<16xi32>) semaphore(%arg15 : memref<!tpu.dma_semaphore, #tpu.memory_space<semaphore_mem>>)
      %dma_wait3A_220 = arith.constant 0 : i32
      %dma_wait3A_221 = arith.constant 0 : i32
      %dma_wait3A_222 = tpu.memref_slice %arg12[%dma_wait3A_220, %dma_wait3A_221] : memref<128x128xf32, #tpu.memory_space<vmem>> -> memref<16x128xf32, #tpu.memory_space<vmem>>
      %dma_wait3A_223 = arith.constant 0 : i32
      %dma_wait3A_224 = arith.constant 0 : i32
      %dma_wait3A_225 = tpu.memref_slice %arg2[%dma_wait3A_223, %dma_wait3A_224] : memref<16384x128xf32, #tpu.memory_space<hbm>> -> memref<16384x128xf32, #tpu.memory_space<hbm>>
      tpu.wait_indirect_dma semaphore(%arg14 : memref<!tpu.dma_semaphore, #tpu.memory_space<semaphore_mem>>) src(%dma_wait3A_225 : memref<16384x128xf32, #tpu.memory_space<hbm>>) dst(%dma_wait3A_222 : memref<16x128xf32, #tpu.memory_space<vmem>>)
      %dma_wait3A_226 = arith.constant 0 : i32
      %dma_wait3A_227 = arith.constant 0 : i32
      %dma_wait3A_228 = tpu.memref_slice %arg13[%dma_wait3A_226, %dma_wait3A_227] : memref<128x128xf32, #tpu.memory_space<vmem>> -> memref<16x128xf32, #tpu.memory_space<vmem>>
      %dma_wait3A_229 = arith.constant 0 : i32
      %dma_wait3A_230 = arith.constant 0 : i32
      %dma_wait3A_231 = tpu.memref_slice %arg3[%dma_wait3A_229, %dma_wait3A_230] : memref<16384x128xf32, #tpu.memory_space<hbm>> -> memref<16384x128xf32, #tpu.memory_space<hbm>>
      tpu.wait_indirect_dma semaphore(%arg15 : memref<!tpu.dma_semaphore, #tpu.memory_space<semaphore_mem>>) src(%dma_wait3A_231 : memref<16384x128xf32, #tpu.memory_space<hbm>>) dst(%dma_wait3A_228 : memref<16x128xf32, #tpu.memory_space<vmem>>)
      %dma_wait3A_232 = arith.constant 16 : i32
      %dma_wait3A_233 = arith.constant 0 : i32
      %dma_wait3A_234 = tpu.memref_slice %arg12[%dma_wait3A_232, %dma_wait3A_233] : memref<128x128xf32, #tpu.memory_space<vmem>> -> memref<16x128xf32, #tpu.memory_space<vmem>>
      %dma_wait3A_235 = arith.constant 0 : i32
      %dma_wait3A_236 = arith.constant 0 : i32
      %dma_wait3A_237 = tpu.memref_slice %arg2[%dma_wait3A_235, %dma_wait3A_236] : memref<16384x128xf32, #tpu.memory_space<hbm>> -> memref<16384x128xf32, #tpu.memory_space<hbm>>
      tpu.wait_indirect_dma semaphore(%arg14 : memref<!tpu.dma_semaphore, #tpu.memory_space<semaphore_mem>>) src(%dma_wait3A_237 : memref<16384x128xf32, #tpu.memory_space<hbm>>) dst(%dma_wait3A_234 : memref<16x128xf32, #tpu.memory_space<vmem>>)
      %dma_wait3A_238 = arith.constant 16 : i32
      %dma_wait3A_239 = arith.constant 0 : i32
      %dma_wait3A_240 = tpu.memref_slice %arg13[%dma_wait3A_238, %dma_wait3A_239] : memref<128x128xf32, #tpu.memory_space<vmem>> -> memref<16x128xf32, #tpu.memory_space<vmem>>
      %dma_wait3A_241 = arith.constant 0 : i32
      %dma_wait3A_242 = arith.constant 0 : i32
      %dma_wait3A_243 = tpu.memref_slice %arg3[%dma_wait3A_241, %dma_wait3A_242] : memref<16384x128xf32, #tpu.memory_space<hbm>> -> memref<16384x128xf32, #tpu.memory_space<hbm>>
      tpu.wait_indirect_dma semaphore(%arg15 : memref<!tpu.dma_semaphore, #tpu.memory_space<semaphore_mem>>) src(%dma_wait3A_243 : memref<16384x128xf32, #tpu.memory_space<hbm>>) dst(%dma_wait3A_240 : memref<16x128xf32, #tpu.memory_space<vmem>>)
      %dma_wait3A_244 = arith.constant 32 : i32
      %dma_wait3A_245 = arith.constant 0 : i32
      %dma_wait3A_246 = tpu.memref_slice %arg12[%dma_wait3A_244, %dma_wait3A_245] : memref<128x128xf32, #tpu.memory_space<vmem>> -> memref<16x128xf32, #tpu.memory_space<vmem>>
      %dma_wait3A_247 = arith.constant 0 : i32
      %dma_wait3A_248 = arith.constant 0 : i32
      %dma_wait3A_249 = tpu.memref_slice %arg2[%dma_wait3A_247, %dma_wait3A_248] : memref<16384x128xf32, #tpu.memory_space<hbm>> -> memref<16384x128xf32, #tpu.memory_space<hbm>>
      tpu.wait_indirect_dma semaphore(%arg14 : memref<!tpu.dma_semaphore, #tpu.memory_space<semaphore_mem>>) src(%dma_wait3A_249 : memref<16384x128xf32, #tpu.memory_space<hbm>>) dst(%dma_wait3A_246 : memref<16x128xf32, #tpu.memory_space<vmem>>)
      %dma_wait3A_250 = arith.constant 32 : i32
      %dma_wait3A_251 = arith.constant 0 : i32
      %dma_wait3A_252 = tpu.memref_slice %arg13[%dma_wait3A_250, %dma_wait3A_251] : memref<128x128xf32, #tpu.memory_space<vmem>> -> memref<16x128xf32, #tpu.memory_space<vmem>>
      %dma_wait3A_253 = arith.constant 0 : i32
      %dma_wait3A_254 = arith.constant 0 : i32
      %dma_wait3A_255 = tpu.memref_slice %arg3[%dma_wait3A_253, %dma_wait3A_254] : memref<16384x128xf32, #tpu.memory_space<hbm>> -> memref<16384x128xf32, #tpu.memory_space<hbm>>
      tpu.wait_indirect_dma semaphore(%arg15 : memref<!tpu.dma_semaphore, #tpu.memory_space<semaphore_mem>>) src(%dma_wait3A_255 : memref<16384x128xf32, #tpu.memory_space<hbm>>) dst(%dma_wait3A_252 : memref<16x128xf32, #tpu.memory_space<vmem>>)
      %dma_wait3A_256 = arith.constant 48 : i32
      %dma_wait3A_257 = arith.constant 0 : i32
      %dma_wait3A_258 = tpu.memref_slice %arg12[%dma_wait3A_256, %dma_wait3A_257] : memref<128x128xf32, #tpu.memory_space<vmem>> -> memref<16x128xf32, #tpu.memory_space<vmem>>
      %dma_wait3A_259 = arith.constant 0 : i32
      %dma_wait3A_260 = arith.constant 0 : i32
      %dma_wait3A_261 = tpu.memref_slice %arg2[%dma_wait3A_259, %dma_wait3A_260] : memref<16384x128xf32, #tpu.memory_space<hbm>> -> memref<16384x128xf32, #tpu.memory_space<hbm>>
      tpu.wait_indirect_dma semaphore(%arg14 : memref<!tpu.dma_semaphore, #tpu.memory_space<semaphore_mem>>) src(%dma_wait3A_261 : memref<16384x128xf32, #tpu.memory_space<hbm>>) dst(%dma_wait3A_258 : memref<16x128xf32, #tpu.memory_space<vmem>>)
      %dma_wait3A_262 = arith.constant 48 : i32
      %dma_wait3A_263 = arith.constant 0 : i32
      %dma_wait3A_264 = tpu.memref_slice %arg13[%dma_wait3A_262, %dma_wait3A_263] : memref<128x128xf32, #tpu.memory_space<vmem>> -> memref<16x128xf32, #tpu.memory_space<vmem>>
      %dma_wait3A_265 = arith.constant 0 : i32
      %dma_wait3A_266 = arith.constant 0 : i32
      %dma_wait3A_267 = tpu.memref_slice %arg3[%dma_wait3A_265, %dma_wait3A_266] : memref<16384x128xf32, #tpu.memory_space<hbm>> -> memref<16384x128xf32, #tpu.memory_space<hbm>>
      tpu.wait_indirect_dma semaphore(%arg15 : memref<!tpu.dma_semaphore, #tpu.memory_space<semaphore_mem>>) src(%dma_wait3A_267 : memref<16384x128xf32, #tpu.memory_space<hbm>>) dst(%dma_wait3A_264 : memref<16x128xf32, #tpu.memory_space<vmem>>)
      %dma_wait3A_268 = arith.constant 64 : i32
      %dma_wait3A_269 = arith.constant 0 : i32
      %dma_wait3A_270 = tpu.memref_slice %arg12[%dma_wait3A_268, %dma_wait3A_269] : memref<128x128xf32, #tpu.memory_space<vmem>> -> memref<16x128xf32, #tpu.memory_space<vmem>>
      %dma_wait3A_271 = arith.constant 0 : i32
      %dma_wait3A_272 = arith.constant 0 : i32
      %dma_wait3A_273 = tpu.memref_slice %arg2[%dma_wait3A_271, %dma_wait3A_272] : memref<16384x128xf32, #tpu.memory_space<hbm>> -> memref<16384x128xf32, #tpu.memory_space<hbm>>
      tpu.wait_indirect_dma semaphore(%arg14 : memref<!tpu.dma_semaphore, #tpu.memory_space<semaphore_mem>>) src(%dma_wait3A_273 : memref<16384x128xf32, #tpu.memory_space<hbm>>) dst(%dma_wait3A_270 : memref<16x128xf32, #tpu.memory_space<vmem>>)
      %dma_wait3A_274 = arith.constant 64 : i32
      %dma_wait3A_275 = arith.constant 0 : i32
      %dma_wait3A_276 = tpu.memref_slice %arg13[%dma_wait3A_274, %dma_wait3A_275] : memref<128x128xf32, #tpu.memory_space<vmem>> -> memref<16x128xf32, #tpu.memory_space<vmem>>
      %dma_wait3A_277 = arith.constant 0 : i32
      %dma_wait3A_278 = arith.constant 0 : i32
      %dma_wait3A_279 = tpu.memref_slice %arg3[%dma_wait3A_277, %dma_wait3A_278] : memref<16384x128xf32, #tpu.memory_space<hbm>> -> memref<16384x128xf32, #tpu.memory_space<hbm>>
      tpu.wait_indirect_dma semaphore(%arg15 : memref<!tpu.dma_semaphore, #tpu.memory_space<semaphore_mem>>) src(%dma_wait3A_279 : memref<16384x128xf32, #tpu.memory_space<hbm>>) dst(%dma_wait3A_276 : memref<16x128xf32, #tpu.memory_space<vmem>>)
      %dma_wait3A_280 = arith.constant 80 : i32
      %dma_wait3A_281 = arith.constant 0 : i32
      %dma_wait3A_282 = tpu.memref_slice %arg12[%dma_wait3A_280, %dma_wait3A_281] : memref<128x128xf32, #tpu.memory_space<vmem>> -> memref<16x128xf32, #tpu.memory_space<vmem>>
      %dma_wait3A_283 = arith.constant 0 : i32
      %dma_wait3A_284 = arith.constant 0 : i32
      %dma_wait3A_285 = tpu.memref_slice %arg2[%dma_wait3A_283, %dma_wait3A_284] : memref<16384x128xf32, #tpu.memory_space<hbm>> -> memref<16384x128xf32, #tpu.memory_space<hbm>>
      tpu.wait_indirect_dma semaphore(%arg14 : memref<!tpu.dma_semaphore, #tpu.memory_space<semaphore_mem>>) src(%dma_wait3A_285 : memref<16384x128xf32, #tpu.memory_space<hbm>>) dst(%dma_wait3A_282 : memref<16x128xf32, #tpu.memory_space<vmem>>)
      %dma_wait3A_286 = arith.constant 80 : i32
      %dma_wait3A_287 = arith.constant 0 : i32
      %dma_wait3A_288 = tpu.memref_slice %arg13[%dma_wait3A_286, %dma_wait3A_287] : memref<128x128xf32, #tpu.memory_space<vmem>> -> memref<16x128xf32, #tpu.memory_space<vmem>>
      %dma_wait3A_289 = arith.constant 0 : i32
      %dma_wait3A_290 = arith.constant 0 : i32
      %dma_wait3A_291 = tpu.memref_slice %arg3[%dma_wait3A_289, %dma_wait3A_290] : memref<16384x128xf32, #tpu.memory_space<hbm>> -> memref<16384x128xf32, #tpu.memory_space<hbm>>
      tpu.wait_indirect_dma semaphore(%arg15 : memref<!tpu.dma_semaphore, #tpu.memory_space<semaphore_mem>>) src(%dma_wait3A_291 : memref<16384x128xf32, #tpu.memory_space<hbm>>) dst(%dma_wait3A_288 : memref<16x128xf32, #tpu.memory_space<vmem>>)
      %dma_wait3A_292 = arith.constant 96 : i32
      %dma_wait3A_293 = arith.constant 0 : i32
      %dma_wait3A_294 = tpu.memref_slice %arg12[%dma_wait3A_292, %dma_wait3A_293] : memref<128x128xf32, #tpu.memory_space<vmem>> -> memref<16x128xf32, #tpu.memory_space<vmem>>
      %dma_wait3A_295 = arith.constant 0 : i32
      %dma_wait3A_296 = arith.constant 0 : i32
      %dma_wait3A_297 = tpu.memref_slice %arg2[%dma_wait3A_295, %dma_wait3A_296] : memref<16384x128xf32, #tpu.memory_space<hbm>> -> memref<16384x128xf32, #tpu.memory_space<hbm>>
      tpu.wait_indirect_dma semaphore(%arg14 : memref<!tpu.dma_semaphore, #tpu.memory_space<semaphore_mem>>) src(%dma_wait3A_297 : memref<16384x128xf32, #tpu.memory_space<hbm>>) dst(%dma_wait3A_294 : memref<16x128xf32, #tpu.memory_space<vmem>>)
      %dma_wait3A_298 = arith.constant 96 : i32
      %dma_wait3A_299 = arith.constant 0 : i32
      %dma_wait3A_300 = tpu.memref_slice %arg13[%dma_wait3A_298, %dma_wait3A_299] : memref<128x128xf32, #tpu.memory_space<vmem>> -> memref<16x128xf32, #tpu.memory_space<vmem>>
      %dma_wait3A_301 = arith.constant 0 : i32
      %dma_wait3A_302 = arith.constant 0 : i32
      %dma_wait3A_303 = tpu.memref_slice %arg3[%dma_wait3A_301, %dma_wait3A_302] : memref<16384x128xf32, #tpu.memory_space<hbm>> -> memref<16384x128xf32, #tpu.memory_space<hbm>>
      tpu.wait_indirect_dma semaphore(%arg15 : memref<!tpu.dma_semaphore, #tpu.memory_space<semaphore_mem>>) src(%dma_wait3A_303 : memref<16384x128xf32, #tpu.memory_space<hbm>>) dst(%dma_wait3A_300 : memref<16x128xf32, #tpu.memory_space<vmem>>)
      %dma_wait3A_304 = arith.constant 112 : i32
      %dma_wait3A_305 = arith.constant 0 : i32
      %dma_wait3A_306 = tpu.memref_slice %arg12[%dma_wait3A_304, %dma_wait3A_305] : memref<128x128xf32, #tpu.memory_space<vmem>> -> memref<16x128xf32, #tpu.memory_space<vmem>>
      %dma_wait3A_307 = arith.constant 0 : i32
      %dma_wait3A_308 = arith.constant 0 : i32
      %dma_wait3A_309 = tpu.memref_slice %arg2[%dma_wait3A_307, %dma_wait3A_308] : memref<16384x128xf32, #tpu.memory_space<hbm>> -> memref<16384x128xf32, #tpu.memory_space<hbm>>
      tpu.wait_indirect_dma semaphore(%arg14 : memref<!tpu.dma_semaphore, #tpu.memory_space<semaphore_mem>>) src(%dma_wait3A_309 : memref<16384x128xf32, #tpu.memory_space<hbm>>) dst(%dma_wait3A_306 : memref<16x128xf32, #tpu.memory_space<vmem>>)
      %dma_wait3A_310 = arith.constant 112 : i32
      %dma_wait3A_311 = arith.constant 0 : i32
      %dma_wait3A_312 = tpu.memref_slice %arg13[%dma_wait3A_310, %dma_wait3A_311] : memref<128x128xf32, #tpu.memory_space<vmem>> -> memref<16x128xf32, #tpu.memory_space<vmem>>
      %dma_wait3A_313 = arith.constant 0 : i32
      %dma_wait3A_314 = arith.constant 0 : i32
      %dma_wait3A_315 = tpu.memref_slice %arg3[%dma_wait3A_313, %dma_wait3A_314] : memref<16384x128xf32, #tpu.memory_space<hbm>> -> memref<16384x128xf32, #tpu.memory_space<hbm>>
      tpu.wait_indirect_dma semaphore(%arg15 : memref<!tpu.dma_semaphore, #tpu.memory_space<semaphore_mem>>) src(%dma_wait3A_315 : memref<16384x128xf32, #tpu.memory_space<hbm>>) dst(%dma_wait3A_312 : memref<16x128xf32, #tpu.memory_space<vmem>>)
      %mul3A_316 = arith.constant 128 : i32
      %mul3A_317 = arith.muli %while3A_74, %mul3A_316 : i32
      %add3A_318 = arith.constant 0 : i32
      %add3A_319 = arith.addi %mul3A_317, %add3A_318 : i32
      %get3A_320 = arith.index_cast %add3A_319 : i32 to index
      %get3A_321 = tpu.vector_load %arg9[%get3A_320] {strides = array<i32>} : memref<3328xi32, #tpu.memory_space<vmem>>, vector<16xi32>,
      %dma_start3A_322 = arith.constant 0 : i32
      %dma_start3A_323 = arith.constant 0 : i32
      %dma_start3A_324 = tpu.memref_slice %arg12[%dma_start3A_322, %dma_start3A_323] : memref<128x128xf32, #tpu.memory_space<vmem>> -> memref<16x128xf32, #tpu.memory_space<vmem>>
      %dma_start3A_325 = arith.constant 0 : i32
      %dma_start3A_326 = arith.constant 0 : i32
      %dma_start3A_327 = tpu.memref_slice %arg8[%dma_start3A_325, %dma_start3A_326] : memref<200000x128xf32, #tpu.memory_space<hbm>> -> memref<200000x128xf32, #tpu.memory_space<hbm>>
      tpu.enqueue_indirect_dma source(%dma_start3A_324 : memref<16x128xf32, #tpu.memory_space<vmem>>) target(%dma_start3A_327 : memref<200000x128xf32, #tpu.memory_space<hbm>>) offsets(%get3A_321 : vector<16xi32>) semaphore(%arg14 : memref<!tpu.dma_semaphore, #tpu.memory_space<semaphore_mem>>)
      %add3A_328 = arith.constant 100000 : i32
      %add3A_329 = vector.broadcast %add3A_328 : i32 to vector<16xi32>
      %add3A_330 = arith.addi %get3A_321, %add3A_329 : vector<16xi32>
      %dma_start3A_331 = arith.constant 0 : i32
      %dma_start3A_332 = arith.constant 0 : i32
      %dma_start3A_333 = tpu.memref_slice %arg13[%dma_start3A_331, %dma_start3A_332] : memref<128x128xf32, #tpu.memory_space<vmem>> -> memref<16x128xf32, #tpu.memory_space<vmem>>
      %dma_start3A_334 = arith.constant 0 : i32
      %dma_start3A_335 = arith.constant 0 : i32
      %dma_start3A_336 = tpu.memref_slice %arg8[%dma_start3A_334, %dma_start3A_335] : memref<200000x128xf32, #tpu.memory_space<hbm>> -> memref<200000x128xf32, #tpu.memory_space<hbm>>
      tpu.enqueue_indirect_dma source(%dma_start3A_333 : memref<16x128xf32, #tpu.memory_space<vmem>>) target(%dma_start3A_336 : memref<200000x128xf32, #tpu.memory_space<hbm>>) offsets(%add3A_330 : vector<16xi32>) semaphore(%arg15 : memref<!tpu.dma_semaphore, #tpu.memory_space<semaphore_mem>>)
      %mul3A_337 = arith.constant 128 : i32
      %mul3A_338 = arith.muli %while3A_74, %mul3A_337 : i32
      %add3A_339 = arith.constant 16 : i32
      %add3A_340 = arith.addi %mul3A_338, %add3A_339 : i32
      %get3A_341 = arith.index_cast %add3A_340 : i32 to index
      %get3A_342 = tpu.vector_load %arg9[%get3A_341] {strides = array<i32>} : memref<3328xi32, #tpu.memory_space<vmem>>, vector<16xi32>,
      %dma_start3A_343 = arith.constant 16 : i32
      %dma_start3A_344 = arith.constant 0 : i32
      %dma_start3A_345 = tpu.memref_slice %arg12[%dma_start3A_343, %dma_start3A_344] : memref<128x128xf32, #tpu.memory_space<vmem>> -> memref<16x128xf32, #tpu.memory_space<vmem>>
      %dma_start3A_346 = arith.constant 0 : i32
      %dma_start3A_347 = arith.constant 0 : i32
      %dma_start3A_348 = tpu.memref_slice %arg8[%dma_start3A_346, %dma_start3A_347] : memref<200000x128xf32, #tpu.memory_space<hbm>> -> memref<200000x128xf32, #tpu.memory_space<hbm>>
      tpu.enqueue_indirect_dma source(%dma_start3A_345 : memref<16x128xf32, #tpu.memory_space<vmem>>) target(%dma_start3A_348 : memref<200000x128xf32, #tpu.memory_space<hbm>>) offsets(%get3A_342 : vector<16xi32>) semaphore(%arg14 : memref<!tpu.dma_semaphore, #tpu.memory_space<semaphore_mem>>)
      %add3A_349 = arith.constant 100000 : i32
      %add3A_350 = vector.broadcast %add3A_349 : i32 to vector<16xi32>
      %add3A_351 = arith.addi %get3A_342, %add3A_350 : vector<16xi32>
      %dma_start3A_352 = arith.constant 16 : i32
      %dma_start3A_353 = arith.constant 0 : i32
      %dma_start3A_354 = tpu.memref_slice %arg13[%dma_start3A_352, %dma_start3A_353] : memref<128x128xf32, #tpu.memory_space<vmem>> -> memref<16x128xf32, #tpu.memory_space<vmem>>
      %dma_start3A_355 = arith.constant 0 : i32
      %dma_start3A_356 = arith.constant 0 : i32
      %dma_start3A_357 = tpu.memref_slice %arg8[%dma_start3A_355, %dma_start3A_356] : memref<200000x128xf32, #tpu.memory_space<hbm>> -> memref<200000x128xf32, #tpu.memory_space<hbm>>
      tpu.enqueue_indirect_dma source(%dma_start3A_354 : memref<16x128xf32, #tpu.memory_space<vmem>>) target(%dma_start3A_357 : memref<200000x128xf32, #tpu.memory_space<hbm>>) offsets(%add3A_351 : vector<16xi32>) semaphore(%arg15 : memref<!tpu.dma_semaphore, #tpu.memory_space<semaphore_mem>>)
      %mul3A_358 = arith.constant 128 : i32
      %mul3A_359 = arith.muli %while3A_74, %mul3A_358 : i32
      %add3A_360 = arith.constant 32 : i32
      %add3A_361 = arith.addi %mul3A_359, %add3A_360 : i32
      %get3A_362 = arith.index_cast %add3A_361 : i32 to index
      %get3A_363 = tpu.vector_load %arg9[%get3A_362] {strides = array<i32>} : memref<3328xi32, #tpu.memory_space<vmem>>, vector<16xi32>,
      %dma_start3A_364 = arith.constant 32 : i32
      %dma_start3A_365 = arith.constant 0 : i32
      %dma_start3A_366 = tpu.memref_slice %arg12[%dma_start3A_364, %dma_start3A_365] : memref<128x128xf32, #tpu.memory_space<vmem>> -> memref<16x128xf32, #tpu.memory_space<vmem>>
      %dma_start3A_367 = arith.constant 0 : i32
      %dma_start3A_368 = arith.constant 0 : i32
      %dma_start3A_369 = tpu.memref_slice %arg8[%dma_start3A_367, %dma_start3A_368] : memref<200000x128xf32, #tpu.memory_space<hbm>> -> memref<200000x128xf32, #tpu.memory_space<hbm>>
      tpu.enqueue_indirect_dma source(%dma_start3A_366 : memref<16x128xf32, #tpu.memory_space<vmem>>) target(%dma_start3A_369 : memref<200000x128xf32, #tpu.memory_space<hbm>>) offsets(%get3A_363 : vector<16xi32>) semaphore(%arg14 : memref<!tpu.dma_semaphore, #tpu.memory_space<semaphore_mem>>)
      %add3A_370 = arith.constant 100000 : i32
      %add3A_371 = vector.broadcast %add3A_370 : i32 to vector<16xi32>
      %add3A_372 = arith.addi %get3A_363, %add3A_371 : vector<16xi32>
      %dma_start3A_373 = arith.constant 32 : i32
      %dma_start3A_374 = arith.constant 0 : i32
      %dma_start3A_375 = tpu.memref_slice %arg13[%dma_start3A_373, %dma_start3A_374] : memref<128x128xf32, #tpu.memory_space<vmem>> -> memref<16x128xf32, #tpu.memory_space<vmem>>
      %dma_start3A_376 = arith.constant 0 : i32
      %dma_start3A_377 = arith.constant 0 : i32
      %dma_start3A_378 = tpu.memref_slice %arg8[%dma_start3A_376, %dma_start3A_377] : memref<200000x128xf32, #tpu.memory_space<hbm>> -> memref<200000x128xf32, #tpu.memory_space<hbm>>
      tpu.enqueue_indirect_dma source(%dma_start3A_375 : memref<16x128xf32, #tpu.memory_space<vmem>>) target(%dma_start3A_378 : memref<200000x128xf32, #tpu.memory_space<hbm>>) offsets(%add3A_372 : vector<16xi32>) semaphore(%arg15 : memref<!tpu.dma_semaphore, #tpu.memory_space<semaphore_mem>>)
      %mul3A_379 = arith.constant 128 : i32
      %mul3A_380 = arith.muli %while3A_74, %mul3A_379 : i32
      %add3A_381 = arith.constant 48 : i32
      %add3A_382 = arith.addi %mul3A_380, %add3A_381 : i32
      %get3A_383 = arith.index_cast %add3A_382 : i32 to index
      %get3A_384 = tpu.vector_load %arg9[%get3A_383] {strides = array<i32>} : memref<3328xi32, #tpu.memory_space<vmem>>, vector<16xi32>,
      %dma_start3A_385 = arith.constant 48 : i32
      %dma_start3A_386 = arith.constant 0 : i32
      %dma_start3A_387 = tpu.memref_slice %arg12[%dma_start3A_385, %dma_start3A_386] : memref<128x128xf32, #tpu.memory_space<vmem>> -> memref<16x128xf32, #tpu.memory_space<vmem>>
      %dma_start3A_388 = arith.constant 0 : i32
      %dma_start3A_389 = arith.constant 0 : i32
      %dma_start3A_390 = tpu.memref_slice %arg8[%dma_start3A_388, %dma_start3A_389] : memref<200000x128xf32, #tpu.memory_space<hbm>> -> memref<200000x128xf32, #tpu.memory_space<hbm>>
      tpu.enqueue_indirect_dma source(%dma_start3A_387 : memref<16x128xf32, #tpu.memory_space<vmem>>) target(%dma_start3A_390 : memref<200000x128xf32, #tpu.memory_space<hbm>>) offsets(%get3A_384 : vector<16xi32>) semaphore(%arg14 : memref<!tpu.dma_semaphore, #tpu.memory_space<semaphore_mem>>)
      %add3A_391 = arith.constant 100000 : i32
      %add3A_392 = vector.broadcast %add3A_391 : i32 to vector<16xi32>
      %add3A_393 = arith.addi %get3A_384, %add3A_392 : vector<16xi32>
      %dma_start3A_394 = arith.constant 48 : i32
      %dma_start3A_395 = arith.constant 0 : i32
      %dma_start3A_396 = tpu.memref_slice %arg13[%dma_start3A_394, %dma_start3A_395] : memref<128x128xf32, #tpu.memory_space<vmem>> -> memref<16x128xf32, #tpu.memory_space<vmem>>
      %dma_start3A_397 = arith.constant 0 : i32
      %dma_start3A_398 = arith.constant 0 : i32
      %dma_start3A_399 = tpu.memref_slice %arg8[%dma_start3A_397, %dma_start3A_398] : memref<200000x128xf32, #tpu.memory_space<hbm>> -> memref<200000x128xf32, #tpu.memory_space<hbm>>
      tpu.enqueue_indirect_dma source(%dma_start3A_396 : memref<16x128xf32, #tpu.memory_space<vmem>>) target(%dma_start3A_399 : memref<200000x128xf32, #tpu.memory_space<hbm>>) offsets(%add3A_393 : vector<16xi32>) semaphore(%arg15 : memref<!tpu.dma_semaphore, #tpu.memory_space<semaphore_mem>>)
      %mul3A_400 = arith.constant 128 : i32
      %mul3A_401 = arith.muli %while3A_74, %mul3A_400 : i32
      %add3A_402 = arith.constant 64 : i32
      %add3A_403 = arith.addi %mul3A_401, %add3A_402 : i32
      %get3A_404 = arith.index_cast %add3A_403 : i32 to index
      %get3A_405 = tpu.vector_load %arg9[%get3A_404] {strides = array<i32>} : memref<3328xi32, #tpu.memory_space<vmem>>, vector<16xi32>,
      %dma_start3A_406 = arith.constant 64 : i32
      %dma_start3A_407 = arith.constant 0 : i32
      %dma_start3A_408 = tpu.memref_slice %arg12[%dma_start3A_406, %dma_start3A_407] : memref<128x128xf32, #tpu.memory_space<vmem>> -> memref<16x128xf32, #tpu.memory_space<vmem>>
      %dma_start3A_409 = arith.constant 0 : i32
      %dma_start3A_410 = arith.constant 0 : i32
      %dma_start3A_411 = tpu.memref_slice %arg8[%dma_start3A_409, %dma_start3A_410] : memref<200000x128xf32, #tpu.memory_space<hbm>> -> memref<200000x128xf32, #tpu.memory_space<hbm>>
      tpu.enqueue_indirect_dma source(%dma_start3A_408 : memref<16x128xf32, #tpu.memory_space<vmem>>) target(%dma_start3A_411 : memref<200000x128xf32, #tpu.memory_space<hbm>>) offsets(%get3A_405 : vector<16xi32>) semaphore(%arg14 : memref<!tpu.dma_semaphore, #tpu.memory_space<semaphore_mem>>)
      %add3A_412 = arith.constant 100000 : i32
      %add3A_413 = vector.broadcast %add3A_412 : i32 to vector<16xi32>
      %add3A_414 = arith.addi %get3A_405, %add3A_413 : vector<16xi32>
      %dma_start3A_415 = arith.constant 64 : i32
      %dma_start3A_416 = arith.constant 0 : i32
      %dma_start3A_417 = tpu.memref_slice %arg13[%dma_start3A_415, %dma_start3A_416] : memref<128x128xf32, #tpu.memory_space<vmem>> -> memref<16x128xf32, #tpu.memory_space<vmem>>
      %dma_start3A_418 = arith.constant 0 : i32
      %dma_start3A_419 = arith.constant 0 : i32
      %dma_start3A_420 = tpu.memref_slice %arg8[%dma_start3A_418, %dma_start3A_419] : memref<200000x128xf32, #tpu.memory_space<hbm>> -> memref<200000x128xf32, #tpu.memory_space<hbm>>
      tpu.enqueue_indirect_dma source(%dma_start3A_417 : memref<16x128xf32, #tpu.memory_space<vmem>>) target(%dma_start3A_420 : memref<200000x128xf32, #tpu.memory_space<hbm>>) offsets(%add3A_414 : vector<16xi32>) semaphore(%arg15 : memref<!tpu.dma_semaphore, #tpu.memory_space<semaphore_mem>>)
      %mul3A_421 = arith.constant 128 : i32
      %mul3A_422 = arith.muli %while3A_74, %mul3A_421 : i32
      %add3A_423 = arith.constant 80 : i32
      %add3A_424 = arith.addi %mul3A_422, %add3A_423 : i32
      %get3A_425 = arith.index_cast %add3A_424 : i32 to index
      %get3A_426 = tpu.vector_load %arg9[%get3A_425] {strides = array<i32>} : memref<3328xi32, #tpu.memory_space<vmem>>, vector<16xi32>,
      %dma_start3A_427 = arith.constant 80 : i32
      %dma_start3A_428 = arith.constant 0 : i32
      %dma_start3A_429 = tpu.memref_slice %arg12[%dma_start3A_427, %dma_start3A_428] : memref<128x128xf32, #tpu.memory_space<vmem>> -> memref<16x128xf32, #tpu.memory_space<vmem>>
      %dma_start3A_430 = arith.constant 0 : i32
      %dma_start3A_431 = arith.constant 0 : i32
      %dma_start3A_432 = tpu.memref_slice %arg8[%dma_start3A_430, %dma_start3A_431] : memref<200000x128xf32, #tpu.memory_space<hbm>> -> memref<200000x128xf32, #tpu.memory_space<hbm>>
      tpu.enqueue_indirect_dma source(%dma_start3A_429 : memref<16x128xf32, #tpu.memory_space<vmem>>) target(%dma_start3A_432 : memref<200000x128xf32, #tpu.memory_space<hbm>>) offsets(%get3A_426 : vector<16xi32>) semaphore(%arg14 : memref<!tpu.dma_semaphore, #tpu.memory_space<semaphore_mem>>)
      %add3A_433 = arith.constant 100000 : i32
      %add3A_434 = vector.broadcast %add3A_433 : i32 to vector<16xi32>
      %add3A_435 = arith.addi %get3A_426, %add3A_434 : vector<16xi32>
      %dma_start3A_436 = arith.constant 80 : i32
      %dma_start3A_437 = arith.constant 0 : i32
      %dma_start3A_438 = tpu.memref_slice %arg13[%dma_start3A_436, %dma_start3A_437] : memref<128x128xf32, #tpu.memory_space<vmem>> -> memref<16x128xf32, #tpu.memory_space<vmem>>
      %dma_start3A_439 = arith.constant 0 : i32
      %dma_start3A_440 = arith.constant 0 : i32
      %dma_start3A_441 = tpu.memref_slice %arg8[%dma_start3A_439, %dma_start3A_440] : memref<200000x128xf32, #tpu.memory_space<hbm>> -> memref<200000x128xf32, #tpu.memory_space<hbm>>
      tpu.enqueue_indirect_dma source(%dma_start3A_438 : memref<16x128xf32, #tpu.memory_space<vmem>>) target(%dma_start3A_441 : memref<200000x128xf32, #tpu.memory_space<hbm>>) offsets(%add3A_435 : vector<16xi32>) semaphore(%arg15 : memref<!tpu.dma_semaphore, #tpu.memory_space<semaphore_mem>>)
      %mul3A_442 = arith.constant 128 : i32
      %mul3A_443 = arith.muli %while3A_74, %mul3A_442 : i32
      %add3A_444 = arith.constant 96 : i32
      %add3A_445 = arith.addi %mul3A_443, %add3A_444 : i32
      %get3A_446 = arith.index_cast %add3A_445 : i32 to index
      %get3A_447 = tpu.vector_load %arg9[%get3A_446] {strides = array<i32>} : memref<3328xi32, #tpu.memory_space<vmem>>, vector<16xi32>,
      %dma_start3A_448 = arith.constant 96 : i32
      %dma_start3A_449 = arith.constant 0 : i32
      %dma_start3A_450 = tpu.memref_slice %arg12[%dma_start3A_448, %dma_start3A_449] : memref<128x128xf32, #tpu.memory_space<vmem>> -> memref<16x128xf32, #tpu.memory_space<vmem>>
      %dma_start3A_451 = arith.constant 0 : i32
      %dma_start3A_452 = arith.constant 0 : i32
      %dma_start3A_453 = tpu.memref_slice %arg8[%dma_start3A_451, %dma_start3A_452] : memref<200000x128xf32, #tpu.memory_space<hbm>> -> memref<200000x128xf32, #tpu.memory_space<hbm>>
      tpu.enqueue_indirect_dma source(%dma_start3A_450 : memref<16x128xf32, #tpu.memory_space<vmem>>) target(%dma_start3A_453 : memref<200000x128xf32, #tpu.memory_space<hbm>>) offsets(%get3A_447 : vector<16xi32>) semaphore(%arg14 : memref<!tpu.dma_semaphore, #tpu.memory_space<semaphore_mem>>)
      %add3A_454 = arith.constant 100000 : i32
      %add3A_455 = vector.broadcast %add3A_454 : i32 to vector<16xi32>
      %add3A_456 = arith.addi %get3A_447, %add3A_455 : vector<16xi32>
      %dma_start3A_457 = arith.constant 96 : i32
      %dma_start3A_458 = arith.constant 0 : i32
      %dma_start3A_459 = tpu.memref_slice %arg13[%dma_start3A_457, %dma_start3A_458] : memref<128x128xf32, #tpu.memory_space<vmem>> -> memref<16x128xf32, #tpu.memory_space<vmem>>
      %dma_start3A_460 = arith.constant 0 : i32
      %dma_start3A_461 = arith.constant 0 : i32
      %dma_start3A_462 = tpu.memref_slice %arg8[%dma_start3A_460, %dma_start3A_461] : memref<200000x128xf32, #tpu.memory_space<hbm>> -> memref<200000x128xf32, #tpu.memory_space<hbm>>
      tpu.enqueue_indirect_dma source(%dma_start3A_459 : memref<16x128xf32, #tpu.memory_space<vmem>>) target(%dma_start3A_462 : memref<200000x128xf32, #tpu.memory_space<hbm>>) offsets(%add3A_456 : vector<16xi32>) semaphore(%arg15 : memref<!tpu.dma_semaphore, #tpu.memory_space<semaphore_mem>>)
      %mul3A_463 = arith.constant 128 : i32
      %mul3A_464 = arith.muli %while3A_74, %mul3A_463 : i32
      %add3A_465 = arith.constant 112 : i32
      %add3A_466 = arith.addi %mul3A_464, %add3A_465 : i32
      %get3A_467 = arith.index_cast %add3A_466 : i32 to index
      %get3A_468 = tpu.vector_load %arg9[%get3A_467] {strides = array<i32>} : memref<3328xi32, #tpu.memory_space<vmem>>, vector<16xi32>,
      %dma_start3A_469 = arith.constant 112 : i32
      %dma_start3A_470 = arith.constant 0 : i32
      %dma_start3A_471 = tpu.memref_slice %arg12[%dma_start3A_469, %dma_start3A_470] : memref<128x128xf32, #tpu.memory_space<vmem>> -> memref<16x128xf32, #tpu.memory_space<vmem>>
      %dma_start3A_472 = arith.constant 0 : i32
      %dma_start3A_473 = arith.constant 0 : i32
      %dma_start3A_474 = tpu.memref_slice %arg8[%dma_start3A_472, %dma_start3A_473] : memref<200000x128xf32, #tpu.memory_space<hbm>> -> memref<200000x128xf32, #tpu.memory_space<hbm>>
      tpu.enqueue_indirect_dma source(%dma_start3A_471 : memref<16x128xf32, #tpu.memory_space<vmem>>) target(%dma_start3A_474 : memref<200000x128xf32, #tpu.memory_space<hbm>>) offsets(%get3A_468 : vector<16xi32>) semaphore(%arg14 : memref<!tpu.dma_semaphore, #tpu.memory_space<semaphore_mem>>)
      %add3A_475 = arith.constant 100000 : i32
      %add3A_476 = vector.broadcast %add3A_475 : i32 to vector<16xi32>
      %add3A_477 = arith.addi %get3A_468, %add3A_476 : vector<16xi32>
      %dma_start3A_478 = arith.constant 112 : i32
      %dma_start3A_479 = arith.constant 0 : i32
      %dma_start3A_480 = tpu.memref_slice %arg13[%dma_start3A_478, %dma_start3A_479] : memref<128x128xf32, #tpu.memory_space<vmem>> -> memref<16x128xf32, #tpu.memory_space<vmem>>
      %dma_start3A_481 = arith.constant 0 : i32
      %dma_start3A_482 = arith.constant 0 : i32
      %dma_start3A_483 = tpu.memref_slice %arg8[%dma_start3A_481, %dma_start3A_482] : memref<200000x128xf32, #tpu.memory_space<hbm>> -> memref<200000x128xf32, #tpu.memory_space<hbm>>
      tpu.enqueue_indirect_dma source(%dma_start3A_480 : memref<16x128xf32, #tpu.memory_space<vmem>>) target(%dma_start3A_483 : memref<200000x128xf32, #tpu.memory_space<hbm>>) offsets(%add3A_477 : vector<16xi32>) semaphore(%arg15 : memref<!tpu.dma_semaphore, #tpu.memory_space<semaphore_mem>>)
      %dma_wait3A_484 = arith.constant 0 : i32
      %dma_wait3A_485 = arith.constant 0 : i32
      %dma_wait3A_486 = tpu.memref_slice %arg12[%dma_wait3A_484, %dma_wait3A_485] : memref<128x128xf32, #tpu.memory_space<vmem>> -> memref<16x128xf32, #tpu.memory_space<vmem>>
      %dma_wait3A_487 = arith.constant 0 : i32
      %dma_wait3A_488 = arith.constant 0 : i32
      %dma_wait3A_489 = tpu.memref_slice %arg8[%dma_wait3A_487, %dma_wait3A_488] : memref<200000x128xf32, #tpu.memory_space<hbm>> -> memref<200000x128xf32, #tpu.memory_space<hbm>>
      tpu.wait_indirect_dma semaphore(%arg14 : memref<!tpu.dma_semaphore, #tpu.memory_space<semaphore_mem>>) src(%dma_wait3A_486 : memref<16x128xf32, #tpu.memory_space<vmem>>) dst(%dma_wait3A_489 : memref<200000x128xf32, #tpu.memory_space<hbm>>)
      %dma_wait3A_490 = arith.constant 0 : i32
      %dma_wait3A_491 = arith.constant 0 : i32
      %dma_wait3A_492 = tpu.memref_slice %arg13[%dma_wait3A_490, %dma_wait3A_491] : memref<128x128xf32, #tpu.memory_space<vmem>> -> memref<16x128xf32, #tpu.memory_space<vmem>>
      %dma_wait3A_493 = arith.constant 0 : i32
      %dma_wait3A_494 = arith.constant 0 : i32
      %dma_wait3A_495 = tpu.memref_slice %arg8[%dma_wait3A_493, %dma_wait3A_494] : memref<200000x128xf32, #tpu.memory_space<hbm>> -> memref<200000x128xf32, #tpu.memory_space<hbm>>
      tpu.wait_indirect_dma semaphore(%arg15 : memref<!tpu.dma_semaphore, #tpu.memory_space<semaphore_mem>>) src(%dma_wait3A_492 : memref<16x128xf32, #tpu.memory_space<vmem>>) dst(%dma_wait3A_495 : memref<200000x128xf32, #tpu.memory_space<hbm>>)
      %dma_wait3A_496 = arith.constant 16 : i32
      %dma_wait3A_497 = arith.constant 0 : i32
      %dma_wait3A_498 = tpu.memref_slice %arg12[%dma_wait3A_496, %dma_wait3A_497] : memref<128x128xf32, #tpu.memory_space<vmem>> -> memref<16x128xf32, #tpu.memory_space<vmem>>
      %dma_wait3A_499 = arith.constant 0 : i32
      %dma_wait3A_500 = arith.constant 0 : i32
      %dma_wait3A_501 = tpu.memref_slice %arg8[%dma_wait3A_499, %dma_wait3A_500] : memref<200000x128xf32, #tpu.memory_space<hbm>> -> memref<200000x128xf32, #tpu.memory_space<hbm>>
      tpu.wait_indirect_dma semaphore(%arg14 : memref<!tpu.dma_semaphore, #tpu.memory_space<semaphore_mem>>) src(%dma_wait3A_498 : memref<16x128xf32, #tpu.memory_space<vmem>>) dst(%dma_wait3A_501 : memref<200000x128xf32, #tpu.memory_space<hbm>>)
      %dma_wait3A_502 = arith.constant 16 : i32
      %dma_wait3A_503 = arith.constant 0 : i32
      %dma_wait3A_504 = tpu.memref_slice %arg13[%dma_wait3A_502, %dma_wait3A_503] : memref<128x128xf32, #tpu.memory_space<vmem>> -> memref<16x128xf32, #tpu.memory_space<vmem>>
      %dma_wait3A_505 = arith.constant 0 : i32
      %dma_wait3A_506 = arith.constant 0 : i32
      %dma_wait3A_507 = tpu.memref_slice %arg8[%dma_wait3A_505, %dma_wait3A_506] : memref<200000x128xf32, #tpu.memory_space<hbm>> -> memref<200000x128xf32, #tpu.memory_space<hbm>>
      tpu.wait_indirect_dma semaphore(%arg15 : memref<!tpu.dma_semaphore, #tpu.memory_space<semaphore_mem>>) src(%dma_wait3A_504 : memref<16x128xf32, #tpu.memory_space<vmem>>) dst(%dma_wait3A_507 : memref<200000x128xf32, #tpu.memory_space<hbm>>)
      %dma_wait3A_508 = arith.constant 32 : i32
      %dma_wait3A_509 = arith.constant 0 : i32
      %dma_wait3A_510 = tpu.memref_slice %arg12[%dma_wait3A_508, %dma_wait3A_509] : memref<128x128xf32, #tpu.memory_space<vmem>> -> memref<16x128xf32, #tpu.memory_space<vmem>>
      %dma_wait3A_511 = arith.constant 0 : i32
      %dma_wait3A_512 = arith.constant 0 : i32
      %dma_wait3A_513 = tpu.memref_slice %arg8[%dma_wait3A_511, %dma_wait3A_512] : memref<200000x128xf32, #tpu.memory_space<hbm>> -> memref<200000x128xf32, #tpu.memory_space<hbm>>
      tpu.wait_indirect_dma semaphore(%arg14 : memref<!tpu.dma_semaphore, #tpu.memory_space<semaphore_mem>>) src(%dma_wait3A_510 : memref<16x128xf32, #tpu.memory_space<vmem>>) dst(%dma_wait3A_513 : memref<200000x128xf32, #tpu.memory_space<hbm>>)
      %dma_wait3A_514 = arith.constant 32 : i32
      %dma_wait3A_515 = arith.constant 0 : i32
      %dma_wait3A_516 = tpu.memref_slice %arg13[%dma_wait3A_514, %dma_wait3A_515] : memref<128x128xf32, #tpu.memory_space<vmem>> -> memref<16x128xf32, #tpu.memory_space<vmem>>
      %dma_wait3A_517 = arith.constant 0 : i32
      %dma_wait3A_518 = arith.constant 0 : i32
      %dma_wait3A_519 = tpu.memref_slice %arg8[%dma_wait3A_517, %dma_wait3A_518] : memref<200000x128xf32, #tpu.memory_space<hbm>> -> memref<200000x128xf32, #tpu.memory_space<hbm>>
      tpu.wait_indirect_dma semaphore(%arg15 : memref<!tpu.dma_semaphore, #tpu.memory_space<semaphore_mem>>) src(%dma_wait3A_516 : memref<16x128xf32, #tpu.memory_space<vmem>>) dst(%dma_wait3A_519 : memref<200000x128xf32, #tpu.memory_space<hbm>>)
      %dma_wait3A_520 = arith.constant 48 : i32
      %dma_wait3A_521 = arith.constant 0 : i32
      %dma_wait3A_522 = tpu.memref_slice %arg12[%dma_wait3A_520, %dma_wait3A_521] : memref<128x128xf32, #tpu.memory_space<vmem>> -> memref<16x128xf32, #tpu.memory_space<vmem>>
      %dma_wait3A_523 = arith.constant 0 : i32
      %dma_wait3A_524 = arith.constant 0 : i32
      %dma_wait3A_525 = tpu.memref_slice %arg8[%dma_wait3A_523, %dma_wait3A_524] : memref<200000x128xf32, #tpu.memory_space<hbm>> -> memref<200000x128xf32, #tpu.memory_space<hbm>>
      tpu.wait_indirect_dma semaphore(%arg14 : memref<!tpu.dma_semaphore, #tpu.memory_space<semaphore_mem>>) src(%dma_wait3A_522 : memref<16x128xf32, #tpu.memory_space<vmem>>) dst(%dma_wait3A_525 : memref<200000x128xf32, #tpu.memory_space<hbm>>)
      %dma_wait3A_526 = arith.constant 48 : i32
      %dma_wait3A_527 = arith.constant 0 : i32
      %dma_wait3A_528 = tpu.memref_slice %arg13[%dma_wait3A_526, %dma_wait3A_527] : memref<128x128xf32, #tpu.memory_space<vmem>> -> memref<16x128xf32, #tpu.memory_space<vmem>>
      %dma_wait3A_529 = arith.constant 0 : i32
      %dma_wait3A_530 = arith.constant 0 : i32
      %dma_wait3A_531 = tpu.memref_slice %arg8[%dma_wait3A_529, %dma_wait3A_530] : memref<200000x128xf32, #tpu.memory_space<hbm>> -> memref<200000x128xf32, #tpu.memory_space<hbm>>
      tpu.wait_indirect_dma semaphore(%arg15 : memref<!tpu.dma_semaphore, #tpu.memory_space<semaphore_mem>>) src(%dma_wait3A_528 : memref<16x128xf32, #tpu.memory_space<vmem>>) dst(%dma_wait3A_531 : memref<200000x128xf32, #tpu.memory_space<hbm>>)
      %dma_wait3A_532 = arith.constant 64 : i32
      %dma_wait3A_533 = arith.constant 0 : i32
      %dma_wait3A_534 = tpu.memref_slice %arg12[%dma_wait3A_532, %dma_wait3A_533] : memref<128x128xf32, #tpu.memory_space<vmem>> -> memref<16x128xf32, #tpu.memory_space<vmem>>
      %dma_wait3A_535 = arith.constant 0 : i32
      %dma_wait3A_536 = arith.constant 0 : i32
      %dma_wait3A_537 = tpu.memref_slice %arg8[%dma_wait3A_535, %dma_wait3A_536] : memref<200000x128xf32, #tpu.memory_space<hbm>> -> memref<200000x128xf32, #tpu.memory_space<hbm>>
      tpu.wait_indirect_dma semaphore(%arg14 : memref<!tpu.dma_semaphore, #tpu.memory_space<semaphore_mem>>) src(%dma_wait3A_534 : memref<16x128xf32, #tpu.memory_space<vmem>>) dst(%dma_wait3A_537 : memref<200000x128xf32, #tpu.memory_space<hbm>>)
      %dma_wait3A_538 = arith.constant 64 : i32
      %dma_wait3A_539 = arith.constant 0 : i32
      %dma_wait3A_540 = tpu.memref_slice %arg13[%dma_wait3A_538, %dma_wait3A_539] : memref<128x128xf32, #tpu.memory_space<vmem>> -> memref<16x128xf32, #tpu.memory_space<vmem>>
      %dma_wait3A_541 = arith.constant 0 : i32
      %dma_wait3A_542 = arith.constant 0 : i32
      %dma_wait3A_543 = tpu.memref_slice %arg8[%dma_wait3A_541, %dma_wait3A_542] : memref<200000x128xf32, #tpu.memory_space<hbm>> -> memref<200000x128xf32, #tpu.memory_space<hbm>>
      tpu.wait_indirect_dma semaphore(%arg15 : memref<!tpu.dma_semaphore, #tpu.memory_space<semaphore_mem>>) src(%dma_wait3A_540 : memref<16x128xf32, #tpu.memory_space<vmem>>) dst(%dma_wait3A_543 : memref<200000x128xf32, #tpu.memory_space<hbm>>)
      %dma_wait3A_544 = arith.constant 80 : i32
      %dma_wait3A_545 = arith.constant 0 : i32
      %dma_wait3A_546 = tpu.memref_slice %arg12[%dma_wait3A_544, %dma_wait3A_545] : memref<128x128xf32, #tpu.memory_space<vmem>> -> memref<16x128xf32, #tpu.memory_space<vmem>>
      %dma_wait3A_547 = arith.constant 0 : i32
      %dma_wait3A_548 = arith.constant 0 : i32
      %dma_wait3A_549 = tpu.memref_slice %arg8[%dma_wait3A_547, %dma_wait3A_548] : memref<200000x128xf32, #tpu.memory_space<hbm>> -> memref<200000x128xf32, #tpu.memory_space<hbm>>
      tpu.wait_indirect_dma semaphore(%arg14 : memref<!tpu.dma_semaphore, #tpu.memory_space<semaphore_mem>>) src(%dma_wait3A_546 : memref<16x128xf32, #tpu.memory_space<vmem>>) dst(%dma_wait3A_549 : memref<200000x128xf32, #tpu.memory_space<hbm>>)
      %dma_wait3A_550 = arith.constant 80 : i32
      %dma_wait3A_551 = arith.constant 0 : i32
      %dma_wait3A_552 = tpu.memref_slice %arg13[%dma_wait3A_550, %dma_wait3A_551] : memref<128x128xf32, #tpu.memory_space<vmem>> -> memref<16x128xf32, #tpu.memory_space<vmem>>
      %dma_wait3A_553 = arith.constant 0 : i32
      %dma_wait3A_554 = arith.constant 0 : i32
      %dma_wait3A_555 = tpu.memref_slice %arg8[%dma_wait3A_553, %dma_wait3A_554] : memref<200000x128xf32, #tpu.memory_space<hbm>> -> memref<200000x128xf32, #tpu.memory_space<hbm>>
      tpu.wait_indirect_dma semaphore(%arg15 : memref<!tpu.dma_semaphore, #tpu.memory_space<semaphore_mem>>) src(%dma_wait3A_552 : memref<16x128xf32, #tpu.memory_space<vmem>>) dst(%dma_wait3A_555 : memref<200000x128xf32, #tpu.memory_space<hbm>>)
      %dma_wait3A_556 = arith.constant 96 : i32
      %dma_wait3A_557 = arith.constant 0 : i32
      %dma_wait3A_558 = tpu.memref_slice %arg12[%dma_wait3A_556, %dma_wait3A_557] : memref<128x128xf32, #tpu.memory_space<vmem>> -> memref<16x128xf32, #tpu.memory_space<vmem>>
      %dma_wait3A_559 = arith.constant 0 : i32
      %dma_wait3A_560 = arith.constant 0 : i32
      %dma_wait3A_561 = tpu.memref_slice %arg8[%dma_wait3A_559, %dma_wait3A_560] : memref<200000x128xf32, #tpu.memory_space<hbm>> -> memref<200000x128xf32, #tpu.memory_space<hbm>>
      tpu.wait_indirect_dma semaphore(%arg14 : memref<!tpu.dma_semaphore, #tpu.memory_space<semaphore_mem>>) src(%dma_wait3A_558 : memref<16x128xf32, #tpu.memory_space<vmem>>) dst(%dma_wait3A_561 : memref<200000x128xf32, #tpu.memory_space<hbm>>)
      %dma_wait3A_562 = arith.constant 96 : i32
      %dma_wait3A_563 = arith.constant 0 : i32
      %dma_wait3A_564 = tpu.memref_slice %arg13[%dma_wait3A_562, %dma_wait3A_563] : memref<128x128xf32, #tpu.memory_space<vmem>> -> memref<16x128xf32, #tpu.memory_space<vmem>>
      %dma_wait3A_565 = arith.constant 0 : i32
      %dma_wait3A_566 = arith.constant 0 : i32
      %dma_wait3A_567 = tpu.memref_slice %arg8[%dma_wait3A_565, %dma_wait3A_566] : memref<200000x128xf32, #tpu.memory_space<hbm>> -> memref<200000x128xf32, #tpu.memory_space<hbm>>
      tpu.wait_indirect_dma semaphore(%arg15 : memref<!tpu.dma_semaphore, #tpu.memory_space<semaphore_mem>>) src(%dma_wait3A_564 : memref<16x128xf32, #tpu.memory_space<vmem>>) dst(%dma_wait3A_567 : memref<200000x128xf32, #tpu.memory_space<hbm>>)
      %dma_wait3A_568 = arith.constant 112 : i32
      %dma_wait3A_569 = arith.constant 0 : i32
      %dma_wait3A_570 = tpu.memref_slice %arg12[%dma_wait3A_568, %dma_wait3A_569] : memref<128x128xf32, #tpu.memory_space<vmem>> -> memref<16x128xf32, #tpu.memory_space<vmem>>
      %dma_wait3A_571 = arith.constant 0 : i32
      %dma_wait3A_572 = arith.constant 0 : i32
      %dma_wait3A_573 = tpu.memref_slice %arg8[%dma_wait3A_571, %dma_wait3A_572] : memref<200000x128xf32, #tpu.memory_space<hbm>> -> memref<200000x128xf32, #tpu.memory_space<hbm>>
      tpu.wait_indirect_dma semaphore(%arg14 : memref<!tpu.dma_semaphore, #tpu.memory_space<semaphore_mem>>) src(%dma_wait3A_570 : memref<16x128xf32, #tpu.memory_space<vmem>>) dst(%dma_wait3A_573 : memref<200000x128xf32, #tpu.memory_space<hbm>>)
      %dma_wait3A_574 = arith.constant 112 : i32
      %dma_wait3A_575 = arith.constant 0 : i32
      %dma_wait3A_576 = tpu.memref_slice %arg13[%dma_wait3A_574, %dma_wait3A_575] : memref<128x128xf32, #tpu.memory_space<vmem>> -> memref<16x128xf32, #tpu.memory_space<vmem>>
      %dma_wait3A_577 = arith.constant 0 : i32
      %dma_wait3A_578 = arith.constant 0 : i32
      %dma_wait3A_579 = tpu.memref_slice %arg8[%dma_wait3A_577, %dma_wait3A_578] : memref<200000x128xf32, #tpu.memory_space<hbm>> -> memref<200000x128xf32, #tpu.memory_space<hbm>>
      tpu.wait_indirect_dma semaphore(%arg15 : memref<!tpu.dma_semaphore, #tpu.memory_space<semaphore_mem>>) src(%dma_wait3A_576 : memref<16x128xf32, #tpu.memory_space<vmem>>) dst(%dma_wait3A_579 : memref<200000x128xf32, #tpu.memory_space<hbm>>)
      %while3A_580 = arith.constant 0 : i32
      scf.yield %while3A_580 : i32
    }
    %while3A_72 = arith.constant 1 : i32
    %while3A_73 = scf.for %while3A_74 = %while3A_69 to %while3A_65 step %while3A_72 iter_args(%while3A_75 = %while3A_71) -> (i32)  : i32 {
      %mul3A_76 = arith.constant 128 : i32
      %mul3A_77 = arith.muli %while3A_74, %mul3A_76 : i32
      %add3A_78 = arith.constant 0 : i32
      %add3A_79 = arith.addi %mul3A_77, %add3A_78 : i32
      %get3A_80 = arith.index_cast %add3A_79 : i32 to index
      %get3A_81 = tpu.vector_load %arg10[%get3A_80] {strides = array<i32>} : memref<3328xi32, #tpu.memory_space<vmem>>, vector<16xi32>,
      %dma_start3A_82 = arith.constant 0 : i32
      %dma_start3A_83 = arith.constant 0 : i32
      %dma_start3A_84 = tpu.memref_slice %arg12[%dma_start3A_82, %dma_start3A_83] : memref<128x128xf32, #tpu.memory_space<vmem>> -> memref<16x128xf32, #tpu.memory_space<vmem>>
      %dma_start3A_85 = arith.constant 0 : i32
      %dma_start3A_86 = arith.constant 0 : i32
      %dma_start3A_87 = tpu.memref_slice %arg2[%dma_start3A_85, %dma_start3A_86] : memref<16384x128xf32, #tpu.memory_space<hbm>> -> memref<16384x128xf32, #tpu.memory_space<hbm>>
      tpu.enqueue_indirect_dma source(%dma_start3A_87 : memref<16384x128xf32, #tpu.memory_space<hbm>>) target(%dma_start3A_84 : memref<16x128xf32, #tpu.memory_space<vmem>>) offsets(%get3A_81 : vector<16xi32>) semaphore(%arg14 : memref<!tpu.dma_semaphore, #tpu.memory_space<semaphore_mem>>)
      %dma_start3A_88 = arith.constant 0 : i32
      %dma_start3A_89 = arith.constant 0 : i32
      %dma_start3A_90 = tpu.memref_slice %arg13[%dma_start3A_88, %dma_start3A_89] : memref<128x128xf32, #tpu.memory_space<vmem>> -> memref<16x128xf32, #tpu.memory_space<vmem>>
      %dma_start3A_91 = arith.constant 0 : i32
      %dma_start3A_92 = arith.constant 0 : i32
      %dma_start3A_93 = tpu.memref_slice %arg3[%dma_start3A_91, %dma_start3A_92] : memref<16384x128xf32, #tpu.memory_space<hbm>> -> memref<16384x128xf32, #tpu.memory_space<hbm>>
      tpu.enqueue_indirect_dma source(%dma_start3A_93 : memref<16384x128xf32, #tpu.memory_space<hbm>>) target(%dma_start3A_90 : memref<16x128xf32, #tpu.memory_space<vmem>>) offsets(%get3A_81 : vector<16xi32>) semaphore(%arg15 : memref<!tpu.dma_semaphore, #tpu.memory_space<semaphore_mem>>)
      %mul3A_94 = arith.constant 128 : i32
      %mul3A_95 = arith.muli %while3A_74, %mul3A_94 : i32
      %add3A_96 = arith.constant 16 : i32
      %add3A_97 = arith.addi %mul3A_95, %add3A_96 : i32
      %get3A_98 = arith.index_cast %add3A_97 : i32 to index
      %get3A_99 = tpu.vector_load %arg10[%get3A_98] {strides = array<i32>} : memref<3328xi32, #tpu.memory_space<vmem>>, vector<16xi32>,
      %dma_start3A_100 = arith.constant 16 : i32
      %dma_start3A_101 = arith.constant 0 : i32
      %dma_start3A_102 = tpu.memref_slice %arg12[%dma_start3A_100, %dma_start3A_101] : memref<128x128xf32, #tpu.memory_space<vmem>> -> memref<16x128xf32, #tpu.memory_space<vmem>>
      %dma_start3A_103 = arith.constant 0 : i32
      %dma_start3A_104 = arith.constant 0 : i32
      %dma_start3A_105 = tpu.memref_slice %arg2[%dma_start3A_103, %dma_start3A_104] : memref<16384x128xf32, #tpu.memory_space<hbm>> -> memref<16384x128xf32, #tpu.memory_space<hbm>>
      tpu.enqueue_indirect_dma source(%dma_start3A_105 : memref<16384x128xf32, #tpu.memory_space<hbm>>) target(%dma_start3A_102 : memref<16x128xf32, #tpu.memory_space<vmem>>) offsets(%get3A_99 : vector<16xi32>) semaphore(%arg14 : memref<!tpu.dma_semaphore, #tpu.memory_space<semaphore_mem>>)
      %dma_start3A_106 = arith.constant 16 : i32
      %dma_start3A_107 = arith.constant 0 : i32
      %dma_start3A_108 = tpu.memref_slice %arg13[%dma_start3A_106, %dma_start3A_107] : memref<128x128xf32, #tpu.memory_space<vmem>> -> memref<16x128xf32, #tpu.memory_space<vmem>>
      %dma_start3A_109 = arith.constant 0 : i32
      %dma_start3A_110 = arith.constant 0 : i32
      %dma_start3A_111 = tpu.memref_slice %arg3[%dma_start3A_109, %dma_start3A_110] : memref<16384x128xf32, #tpu.memory_space<hbm>> -> memref<16384x128xf32, #tpu.memory_space<hbm>>
      tpu.enqueue_indirect_dma source(%dma_start3A_111 : memref<16384x128xf32, #tpu.memory_space<hbm>>) target(%dma_start3A_108 : memref<16x128xf32, #tpu.memory_space<vmem>>) offsets(%get3A_99 : vector<16xi32>) semaphore(%arg15 : memref<!tpu.dma_semaphore, #tpu.memory_space<semaphore_mem>>)
      %mul3A_112 = arith.constant 128 : i32
      %mul3A_113 = arith.muli %while3A_74, %mul3A_112 : i32
      %add3A_114 = arith.constant 32 : i32
      %add3A_115 = arith.addi %mul3A_113, %add3A_114 : i32
      %get3A_116 = arith.index_cast %add3A_115 : i32 to index
      %get3A_117 = tpu.vector_load %arg10[%get3A_116] {strides = array<i32>} : memref<3328xi32, #tpu.memory_space<vmem>>, vector<16xi32>,
      %dma_start3A_118 = arith.constant 32 : i32
      %dma_start3A_119 = arith.constant 0 : i32
      %dma_start3A_120 = tpu.memref_slice %arg12[%dma_start3A_118, %dma_start3A_119] : memref<128x128xf32, #tpu.memory_space<vmem>> -> memref<16x128xf32, #tpu.memory_space<vmem>>
      %dma_start3A_121 = arith.constant 0 : i32
      %dma_start3A_122 = arith.constant 0 : i32
      %dma_start3A_123 = tpu.memref_slice %arg2[%dma_start3A_121, %dma_start3A_122] : memref<16384x128xf32, #tpu.memory_space<hbm>> -> memref<16384x128xf32, #tpu.memory_space<hbm>>
      tpu.enqueue_indirect_dma source(%dma_start3A_123 : memref<16384x128xf32, #tpu.memory_space<hbm>>) target(%dma_start3A_120 : memref<16x128xf32, #tpu.memory_space<vmem>>) offsets(%get3A_117 : vector<16xi32>) semaphore(%arg14 : memref<!tpu.dma_semaphore, #tpu.memory_space<semaphore_mem>>)
      %dma_start3A_124 = arith.constant 32 : i32
      %dma_start3A_125 = arith.constant 0 : i32
      %dma_start3A_126 = tpu.memref_slice %arg13[%dma_start3A_124, %dma_start3A_125] : memref<128x128xf32, #tpu.memory_space<vmem>> -> memref<16x128xf32, #tpu.memory_space<vmem>>
      %dma_start3A_127 = arith.constant 0 : i32
      %dma_start3A_128 = arith.constant 0 : i32
      %dma_start3A_129 = tpu.memref_slice %arg3[%dma_start3A_127, %dma_start3A_128] : memref<16384x128xf32, #tpu.memory_space<hbm>> -> memref<16384x128xf32, #tpu.memory_space<hbm>>
      tpu.enqueue_indirect_dma source(%dma_start3A_129 : memref<16384x128xf32, #tpu.memory_space<hbm>>) target(%dma_start3A_126 : memref<16x128xf32, #tpu.memory_space<vmem>>) offsets(%get3A_117 : vector<16xi32>) semaphore(%arg15 : memref<!tpu.dma_semaphore, #tpu.memory_space<semaphore_mem>>)
      %mul3A_130 = arith.constant 128 : i32
      %mul3A_131 = arith.muli %while3A_74, %mul3A_130 : i32
      %add3A_132 = arith.constant 48 : i32
      %add3A_133 = arith.addi %mul3A_131, %add3A_132 : i32
      %get3A_134 = arith.index_cast %add3A_133 : i32 to index
      %get3A_135 = tpu.vector_load %arg10[%get3A_134] {strides = array<i32>} : memref<3328xi32, #tpu.memory_space<vmem>>, vector<16xi32>,
      %dma_start3A_136 = arith.constant 48 : i32
      %dma_start3A_137 = arith.constant 0 : i32
      %dma_start3A_138 = tpu.memref_slice %arg12[%dma_start3A_136, %dma_start3A_137] : memref<128x128xf32, #tpu.memory_space<vmem>> -> memref<16x128xf32, #tpu.memory_space<vmem>>
      %dma_start3A_139 = arith.constant 0 : i32
      %dma_start3A_140 = arith.constant 0 : i32
      %dma_start3A_141 = tpu.memref_slice %arg2[%dma_start3A_139, %dma_start3A_140] : memref<16384x128xf32, #tpu.memory_space<hbm>> -> memref<16384x128xf32, #tpu.memory_space<hbm>>
      tpu.enqueue_indirect_dma source(%dma_start3A_141 : memref<16384x128xf32, #tpu.memory_space<hbm>>) target(%dma_start3A_138 : memref<16x128xf32, #tpu.memory_space<vmem>>) offsets(%get3A_135 : vector<16xi32>) semaphore(%arg14 : memref<!tpu.dma_semaphore, #tpu.memory_space<semaphore_mem>>)
      %dma_start3A_142 = arith.constant 48 : i32
      %dma_start3A_143 = arith.constant 0 : i32
      %dma_start3A_144 = tpu.memref_slice %arg13[%dma_start3A_142, %dma_start3A_143] : memref<128x128xf32, #tpu.memory_space<vmem>> -> memref<16x128xf32, #tpu.memory_space<vmem>>
      %dma_start3A_145 = arith.constant 0 : i32
      %dma_start3A_146 = arith.constant 0 : i32
      %dma_start3A_147 = tpu.memref_slice %arg3[%dma_start3A_145, %dma_start3A_146] : memref<16384x128xf32, #tpu.memory_space<hbm>> -> memref<16384x128xf32, #tpu.memory_space<hbm>>
      tpu.enqueue_indirect_dma source(%dma_start3A_147 : memref<16384x128xf32, #tpu.memory_space<hbm>>) target(%dma_start3A_144 : memref<16x128xf32, #tpu.memory_space<vmem>>) offsets(%get3A_135 : vector<16xi32>) semaphore(%arg15 : memref<!tpu.dma_semaphore, #tpu.memory_space<semaphore_mem>>)
      %mul3A_148 = arith.constant 128 : i32
      %mul3A_149 = arith.muli %while3A_74, %mul3A_148 : i32
      %add3A_150 = arith.constant 64 : i32
      %add3A_151 = arith.addi %mul3A_149, %add3A_150 : i32
      %get3A_152 = arith.index_cast %add3A_151 : i32 to index
      %get3A_153 = tpu.vector_load %arg10[%get3A_152] {strides = array<i32>} : memref<3328xi32, #tpu.memory_space<vmem>>, vector<16xi32>,
      %dma_start3A_154 = arith.constant 64 : i32
      %dma_start3A_155 = arith.constant 0 : i32
      %dma_start3A_156 = tpu.memref_slice %arg12[%dma_start3A_154, %dma_start3A_155] : memref<128x128xf32, #tpu.memory_space<vmem>> -> memref<16x128xf32, #tpu.memory_space<vmem>>
      %dma_start3A_157 = arith.constant 0 : i32
      %dma_start3A_158 = arith.constant 0 : i32
      %dma_start3A_159 = tpu.memref_slice %arg2[%dma_start3A_157, %dma_start3A_158] : memref<16384x128xf32, #tpu.memory_space<hbm>> -> memref<16384x128xf32, #tpu.memory_space<hbm>>
      tpu.enqueue_indirect_dma source(%dma_start3A_159 : memref<16384x128xf32, #tpu.memory_space<hbm>>) target(%dma_start3A_156 : memref<16x128xf32, #tpu.memory_space<vmem>>) offsets(%get3A_153 : vector<16xi32>) semaphore(%arg14 : memref<!tpu.dma_semaphore, #tpu.memory_space<semaphore_mem>>)
      %dma_start3A_160 = arith.constant 64 : i32
      %dma_start3A_161 = arith.constant 0 : i32
      %dma_start3A_162 = tpu.memref_slice %arg13[%dma_start3A_160, %dma_start3A_161] : memref<128x128xf32, #tpu.memory_space<vmem>> -> memref<16x128xf32, #tpu.memory_space<vmem>>
      %dma_start3A_163 = arith.constant 0 : i32
      %dma_start3A_164 = arith.constant 0 : i32
      %dma_start3A_165 = tpu.memref_slice %arg3[%dma_start3A_163, %dma_start3A_164] : memref<16384x128xf32, #tpu.memory_space<hbm>> -> memref<16384x128xf32, #tpu.memory_space<hbm>>
      tpu.enqueue_indirect_dma source(%dma_start3A_165 : memref<16384x128xf32, #tpu.memory_space<hbm>>) target(%dma_start3A_162 : memref<16x128xf32, #tpu.memory_space<vmem>>) offsets(%get3A_153 : vector<16xi32>) semaphore(%arg15 : memref<!tpu.dma_semaphore, #tpu.memory_space<semaphore_mem>>)
      %mul3A_166 = arith.constant 128 : i32
      %mul3A_167 = arith.muli %while3A_74, %mul3A_166 : i32
      %add3A_168 = arith.constant 80 : i32
      %add3A_169 = arith.addi %mul3A_167, %add3A_168 : i32
      %get3A_170 = arith.index_cast %add3A_169 : i32 to index
      %get3A_171 = tpu.vector_load %arg10[%get3A_170] {strides = array<i32>} : memref<3328xi32, #tpu.memory_space<vmem>>, vector<16xi32>,
      %dma_start3A_172 = arith.constant 80 : i32
      %dma_start3A_173 = arith.constant 0 : i32
      %dma_start3A_174 = tpu.memref_slice %arg12[%dma_start3A_172, %dma_start3A_173] : memref<128x128xf32, #tpu.memory_space<vmem>> -> memref<16x128xf32, #tpu.memory_space<vmem>>
      %dma_start3A_175 = arith.constant 0 : i32
      %dma_start3A_176 = arith.constant 0 : i32
      %dma_start3A_177 = tpu.memref_slice %arg2[%dma_start3A_175, %dma_start3A_176] : memref<16384x128xf32, #tpu.memory_space<hbm>> -> memref<16384x128xf32, #tpu.memory_space<hbm>>
      tpu.enqueue_indirect_dma source(%dma_start3A_177 : memref<16384x128xf32, #tpu.memory_space<hbm>>) target(%dma_start3A_174 : memref<16x128xf32, #tpu.memory_space<vmem>>) offsets(%get3A_171 : vector<16xi32>) semaphore(%arg14 : memref<!tpu.dma_semaphore, #tpu.memory_space<semaphore_mem>>)
      %dma_start3A_178 = arith.constant 80 : i32
      %dma_start3A_179 = arith.constant 0 : i32
      %dma_start3A_180 = tpu.memref_slice %arg13[%dma_start3A_178, %dma_start3A_179] : memref<128x128xf32, #tpu.memory_space<vmem>> -> memref<16x128xf32, #tpu.memory_space<vmem>>
      %dma_start3A_181 = arith.constant 0 : i32
      %dma_start3A_182 = arith.constant 0 : i32
      %dma_start3A_183 = tpu.memref_slice %arg3[%dma_start3A_181, %dma_start3A_182] : memref<16384x128xf32, #tpu.memory_space<hbm>> -> memref<16384x128xf32, #tpu.memory_space<hbm>>
      tpu.enqueue_indirect_dma source(%dma_start3A_183 : memref<16384x128xf32, #tpu.memory_space<hbm>>) target(%dma_start3A_180 : memref<16x128xf32, #tpu.memory_space<vmem>>) offsets(%get3A_171 : vector<16xi32>) semaphore(%arg15 : memref<!tpu.dma_semaphore, #tpu.memory_space<semaphore_mem>>)
      %mul3A_184 = arith.constant 128 : i32
      %mul3A_185 = arith.muli %while3A_74, %mul3A_184 : i32
      %add3A_186 = arith.constant 96 : i32
      %add3A_187 = arith.addi %mul3A_185, %add3A_186 : i32
      %get3A_188 = arith.index_cast %add3A_187 : i32 to index
      %get3A_189 = tpu.vector_load %arg10[%get3A_188] {strides = array<i32>} : memref<3328xi32, #tpu.memory_space<vmem>>, vector<16xi32>,
      %dma_start3A_190 = arith.constant 96 : i32
      %dma_start3A_191 = arith.constant 0 : i32
      %dma_start3A_192 = tpu.memref_slice %arg12[%dma_start3A_190, %dma_start3A_191] : memref<128x128xf32, #tpu.memory_space<vmem>> -> memref<16x128xf32, #tpu.memory_space<vmem>>
      %dma_start3A_193 = arith.constant 0 : i32
      %dma_start3A_194 = arith.constant 0 : i32
      %dma_start3A_195 = tpu.memref_slice %arg2[%dma_start3A_193, %dma_start3A_194] : memref<16384x128xf32, #tpu.memory_space<hbm>> -> memref<16384x128xf32, #tpu.memory_space<hbm>>
      tpu.enqueue_indirect_dma source(%dma_start3A_195 : memref<16384x128xf32, #tpu.memory_space<hbm>>) target(%dma_start3A_192 : memref<16x128xf32, #tpu.memory_space<vmem>>) offsets(%get3A_189 : vector<16xi32>) semaphore(%arg14 : memref<!tpu.dma_semaphore, #tpu.memory_space<semaphore_mem>>)
      %dma_start3A_196 = arith.constant 96 : i32
      %dma_start3A_197 = arith.constant 0 : i32
      %dma_start3A_198 = tpu.memref_slice %arg13[%dma_start3A_196, %dma_start3A_197] : memref<128x128xf32, #tpu.memory_space<vmem>> -> memref<16x128xf32, #tpu.memory_space<vmem>>
      %dma_start3A_199 = arith.constant 0 : i32
      %dma_start3A_200 = arith.constant 0 : i32
      %dma_start3A_201 = tpu.memref_slice %arg3[%dma_start3A_199, %dma_start3A_200] : memref<16384x128xf32, #tpu.memory_space<hbm>> -> memref<16384x128xf32, #tpu.memory_space<hbm>>
      tpu.enqueue_indirect_dma source(%dma_start3A_201 : memref<16384x128xf32, #tpu.memory_space<hbm>>) target(%dma_start3A_198 : memref<16x128xf32, #tpu.memory_space<vmem>>) offsets(%get3A_189 : vector<16xi32>) semaphore(%arg15 : memref<!tpu.dma_semaphore, #tpu.memory_space<semaphore_mem>>)
      %mul3A_202 = arith.constant 128 : i32
      %mul3A_203 = arith.muli %while3A_74, %mul3A_202 : i32
      %add3A_204 = arith.constant 112 : i32
      %add3A_205 = arith.addi %mul3A_203, %add3A_204 : i32
      %get3A_206 = arith.index_cast %add3A_205 : i32 to index
      %get3A_207 = tpu.vector_load %arg10[%get3A_206] {strides = array<i32>} : memref<3328xi32, #tpu.memory_space<vmem>>, vector<16xi32>,
      %dma_start3A_208 = arith.constant 112 : i32
      %dma_start3A_209 = arith.constant 0 : i32
      %dma_start3A_210 = tpu.memref_slice %arg12[%dma_start3A_208, %dma_start3A_209] : memref<128x128xf32, #tpu.memory_space<vmem>> -> memref<16x128xf32, #tpu.memory_space<vmem>>
      %dma_start3A_211 = arith.constant 0 : i32
      %dma_start3A_212 = arith.constant 0 : i32
      %dma_start3A_213 = tpu.memref_slice %arg2[%dma_start3A_211, %dma_start3A_212] : memref<16384x128xf32, #tpu.memory_space<hbm>> -> memref<16384x128xf32, #tpu.memory_space<hbm>>
      tpu.enqueue_indirect_dma source(%dma_start3A_213 : memref<16384x128xf32, #tpu.memory_space<hbm>>) target(%dma_start3A_210 : memref<16x128xf32, #tpu.memory_space<vmem>>) offsets(%get3A_207 : vector<16xi32>) semaphore(%arg14 : memref<!tpu.dma_semaphore, #tpu.memory_space<semaphore_mem>>)
      %dma_start3A_214 = arith.constant 112 : i32
      %dma_start3A_215 = arith.constant 0 : i32
      %dma_start3A_216 = tpu.memref_slice %arg13[%dma_start3A_214, %dma_start3A_215] : memref<128x128xf32, #tpu.memory_space<vmem>> -> memref<16x128xf32, #tpu.memory_space<vmem>>
      %dma_start3A_217 = arith.constant 0 : i32
      %dma_start3A_218 = arith.constant 0 : i32
      %dma_start3A_219 = tpu.memref_slice %arg3[%dma_start3A_217, %dma_start3A_218] : memref<16384x128xf32, #tpu.memory_space<hbm>> -> memref<16384x128xf32, #tpu.memory_space<hbm>>
      tpu.enqueue_indirect_dma source(%dma_start3A_219 : memref<16384x128xf32, #tpu.memory_space<hbm>>) target(%dma_start3A_216 : memref<16x128xf32, #tpu.memory_space<vmem>>) offsets(%get3A_207 : vector<16xi32>) semaphore(%arg15 : memref<!tpu.dma_semaphore, #tpu.memory_space<semaphore_mem>>)
      %dma_wait3A_220 = arith.constant 0 : i32
      %dma_wait3A_221 = arith.constant 0 : i32
      %dma_wait3A_222 = tpu.memref_slice %arg12[%dma_wait3A_220, %dma_wait3A_221] : memref<128x128xf32, #tpu.memory_space<vmem>> -> memref<16x128xf32, #tpu.memory_space<vmem>>
      %dma_wait3A_223 = arith.constant 0 : i32
      %dma_wait3A_224 = arith.constant 0 : i32
      %dma_wait3A_225 = tpu.memref_slice %arg2[%dma_wait3A_223, %dma_wait3A_224] : memref<16384x128xf32, #tpu.memory_space<hbm>> -> memref<16384x128xf32, #tpu.memory_space<hbm>>
      tpu.wait_indirect_dma semaphore(%arg14 : memref<!tpu.dma_semaphore, #tpu.memory_space<semaphore_mem>>) src(%dma_wait3A_225 : memref<16384x128xf32, #tpu.memory_space<hbm>>) dst(%dma_wait3A_222 : memref<16x128xf32, #tpu.memory_space<vmem>>)
      %dma_wait3A_226 = arith.constant 0 : i32
      %dma_wait3A_227 = arith.constant 0 : i32
      %dma_wait3A_228 = tpu.memref_slice %arg13[%dma_wait3A_226, %dma_wait3A_227] : memref<128x128xf32, #tpu.memory_space<vmem>> -> memref<16x128xf32, #tpu.memory_space<vmem>>
      %dma_wait3A_229 = arith.constant 0 : i32
      %dma_wait3A_230 = arith.constant 0 : i32
      %dma_wait3A_231 = tpu.memref_slice %arg3[%dma_wait3A_229, %dma_wait3A_230] : memref<16384x128xf32, #tpu.memory_space<hbm>> -> memref<16384x128xf32, #tpu.memory_space<hbm>>
      tpu.wait_indirect_dma semaphore(%arg15 : memref<!tpu.dma_semaphore, #tpu.memory_space<semaphore_mem>>) src(%dma_wait3A_231 : memref<16384x128xf32, #tpu.memory_space<hbm>>) dst(%dma_wait3A_228 : memref<16x128xf32, #tpu.memory_space<vmem>>)
      %dma_wait3A_232 = arith.constant 16 : i32
      %dma_wait3A_233 = arith.constant 0 : i32
      %dma_wait3A_234 = tpu.memref_slice %arg12[%dma_wait3A_232, %dma_wait3A_233] : memref<128x128xf32, #tpu.memory_space<vmem>> -> memref<16x128xf32, #tpu.memory_space<vmem>>
      %dma_wait3A_235 = arith.constant 0 : i32
      %dma_wait3A_236 = arith.constant 0 : i32
      %dma_wait3A_237 = tpu.memref_slice %arg2[%dma_wait3A_235, %dma_wait3A_236] : memref<16384x128xf32, #tpu.memory_space<hbm>> -> memref<16384x128xf32, #tpu.memory_space<hbm>>
      tpu.wait_indirect_dma semaphore(%arg14 : memref<!tpu.dma_semaphore, #tpu.memory_space<semaphore_mem>>) src(%dma_wait3A_237 : memref<16384x128xf32, #tpu.memory_space<hbm>>) dst(%dma_wait3A_234 : memref<16x128xf32, #tpu.memory_space<vmem>>)
      %dma_wait3A_238 = arith.constant 16 : i32
      %dma_wait3A_239 = arith.constant 0 : i32
      %dma_wait3A_240 = tpu.memref_slice %arg13[%dma_wait3A_238, %dma_wait3A_239] : memref<128x128xf32, #tpu.memory_space<vmem>> -> memref<16x128xf32, #tpu.memory_space<vmem>>
      %dma_wait3A_241 = arith.constant 0 : i32
      %dma_wait3A_242 = arith.constant 0 : i32
      %dma_wait3A_243 = tpu.memref_slice %arg3[%dma_wait3A_241, %dma_wait3A_242] : memref<16384x128xf32, #tpu.memory_space<hbm>> -> memref<16384x128xf32, #tpu.memory_space<hbm>>
      tpu.wait_indirect_dma semaphore(%arg15 : memref<!tpu.dma_semaphore, #tpu.memory_space<semaphore_mem>>) src(%dma_wait3A_243 : memref<16384x128xf32, #tpu.memory_space<hbm>>) dst(%dma_wait3A_240 : memref<16x128xf32, #tpu.memory_space<vmem>>)
      %dma_wait3A_244 = arith.constant 32 : i32
      %dma_wait3A_245 = arith.constant 0 : i32
      %dma_wait3A_246 = tpu.memref_slice %arg12[%dma_wait3A_244, %dma_wait3A_245] : memref<128x128xf32, #tpu.memory_space<vmem>> -> memref<16x128xf32, #tpu.memory_space<vmem>>
      %dma_wait3A_247 = arith.constant 0 : i32
      %dma_wait3A_248 = arith.constant 0 : i32
      %dma_wait3A_249 = tpu.memref_slice %arg2[%dma_wait3A_247, %dma_wait3A_248] : memref<16384x128xf32, #tpu.memory_space<hbm>> -> memref<16384x128xf32, #tpu.memory_space<hbm>>
      tpu.wait_indirect_dma semaphore(%arg14 : memref<!tpu.dma_semaphore, #tpu.memory_space<semaphore_mem>>) src(%dma_wait3A_249 : memref<16384x128xf32, #tpu.memory_space<hbm>>) dst(%dma_wait3A_246 : memref<16x128xf32, #tpu.memory_space<vmem>>)
      %dma_wait3A_250 = arith.constant 32 : i32
      %dma_wait3A_251 = arith.constant 0 : i32
      %dma_wait3A_252 = tpu.memref_slice %arg13[%dma_wait3A_250, %dma_wait3A_251] : memref<128x128xf32, #tpu.memory_space<vmem>> -> memref<16x128xf32, #tpu.memory_space<vmem>>
      %dma_wait3A_253 = arith.constant 0 : i32
      %dma_wait3A_254 = arith.constant 0 : i32
      %dma_wait3A_255 = tpu.memref_slice %arg3[%dma_wait3A_253, %dma_wait3A_254] : memref<16384x128xf32, #tpu.memory_space<hbm>> -> memref<16384x128xf32, #tpu.memory_space<hbm>>
      tpu.wait_indirect_dma semaphore(%arg15 : memref<!tpu.dma_semaphore, #tpu.memory_space<semaphore_mem>>) src(%dma_wait3A_255 : memref<16384x128xf32, #tpu.memory_space<hbm>>) dst(%dma_wait3A_252 : memref<16x128xf32, #tpu.memory_space<vmem>>)
      %dma_wait3A_256 = arith.constant 48 : i32
      %dma_wait3A_257 = arith.constant 0 : i32
      %dma_wait3A_258 = tpu.memref_slice %arg12[%dma_wait3A_256, %dma_wait3A_257] : memref<128x128xf32, #tpu.memory_space<vmem>> -> memref<16x128xf32, #tpu.memory_space<vmem>>
      %dma_wait3A_259 = arith.constant 0 : i32
      %dma_wait3A_260 = arith.constant 0 : i32
      %dma_wait3A_261 = tpu.memref_slice %arg2[%dma_wait3A_259, %dma_wait3A_260] : memref<16384x128xf32, #tpu.memory_space<hbm>> -> memref<16384x128xf32, #tpu.memory_space<hbm>>
      tpu.wait_indirect_dma semaphore(%arg14 : memref<!tpu.dma_semaphore, #tpu.memory_space<semaphore_mem>>) src(%dma_wait3A_261 : memref<16384x128xf32, #tpu.memory_space<hbm>>) dst(%dma_wait3A_258 : memref<16x128xf32, #tpu.memory_space<vmem>>)
      %dma_wait3A_262 = arith.constant 48 : i32
      %dma_wait3A_263 = arith.constant 0 : i32
      %dma_wait3A_264 = tpu.memref_slice %arg13[%dma_wait3A_262, %dma_wait3A_263] : memref<128x128xf32, #tpu.memory_space<vmem>> -> memref<16x128xf32, #tpu.memory_space<vmem>>
      %dma_wait3A_265 = arith.constant 0 : i32
      %dma_wait3A_266 = arith.constant 0 : i32
      %dma_wait3A_267 = tpu.memref_slice %arg3[%dma_wait3A_265, %dma_wait3A_266] : memref<16384x128xf32, #tpu.memory_space<hbm>> -> memref<16384x128xf32, #tpu.memory_space<hbm>>
      tpu.wait_indirect_dma semaphore(%arg15 : memref<!tpu.dma_semaphore, #tpu.memory_space<semaphore_mem>>) src(%dma_wait3A_267 : memref<16384x128xf32, #tpu.memory_space<hbm>>) dst(%dma_wait3A_264 : memref<16x128xf32, #tpu.memory_space<vmem>>)
      %dma_wait3A_268 = arith.constant 64 : i32
      %dma_wait3A_269 = arith.constant 0 : i32
      %dma_wait3A_270 = tpu.memref_slice %arg12[%dma_wait3A_268, %dma_wait3A_269] : memref<128x128xf32, #tpu.memory_space<vmem>> -> memref<16x128xf32, #tpu.memory_space<vmem>>
      %dma_wait3A_271 = arith.constant 0 : i32
      %dma_wait3A_272 = arith.constant 0 : i32
      %dma_wait3A_273 = tpu.memref_slice %arg2[%dma_wait3A_271, %dma_wait3A_272] : memref<16384x128xf32, #tpu.memory_space<hbm>> -> memref<16384x128xf32, #tpu.memory_space<hbm>>
      tpu.wait_indirect_dma semaphore(%arg14 : memref<!tpu.dma_semaphore, #tpu.memory_space<semaphore_mem>>) src(%dma_wait3A_273 : memref<16384x128xf32, #tpu.memory_space<hbm>>) dst(%dma_wait3A_270 : memref<16x128xf32, #tpu.memory_space<vmem>>)
      %dma_wait3A_274 = arith.constant 64 : i32
      %dma_wait3A_275 = arith.constant 0 : i32
      %dma_wait3A_276 = tpu.memref_slice %arg13[%dma_wait3A_274, %dma_wait3A_275] : memref<128x128xf32, #tpu.memory_space<vmem>> -> memref<16x128xf32, #tpu.memory_space<vmem>>
      %dma_wait3A_277 = arith.constant 0 : i32
      %dma_wait3A_278 = arith.constant 0 : i32
      %dma_wait3A_279 = tpu.memref_slice %arg3[%dma_wait3A_277, %dma_wait3A_278] : memref<16384x128xf32, #tpu.memory_space<hbm>> -> memref<16384x128xf32, #tpu.memory_space<hbm>>
      tpu.wait_indirect_dma semaphore(%arg15 : memref<!tpu.dma_semaphore, #tpu.memory_space<semaphore_mem>>) src(%dma_wait3A_279 : memref<16384x128xf32, #tpu.memory_space<hbm>>) dst(%dma_wait3A_276 : memref<16x128xf32, #tpu.memory_space<vmem>>)
      %dma_wait3A_280 = arith.constant 80 : i32
      %dma_wait3A_281 = arith.constant 0 : i32
      %dma_wait3A_282 = tpu.memref_slice %arg12[%dma_wait3A_280, %dma_wait3A_281] : memref<128x128xf32, #tpu.memory_space<vmem>> -> memref<16x128xf32, #tpu.memory_space<vmem>>
      %dma_wait3A_283 = arith.constant 0 : i32
      %dma_wait3A_284 = arith.constant 0 : i32
      %dma_wait3A_285 = tpu.memref_slice %arg2[%dma_wait3A_283, %dma_wait3A_284] : memref<16384x128xf32, #tpu.memory_space<hbm>> -> memref<16384x128xf32, #tpu.memory_space<hbm>>
      tpu.wait_indirect_dma semaphore(%arg14 : memref<!tpu.dma_semaphore, #tpu.memory_space<semaphore_mem>>) src(%dma_wait3A_285 : memref<16384x128xf32, #tpu.memory_space<hbm>>) dst(%dma_wait3A_282 : memref<16x128xf32, #tpu.memory_space<vmem>>)
      %dma_wait3A_286 = arith.constant 80 : i32
      %dma_wait3A_287 = arith.constant 0 : i32
      %dma_wait3A_288 = tpu.memref_slice %arg13[%dma_wait3A_286, %dma_wait3A_287] : memref<128x128xf32, #tpu.memory_space<vmem>> -> memref<16x128xf32, #tpu.memory_space<vmem>>
      %dma_wait3A_289 = arith.constant 0 : i32
      %dma_wait3A_290 = arith.constant 0 : i32
      %dma_wait3A_291 = tpu.memref_slice %arg3[%dma_wait3A_289, %dma_wait3A_290] : memref<16384x128xf32, #tpu.memory_space<hbm>> -> memref<16384x128xf32, #tpu.memory_space<hbm>>
      tpu.wait_indirect_dma semaphore(%arg15 : memref<!tpu.dma_semaphore, #tpu.memory_space<semaphore_mem>>) src(%dma_wait3A_291 : memref<16384x128xf32, #tpu.memory_space<hbm>>) dst(%dma_wait3A_288 : memref<16x128xf32, #tpu.memory_space<vmem>>)
      %dma_wait3A_292 = arith.constant 96 : i32
      %dma_wait3A_293 = arith.constant 0 : i32
      %dma_wait3A_294 = tpu.memref_slice %arg12[%dma_wait3A_292, %dma_wait3A_293] : memref<128x128xf32, #tpu.memory_space<vmem>> -> memref<16x128xf32, #tpu.memory_space<vmem>>
      %dma_wait3A_295 = arith.constant 0 : i32
      %dma_wait3A_296 = arith.constant 0 : i32
      %dma_wait3A_297 = tpu.memref_slice %arg2[%dma_wait3A_295, %dma_wait3A_296] : memref<16384x128xf32, #tpu.memory_space<hbm>> -> memref<16384x128xf32, #tpu.memory_space<hbm>>
      tpu.wait_indirect_dma semaphore(%arg14 : memref<!tpu.dma_semaphore, #tpu.memory_space<semaphore_mem>>) src(%dma_wait3A_297 : memref<16384x128xf32, #tpu.memory_space<hbm>>) dst(%dma_wait3A_294 : memref<16x128xf32, #tpu.memory_space<vmem>>)
      %dma_wait3A_298 = arith.constant 96 : i32
      %dma_wait3A_299 = arith.constant 0 : i32
      %dma_wait3A_300 = tpu.memref_slice %arg13[%dma_wait3A_298, %dma_wait3A_299] : memref<128x128xf32, #tpu.memory_space<vmem>> -> memref<16x128xf32, #tpu.memory_space<vmem>>
      %dma_wait3A_301 = arith.constant 0 : i32
      %dma_wait3A_302 = arith.constant 0 : i32
      %dma_wait3A_303 = tpu.memref_slice %arg3[%dma_wait3A_301, %dma_wait3A_302] : memref<16384x128xf32, #tpu.memory_space<hbm>> -> memref<16384x128xf32, #tpu.memory_space<hbm>>
      tpu.wait_indirect_dma semaphore(%arg15 : memref<!tpu.dma_semaphore, #tpu.memory_space<semaphore_mem>>) src(%dma_wait3A_303 : memref<16384x128xf32, #tpu.memory_space<hbm>>) dst(%dma_wait3A_300 : memref<16x128xf32, #tpu.memory_space<vmem>>)
      %dma_wait3A_304 = arith.constant 112 : i32
      %dma_wait3A_305 = arith.constant 0 : i32
      %dma_wait3A_306 = tpu.memref_slice %arg12[%dma_wait3A_304, %dma_wait3A_305] : memref<128x128xf32, #tpu.memory_space<vmem>> -> memref<16x128xf32, #tpu.memory_space<vmem>>
      %dma_wait3A_307 = arith.constant 0 : i32
      %dma_wait3A_308 = arith.constant 0 : i32
      %dma_wait3A_309 = tpu.memref_slice %arg2[%dma_wait3A_307, %dma_wait3A_308] : memref<16384x128xf32, #tpu.memory_space<hbm>> -> memref<16384x128xf32, #tpu.memory_space<hbm>>
      tpu.wait_indirect_dma semaphore(%arg14 : memref<!tpu.dma_semaphore, #tpu.memory_space<semaphore_mem>>) src(%dma_wait3A_309 : memref<16384x128xf32, #tpu.memory_space<hbm>>) dst(%dma_wait3A_306 : memref<16x128xf32, #tpu.memory_space<vmem>>)
      %dma_wait3A_310 = arith.constant 112 : i32
      %dma_wait3A_311 = arith.constant 0 : i32
      %dma_wait3A_312 = tpu.memref_slice %arg13[%dma_wait3A_310, %dma_wait3A_311] : memref<128x128xf32, #tpu.memory_space<vmem>> -> memref<16x128xf32, #tpu.memory_space<vmem>>
      %dma_wait3A_313 = arith.constant 0 : i32
      %dma_wait3A_314 = arith.constant 0 : i32
      %dma_wait3A_315 = tpu.memref_slice %arg3[%dma_wait3A_313, %dma_wait3A_314] : memref<16384x128xf32, #tpu.memory_space<hbm>> -> memref<16384x128xf32, #tpu.memory_space<hbm>>
      tpu.wait_indirect_dma semaphore(%arg15 : memref<!tpu.dma_semaphore, #tpu.memory_space<semaphore_mem>>) src(%dma_wait3A_315 : memref<16384x128xf32, #tpu.memory_space<hbm>>) dst(%dma_wait3A_312 : memref<16x128xf32, #tpu.memory_space<vmem>>)
      %mul3A_316 = arith.constant 128 : i32
      %mul3A_317 = arith.muli %while3A_74, %mul3A_316 : i32
      %add3A_318 = arith.constant 0 : i32
      %add3A_319 = arith.addi %mul3A_317, %add3A_318 : i32
      %get3A_320 = arith.index_cast %add3A_319 : i32 to index
      %get3A_321 = tpu.vector_load %arg9[%get3A_320] {strides = array<i32>} : memref<3328xi32, #tpu.memory_space<vmem>>, vector<16xi32>,
      %dma_start3A_322 = arith.constant 0 : i32
      %dma_start3A_323 = arith.constant 0 : i32
      %dma_start3A_324 = tpu.memref_slice %arg12[%dma_start3A_322, %dma_start3A_323] : memref<128x128xf32, #tpu.memory_space<vmem>> -> memref<16x128xf32, #tpu.memory_space<vmem>>
      %dma_start3A_325 = arith.constant 0 : i32
      %dma_start3A_326 = arith.constant 0 : i32
      %dma_start3A_327 = tpu.memref_slice %arg8[%dma_start3A_325, %dma_start3A_326] : memref<200000x128xf32, #tpu.memory_space<hbm>> -> memref<200000x128xf32, #tpu.memory_space<hbm>>
      tpu.enqueue_indirect_dma source(%dma_start3A_324 : memref<16x128xf32, #tpu.memory_space<vmem>>) target(%dma_start3A_327 : memref<200000x128xf32, #tpu.memory_space<hbm>>) offsets(%get3A_321 : vector<16xi32>) semaphore(%arg14 : memref<!tpu.dma_semaphore, #tpu.memory_space<semaphore_mem>>)
      %add3A_328 = arith.constant 100000 : i32
      %add3A_329 = vector.broadcast %add3A_328 : i32 to vector<16xi32>
      %add3A_330 = arith.addi %get3A_321, %add3A_329 : vector<16xi32>
      %dma_start3A_331 = arith.constant 0 : i32
      %dma_start3A_332 = arith.constant 0 : i32
      %dma_start3A_333 = tpu.memref_slice %arg13[%dma_start3A_331, %dma_start3A_332] : memref<128x128xf32, #tpu.memory_space<vmem>> -> memref<16x128xf32, #tpu.memory_space<vmem>>
      %dma_start3A_334 = arith.constant 0 : i32
      %dma_start3A_335 = arith.constant 0 : i32
      %dma_start3A_336 = tpu.memref_slice %arg8[%dma_start3A_334, %dma_start3A_335] : memref<200000x128xf32, #tpu.memory_space<hbm>> -> memref<200000x128xf32, #tpu.memory_space<hbm>>
      tpu.enqueue_indirect_dma source(%dma_start3A_333 : memref<16x128xf32, #tpu.memory_space<vmem>>) target(%dma_start3A_336 : memref<200000x128xf32, #tpu.memory_space<hbm>>) offsets(%add3A_330 : vector<16xi32>) semaphore(%arg15 : memref<!tpu.dma_semaphore, #tpu.memory_space<semaphore_mem>>)
      %mul3A_337 = arith.constant 128 : i32
      %mul3A_338 = arith.muli %while3A_74, %mul3A_337 : i32
      %add3A_339 = arith.constant 16 : i32
      %add3A_340 = arith.addi %mul3A_338, %add3A_339 : i32
      %get3A_341 = arith.index_cast %add3A_340 : i32 to index
      %get3A_342 = tpu.vector_load %arg9[%get3A_341] {strides = array<i32>} : memref<3328xi32, #tpu.memory_space<vmem>>, vector<16xi32>,
      %dma_start3A_343 = arith.constant 16 : i32
      %dma_start3A_344 = arith.constant 0 : i32
      %dma_start3A_345 = tpu.memref_slice %arg12[%dma_start3A_343, %dma_start3A_344] : memref<128x128xf32, #tpu.memory_space<vmem>> -> memref<16x128xf32, #tpu.memory_space<vmem>>
      %dma_start3A_346 = arith.constant 0 : i32
      %dma_start3A_347 = arith.constant 0 : i32
      %dma_start3A_348 = tpu.memref_slice %arg8[%dma_start3A_346, %dma_start3A_347] : memref<200000x128xf32, #tpu.memory_space<hbm>> -> memref<200000x128xf32, #tpu.memory_space<hbm>>
      tpu.enqueue_indirect_dma source(%dma_start3A_345 : memref<16x128xf32, #tpu.memory_space<vmem>>) target(%dma_start3A_348 : memref<200000x128xf32, #tpu.memory_space<hbm>>) offsets(%get3A_342 : vector<16xi32>) semaphore(%arg14 : memref<!tpu.dma_semaphore, #tpu.memory_space<semaphore_mem>>)
      %add3A_349 = arith.constant 100000 : i32
      %add3A_350 = vector.broadcast %add3A_349 : i32 to vector<16xi32>
      %add3A_351 = arith.addi %get3A_342, %add3A_350 : vector<16xi32>
      %dma_start3A_352 = arith.constant 16 : i32
      %dma_start3A_353 = arith.constant 0 : i32
      %dma_start3A_354 = tpu.memref_slice %arg13[%dma_start3A_352, %dma_start3A_353] : memref<128x128xf32, #tpu.memory_space<vmem>> -> memref<16x128xf32, #tpu.memory_space<vmem>>
      %dma_start3A_355 = arith.constant 0 : i32
      %dma_start3A_356 = arith.constant 0 : i32
      %dma_start3A_357 = tpu.memref_slice %arg8[%dma_start3A_355, %dma_start3A_356] : memref<200000x128xf32, #tpu.memory_space<hbm>> -> memref<200000x128xf32, #tpu.memory_space<hbm>>
      tpu.enqueue_indirect_dma source(%dma_start3A_354 : memref<16x128xf32, #tpu.memory_space<vmem>>) target(%dma_start3A_357 : memref<200000x128xf32, #tpu.memory_space<hbm>>) offsets(%add3A_351 : vector<16xi32>) semaphore(%arg15 : memref<!tpu.dma_semaphore, #tpu.memory_space<semaphore_mem>>)
      %mul3A_358 = arith.constant 128 : i32
      %mul3A_359 = arith.muli %while3A_74, %mul3A_358 : i32
      %add3A_360 = arith.constant 32 : i32
      %add3A_361 = arith.addi %mul3A_359, %add3A_360 : i32
      %get3A_362 = arith.index_cast %add3A_361 : i32 to index
      %get3A_363 = tpu.vector_load %arg9[%get3A_362] {strides = array<i32>} : memref<3328xi32, #tpu.memory_space<vmem>>, vector<16xi32>,
      %dma_start3A_364 = arith.constant 32 : i32
      %dma_start3A_365 = arith.constant 0 : i32
      %dma_start3A_366 = tpu.memref_slice %arg12[%dma_start3A_364, %dma_start3A_365] : memref<128x128xf32, #tpu.memory_space<vmem>> -> memref<16x128xf32, #tpu.memory_space<vmem>>
      %dma_start3A_367 = arith.constant 0 : i32
      %dma_start3A_368 = arith.constant 0 : i32
      %dma_start3A_369 = tpu.memref_slice %arg8[%dma_start3A_367, %dma_start3A_368] : memref<200000x128xf32, #tpu.memory_space<hbm>> -> memref<200000x128xf32, #tpu.memory_space<hbm>>
      tpu.enqueue_indirect_dma source(%dma_start3A_366 : memref<16x128xf32, #tpu.memory_space<vmem>>) target(%dma_start3A_369 : memref<200000x128xf32, #tpu.memory_space<hbm>>) offsets(%get3A_363 : vector<16xi32>) semaphore(%arg14 : memref<!tpu.dma_semaphore, #tpu.memory_space<semaphore_mem>>)
      %add3A_370 = arith.constant 100000 : i32
      %add3A_371 = vector.broadcast %add3A_370 : i32 to vector<16xi32>
      %add3A_372 = arith.addi %get3A_363, %add3A_371 : vector<16xi32>
      %dma_start3A_373 = arith.constant 32 : i32
      %dma_start3A_374 = arith.constant 0 : i32
      %dma_start3A_375 = tpu.memref_slice %arg13[%dma_start3A_373, %dma_start3A_374] : memref<128x128xf32, #tpu.memory_space<vmem>> -> memref<16x128xf32, #tpu.memory_space<vmem>>
      %dma_start3A_376 = arith.constant 0 : i32
      %dma_start3A_377 = arith.constant 0 : i32
      %dma_start3A_378 = tpu.memref_slice %arg8[%dma_start3A_376, %dma_start3A_377] : memref<200000x128xf32, #tpu.memory_space<hbm>> -> memref<200000x128xf32, #tpu.memory_space<hbm>>
      tpu.enqueue_indirect_dma source(%dma_start3A_375 : memref<16x128xf32, #tpu.memory_space<vmem>>) target(%dma_start3A_378 : memref<200000x128xf32, #tpu.memory_space<hbm>>) offsets(%add3A_372 : vector<16xi32>) semaphore(%arg15 : memref<!tpu.dma_semaphore, #tpu.memory_space<semaphore_mem>>)
      %mul3A_379 = arith.constant 128 : i32
      %mul3A_380 = arith.muli %while3A_74, %mul3A_379 : i32
      %add3A_381 = arith.constant 48 : i32
      %add3A_382 = arith.addi %mul3A_380, %add3A_381 : i32
      %get3A_383 = arith.index_cast %add3A_382 : i32 to index
      %get3A_384 = tpu.vector_load %arg9[%get3A_383] {strides = array<i32>} : memref<3328xi32, #tpu.memory_space<vmem>>, vector<16xi32>,
      %dma_start3A_385 = arith.constant 48 : i32
      %dma_start3A_386 = arith.constant 0 : i32
      %dma_start3A_387 = tpu.memref_slice %arg12[%dma_start3A_385, %dma_start3A_386] : memref<128x128xf32, #tpu.memory_space<vmem>> -> memref<16x128xf32, #tpu.memory_space<vmem>>
      %dma_start3A_388 = arith.constant 0 : i32
      %dma_start3A_389 = arith.constant 0 : i32
      %dma_start3A_390 = tpu.memref_slice %arg8[%dma_start3A_388, %dma_start3A_389] : memref<200000x128xf32, #tpu.memory_space<hbm>> -> memref<200000x128xf32, #tpu.memory_space<hbm>>
      tpu.enqueue_indirect_dma source(%dma_start3A_387 : memref<16x128xf32, #tpu.memory_space<vmem>>) target(%dma_start3A_390 : memref<200000x128xf32, #tpu.memory_space<hbm>>) offsets(%get3A_384 : vector<16xi32>) semaphore(%arg14 : memref<!tpu.dma_semaphore, #tpu.memory_space<semaphore_mem>>)
      %add3A_391 = arith.constant 100000 : i32
      %add3A_392 = vector.broadcast %add3A_391 : i32 to vector<16xi32>
      %add3A_393 = arith.addi %get3A_384, %add3A_392 : vector<16xi32>
      %dma_start3A_394 = arith.constant 48 : i32
      %dma_start3A_395 = arith.constant 0 : i32
      %dma_start3A_396 = tpu.memref_slice %arg13[%dma_start3A_394, %dma_start3A_395] : memref<128x128xf32, #tpu.memory_space<vmem>> -> memref<16x128xf32, #tpu.memory_space<vmem>>
      %dma_start3A_397 = arith.constant 0 : i32
      %dma_start3A_398 = arith.constant 0 : i32
      %dma_start3A_399 = tpu.memref_slice %arg8[%dma_start3A_397, %dma_start3A_398] : memref<200000x128xf32, #tpu.memory_space<hbm>> -> memref<200000x128xf32, #tpu.memory_space<hbm>>
      tpu.enqueue_indirect_dma source(%dma_start3A_396 : memref<16x128xf32, #tpu.memory_space<vmem>>) target(%dma_start3A_399 : memref<200000x128xf32, #tpu.memory_space<hbm>>) offsets(%add3A_393 : vector<16xi32>) semaphore(%arg15 : memref<!tpu.dma_semaphore, #tpu.memory_space<semaphore_mem>>)
      %mul3A_400 = arith.constant 128 : i32
      %mul3A_401 = arith.muli %while3A_74, %mul3A_400 : i32
      %add3A_402 = arith.constant 64 : i32
      %add3A_403 = arith.addi %mul3A_401, %add3A_402 : i32
      %get3A_404 = arith.index_cast %add3A_403 : i32 to index
      %get3A_405 = tpu.vector_load %arg9[%get3A_404] {strides = array<i32>} : memref<3328xi32, #tpu.memory_space<vmem>>, vector<16xi32>,
      %dma_start3A_406 = arith.constant 64 : i32
      %dma_start3A_407 = arith.constant 0 : i32
      %dma_start3A_408 = tpu.memref_slice %arg12[%dma_start3A_406, %dma_start3A_407] : memref<128x128xf32, #tpu.memory_space<vmem>> -> memref<16x128xf32, #tpu.memory_space<vmem>>
      %dma_start3A_409 = arith.constant 0 : i32
      %dma_start3A_410 = arith.constant 0 : i32
      %dma_start3A_411 = tpu.memref_slice %arg8[%dma_start3A_409, %dma_start3A_410] : memref<200000x128xf32, #tpu.memory_space<hbm>> -> memref<200000x128xf32, #tpu.memory_space<hbm>>
      tpu.enqueue_indirect_dma source(%dma_start3A_408 : memref<16x128xf32, #tpu.memory_space<vmem>>) target(%dma_start3A_411 : memref<200000x128xf32, #tpu.memory_space<hbm>>) offsets(%get3A_405 : vector<16xi32>) semaphore(%arg14 : memref<!tpu.dma_semaphore, #tpu.memory_space<semaphore_mem>>)
      %add3A_412 = arith.constant 100000 : i32
      %add3A_413 = vector.broadcast %add3A_412 : i32 to vector<16xi32>
      %add3A_414 = arith.addi %get3A_405, %add3A_413 : vector<16xi32>
      %dma_start3A_415 = arith.constant 64 : i32
      %dma_start3A_416 = arith.constant 0 : i32
      %dma_start3A_417 = tpu.memref_slice %arg13[%dma_start3A_415, %dma_start3A_416] : memref<128x128xf32, #tpu.memory_space<vmem>> -> memref<16x128xf32, #tpu.memory_space<vmem>>
      %dma_start3A_418 = arith.constant 0 : i32
      %dma_start3A_419 = arith.constant 0 : i32
      %dma_start3A_420 = tpu.memref_slice %arg8[%dma_start3A_418, %dma_start3A_419] : memref<200000x128xf32, #tpu.memory_space<hbm>> -> memref<200000x128xf32, #tpu.memory_space<hbm>>
      tpu.enqueue_indirect_dma source(%dma_start3A_417 : memref<16x128xf32, #tpu.memory_space<vmem>>) target(%dma_start3A_420 : memref<200000x128xf32, #tpu.memory_space<hbm>>) offsets(%add3A_414 : vector<16xi32>) semaphore(%arg15 : memref<!tpu.dma_semaphore, #tpu.memory_space<semaphore_mem>>)
      %mul3A_421 = arith.constant 128 : i32
      %mul3A_422 = arith.muli %while3A_74, %mul3A_421 : i32
      %add3A_423 = arith.constant 80 : i32
      %add3A_424 = arith.addi %mul3A_422, %add3A_423 : i32
      %get3A_425 = arith.index_cast %add3A_424 : i32 to index
      %get3A_426 = tpu.vector_load %arg9[%get3A_425] {strides = array<i32>} : memref<3328xi32, #tpu.memory_space<vmem>>, vector<16xi32>,
      %dma_start3A_427 = arith.constant 80 : i32
      %dma_start3A_428 = arith.constant 0 : i32
      %dma_start3A_429 = tpu.memref_slice %arg12[%dma_start3A_427, %dma_start3A_428] : memref<128x128xf32, #tpu.memory_space<vmem>> -> memref<16x128xf32, #tpu.memory_space<vmem>>
      %dma_start3A_430 = arith.constant 0 : i32
      %dma_start3A_431 = arith.constant 0 : i32
      %dma_start3A_432 = tpu.memref_slice %arg8[%dma_start3A_430, %dma_start3A_431] : memref<200000x128xf32, #tpu.memory_space<hbm>> -> memref<200000x128xf32, #tpu.memory_space<hbm>>
      tpu.enqueue_indirect_dma source(%dma_start3A_429 : memref<16x128xf32, #tpu.memory_space<vmem>>) target(%dma_start3A_432 : memref<200000x128xf32, #tpu.memory_space<hbm>>) offsets(%get3A_426 : vector<16xi32>) semaphore(%arg14 : memref<!tpu.dma_semaphore, #tpu.memory_space<semaphore_mem>>)
      %add3A_433 = arith.constant 100000 : i32
      %add3A_434 = vector.broadcast %add3A_433 : i32 to vector<16xi32>
      %add3A_435 = arith.addi %get3A_426, %add3A_434 : vector<16xi32>
      %dma_start3A_436 = arith.constant 80 : i32
      %dma_start3A_437 = arith.constant 0 : i32
      %dma_start3A_438 = tpu.memref_slice %arg13[%dma_start3A_436, %dma_start3A_437] : memref<128x128xf32, #tpu.memory_space<vmem>> -> memref<16x128xf32, #tpu.memory_space<vmem>>
      %dma_start3A_439 = arith.constant 0 : i32
      %dma_start3A_440 = arith.constant 0 : i32
      %dma_start3A_441 = tpu.memref_slice %arg8[%dma_start3A_439, %dma_start3A_440] : memref<200000x128xf32, #tpu.memory_space<hbm>> -> memref<200000x128xf32, #tpu.memory_space<hbm>>
      tpu.enqueue_indirect_dma source(%dma_start3A_438 : memref<16x128xf32, #tpu.memory_space<vmem>>) target(%dma_start3A_441 : memref<200000x128xf32, #tpu.memory_space<hbm>>) offsets(%add3A_435 : vector<16xi32>) semaphore(%arg15 : memref<!tpu.dma_semaphore, #tpu.memory_space<semaphore_mem>>)
      %mul3A_442 = arith.constant 128 : i32
      %mul3A_443 = arith.muli %while3A_74, %mul3A_442 : i32
      %add3A_444 = arith.constant 96 : i32
      %add3A_445 = arith.addi %mul3A_443, %add3A_444 : i32
      %get3A_446 = arith.index_cast %add3A_445 : i32 to index
      %get3A_447 = tpu.vector_load %arg9[%get3A_446] {strides = array<i32>} : memref<3328xi32, #tpu.memory_space<vmem>>, vector<16xi32>,
      %dma_start3A_448 = arith.constant 96 : i32
      %dma_start3A_449 = arith.constant 0 : i32
      %dma_start3A_450 = tpu.memref_slice %arg12[%dma_start3A_448, %dma_start3A_449] : memref<128x128xf32, #tpu.memory_space<vmem>> -> memref<16x128xf32, #tpu.memory_space<vmem>>
      %dma_start3A_451 = arith.constant 0 : i32
      %dma_start3A_452 = arith.constant 0 : i32
      %dma_start3A_453 = tpu.memref_slice %arg8[%dma_start3A_451, %dma_start3A_452] : memref<200000x128xf32, #tpu.memory_space<hbm>> -> memref<200000x128xf32, #tpu.memory_space<hbm>>
      tpu.enqueue_indirect_dma source(%dma_start3A_450 : memref<16x128xf32, #tpu.memory_space<vmem>>) target(%dma_start3A_453 : memref<200000x128xf32, #tpu.memory_space<hbm>>) offsets(%get3A_447 : vector<16xi32>) semaphore(%arg14 : memref<!tpu.dma_semaphore, #tpu.memory_space<semaphore_mem>>)
      %add3A_454 = arith.constant 100000 : i32
      %add3A_455 = vector.broadcast %add3A_454 : i32 to vector<16xi32>
      %add3A_456 = arith.addi %get3A_447, %add3A_455 : vector<16xi32>
      %dma_start3A_457 = arith.constant 96 : i32
      %dma_start3A_458 = arith.constant 0 : i32
      %dma_start3A_459 = tpu.memref_slice %arg13[%dma_start3A_457, %dma_start3A_458] : memref<128x128xf32, #tpu.memory_space<vmem>> -> memref<16x128xf32, #tpu.memory_space<vmem>>
      %dma_start3A_460 = arith.constant 0 : i32
      %dma_start3A_461 = arith.constant 0 : i32
      %dma_start3A_462 = tpu.memref_slice %arg8[%dma_start3A_460, %dma_start3A_461] : memref<200000x128xf32, #tpu.memory_space<hbm>> -> memref<200000x128xf32, #tpu.memory_space<hbm>>
      tpu.enqueue_indirect_dma source(%dma_start3A_459 : memref<16x128xf32, #tpu.memory_space<vmem>>) target(%dma_start3A_462 : memref<200000x128xf32, #tpu.memory_space<hbm>>) offsets(%add3A_456 : vector<16xi32>) semaphore(%arg15 : memref<!tpu.dma_semaphore, #tpu.memory_space<semaphore_mem>>)
      %mul3A_463 = arith.constant 128 : i32
      %mul3A_464 = arith.muli %while3A_74, %mul3A_463 : i32
      %add3A_465 = arith.constant 112 : i32
      %add3A_466 = arith.addi %mul3A_464, %add3A_465 : i32
      %get3A_467 = arith.index_cast %add3A_466 : i32 to index
      %get3A_468 = tpu.vector_load %arg9[%get3A_467] {strides = array<i32>} : memref<3328xi32, #tpu.memory_space<vmem>>, vector<16xi32>,
      %dma_start3A_469 = arith.constant 112 : i32
      %dma_start3A_470 = arith.constant 0 : i32
      %dma_start3A_471 = tpu.memref_slice %arg12[%dma_start3A_469, %dma_start3A_470] : memref<128x128xf32, #tpu.memory_space<vmem>> -> memref<16x128xf32, #tpu.memory_space<vmem>>
      %dma_start3A_472 = arith.constant 0 : i32
      %dma_start3A_473 = arith.constant 0 : i32
      %dma_start3A_474 = tpu.memref_slice %arg8[%dma_start3A_472, %dma_start3A_473] : memref<200000x128xf32, #tpu.memory_space<hbm>> -> memref<200000x128xf32, #tpu.memory_space<hbm>>
      tpu.enqueue_indirect_dma source(%dma_start3A_471 : memref<16x128xf32, #tpu.memory_space<vmem>>) target(%dma_start3A_474 : memref<200000x128xf32, #tpu.memory_space<hbm>>) offsets(%get3A_468 : vector<16xi32>) semaphore(%arg14 : memref<!tpu.dma_semaphore, #tpu.memory_space<semaphore_mem>>)
      %add3A_475 = arith.constant 100000 : i32
      %add3A_476 = vector.broadcast %add3A_475 : i32 to vector<16xi32>
      %add3A_477 = arith.addi %get3A_468, %add3A_476 : vector<16xi32>
      %dma_start3A_478 = arith.constant 112 : i32
      %dma_start3A_479 = arith.constant 0 : i32
      %dma_start3A_480 = tpu.memref_slice %arg13[%dma_start3A_478, %dma_start3A_479] : memref<128x128xf32, #tpu.memory_space<vmem>> -> memref<16x128xf32, #tpu.memory_space<vmem>>
      %dma_start3A_481 = arith.constant 0 : i32
      %dma_start3A_482 = arith.constant 0 : i32
      %dma_start3A_483 = tpu.memref_slice %arg8[%dma_start3A_481, %dma_start3A_482] : memref<200000x128xf32, #tpu.memory_space<hbm>> -> memref<200000x128xf32, #tpu.memory_space<hbm>>
      tpu.enqueue_indirect_dma source(%dma_start3A_480 : memref<16x128xf32, #tpu.memory_space<vmem>>) target(%dma_start3A_483 : memref<200000x128xf32, #tpu.memory_space<hbm>>) offsets(%add3A_477 : vector<16xi32>) semaphore(%arg15 : memref<!tpu.dma_semaphore, #tpu.memory_space<semaphore_mem>>)
      %dma_wait3A_484 = arith.constant 0 : i32
      %dma_wait3A_485 = arith.constant 0 : i32
      %dma_wait3A_486 = tpu.memref_slice %arg12[%dma_wait3A_484, %dma_wait3A_485] : memref<128x128xf32, #tpu.memory_space<vmem>> -> memref<16x128xf32, #tpu.memory_space<vmem>>
      %dma_wait3A_487 = arith.constant 0 : i32
      %dma_wait3A_488 = arith.constant 0 : i32
      %dma_wait3A_489 = tpu.memref_slice %arg8[%dma_wait3A_487, %dma_wait3A_488] : memref<200000x128xf32, #tpu.memory_space<hbm>> -> memref<200000x128xf32, #tpu.memory_space<hbm>>
      tpu.wait_indirect_dma semaphore(%arg14 : memref<!tpu.dma_semaphore, #tpu.memory_space<semaphore_mem>>) src(%dma_wait3A_486 : memref<16x128xf32, #tpu.memory_space<vmem>>) dst(%dma_wait3A_489 : memref<200000x128xf32, #tpu.memory_space<hbm>>)
      %dma_wait3A_490 = arith.constant 0 : i32
      %dma_wait3A_491 = arith.constant 0 : i32
      %dma_wait3A_492 = tpu.memref_slice %arg13[%dma_wait3A_490, %dma_wait3A_491] : memref<128x128xf32, #tpu.memory_space<vmem>> -> memref<16x128xf32, #tpu.memory_space<vmem>>
      %dma_wait3A_493 = arith.constant 0 : i32
      %dma_wait3A_494 = arith.constant 0 : i32
      %dma_wait3A_495 = tpu.memref_slice %arg8[%dma_wait3A_493, %dma_wait3A_494] : memref<200000x128xf32, #tpu.memory_space<hbm>> -> memref<200000x128xf32, #tpu.memory_space<hbm>>
      tpu.wait_indirect_dma semaphore(%arg15 : memref<!tpu.dma_semaphore, #tpu.memory_space<semaphore_mem>>) src(%dma_wait3A_492 : memref<16x128xf32, #tpu.memory_space<vmem>>) dst(%dma_wait3A_495 : memref<200000x128xf32, #tpu.memory_space<hbm>>)
      %dma_wait3A_496 = arith.constant 16 : i32
      %dma_wait3A_497 = arith.constant 0 : i32
      %dma_wait3A_498 = tpu.memref_slice %arg12[%dma_wait3A_496, %dma_wait3A_497] : memref<128x128xf32, #tpu.memory_space<vmem>> -> memref<16x128xf32, #tpu.memory_space<vmem>>
      %dma_wait3A_499 = arith.constant 0 : i32
      %dma_wait3A_500 = arith.constant 0 : i32
      %dma_wait3A_501 = tpu.memref_slice %arg8[%dma_wait3A_499, %dma_wait3A_500] : memref<200000x128xf32, #tpu.memory_space<hbm>> -> memref<200000x128xf32, #tpu.memory_space<hbm>>
      tpu.wait_indirect_dma semaphore(%arg14 : memref<!tpu.dma_semaphore, #tpu.memory_space<semaphore_mem>>) src(%dma_wait3A_498 : memref<16x128xf32, #tpu.memory_space<vmem>>) dst(%dma_wait3A_501 : memref<200000x128xf32, #tpu.memory_space<hbm>>)
      %dma_wait3A_502 = arith.constant 16 : i32
      %dma_wait3A_503 = arith.constant 0 : i32
      %dma_wait3A_504 = tpu.memref_slice %arg13[%dma_wait3A_502, %dma_wait3A_503] : memref<128x128xf32, #tpu.memory_space<vmem>> -> memref<16x128xf32, #tpu.memory_space<vmem>>
      %dma_wait3A_505 = arith.constant 0 : i32
      %dma_wait3A_506 = arith.constant 0 : i32
      %dma_wait3A_507 = tpu.memref_slice %arg8[%dma_wait3A_505, %dma_wait3A_506] : memref<200000x128xf32, #tpu.memory_space<hbm>> -> memref<200000x128xf32, #tpu.memory_space<hbm>>
      tpu.wait_indirect_dma semaphore(%arg15 : memref<!tpu.dma_semaphore, #tpu.memory_space<semaphore_mem>>) src(%dma_wait3A_504 : memref<16x128xf32, #tpu.memory_space<vmem>>) dst(%dma_wait3A_507 : memref<200000x128xf32, #tpu.memory_space<hbm>>)
      %dma_wait3A_508 = arith.constant 32 : i32
      %dma_wait3A_509 = arith.constant 0 : i32
      %dma_wait3A_510 = tpu.memref_slice %arg12[%dma_wait3A_508, %dma_wait3A_509] : memref<128x128xf32, #tpu.memory_space<vmem>> -> memref<16x128xf32, #tpu.memory_space<vmem>>
      %dma_wait3A_511 = arith.constant 0 : i32
      %dma_wait3A_512 = arith.constant 0 : i32
      %dma_wait3A_513 = tpu.memref_slice %arg8[%dma_wait3A_511, %dma_wait3A_512] : memref<200000x128xf32, #tpu.memory_space<hbm>> -> memref<200000x128xf32, #tpu.memory_space<hbm>>
      tpu.wait_indirect_dma semaphore(%arg14 : memref<!tpu.dma_semaphore, #tpu.memory_space<semaphore_mem>>) src(%dma_wait3A_510 : memref<16x128xf32, #tpu.memory_space<vmem>>) dst(%dma_wait3A_513 : memref<200000x128xf32, #tpu.memory_space<hbm>>)
      %dma_wait3A_514 = arith.constant 32 : i32
      %dma_wait3A_515 = arith.constant 0 : i32
      %dma_wait3A_516 = tpu.memref_slice %arg13[%dma_wait3A_514, %dma_wait3A_515] : memref<128x128xf32, #tpu.memory_space<vmem>> -> memref<16x128xf32, #tpu.memory_space<vmem>>
      %dma_wait3A_517 = arith.constant 0 : i32
      %dma_wait3A_518 = arith.constant 0 : i32
      %dma_wait3A_519 = tpu.memref_slice %arg8[%dma_wait3A_517, %dma_wait3A_518] : memref<200000x128xf32, #tpu.memory_space<hbm>> -> memref<200000x128xf32, #tpu.memory_space<hbm>>
      tpu.wait_indirect_dma semaphore(%arg15 : memref<!tpu.dma_semaphore, #tpu.memory_space<semaphore_mem>>) src(%dma_wait3A_516 : memref<16x128xf32, #tpu.memory_space<vmem>>) dst(%dma_wait3A_519 : memref<200000x128xf32, #tpu.memory_space<hbm>>)
      %dma_wait3A_520 = arith.constant 48 : i32
      %dma_wait3A_521 = arith.constant 0 : i32
      %dma_wait3A_522 = tpu.memref_slice %arg12[%dma_wait3A_520, %dma_wait3A_521] : memref<128x128xf32, #tpu.memory_space<vmem>> -> memref<16x128xf32, #tpu.memory_space<vmem>>
      %dma_wait3A_523 = arith.constant 0 : i32
      %dma_wait3A_524 = arith.constant 0 : i32
      %dma_wait3A_525 = tpu.memref_slice %arg8[%dma_wait3A_523, %dma_wait3A_524] : memref<200000x128xf32, #tpu.memory_space<hbm>> -> memref<200000x128xf32, #tpu.memory_space<hbm>>
      tpu.wait_indirect_dma semaphore(%arg14 : memref<!tpu.dma_semaphore, #tpu.memory_space<semaphore_mem>>) src(%dma_wait3A_522 : memref<16x128xf32, #tpu.memory_space<vmem>>) dst(%dma_wait3A_525 : memref<200000x128xf32, #tpu.memory_space<hbm>>)
      %dma_wait3A_526 = arith.constant 48 : i32
      %dma_wait3A_527 = arith.constant 0 : i32
      %dma_wait3A_528 = tpu.memref_slice %arg13[%dma_wait3A_526, %dma_wait3A_527] : memref<128x128xf32, #tpu.memory_space<vmem>> -> memref<16x128xf32, #tpu.memory_space<vmem>>
      %dma_wait3A_529 = arith.constant 0 : i32
      %dma_wait3A_530 = arith.constant 0 : i32
      %dma_wait3A_531 = tpu.memref_slice %arg8[%dma_wait3A_529, %dma_wait3A_530] : memref<200000x128xf32, #tpu.memory_space<hbm>> -> memref<200000x128xf32, #tpu.memory_space<hbm>>
      tpu.wait_indirect_dma semaphore(%arg15 : memref<!tpu.dma_semaphore, #tpu.memory_space<semaphore_mem>>) src(%dma_wait3A_528 : memref<16x128xf32, #tpu.memory_space<vmem>>) dst(%dma_wait3A_531 : memref<200000x128xf32, #tpu.memory_space<hbm>>)
      %dma_wait3A_532 = arith.constant 64 : i32
      %dma_wait3A_533 = arith.constant 0 : i32
      %dma_wait3A_534 = tpu.memref_slice %arg12[%dma_wait3A_532, %dma_wait3A_533] : memref<128x128xf32, #tpu.memory_space<vmem>> -> memref<16x128xf32, #tpu.memory_space<vmem>>
      %dma_wait3A_535 = arith.constant 0 : i32
      %dma_wait3A_536 = arith.constant 0 : i32
      %dma_wait3A_537 = tpu.memref_slice %arg8[%dma_wait3A_535, %dma_wait3A_536] : memref<200000x128xf32, #tpu.memory_space<hbm>> -> memref<200000x128xf32, #tpu.memory_space<hbm>>
      tpu.wait_indirect_dma semaphore(%arg14 : memref<!tpu.dma_semaphore, #tpu.memory_space<semaphore_mem>>) src(%dma_wait3A_534 : memref<16x128xf32, #tpu.memory_space<vmem>>) dst(%dma_wait3A_537 : memref<200000x128xf32, #tpu.memory_space<hbm>>)
      %dma_wait3A_538 = arith.constant 64 : i32
      %dma_wait3A_539 = arith.constant 0 : i32
      %dma_wait3A_540 = tpu.memref_slice %arg13[%dma_wait3A_538, %dma_wait3A_539] : memref<128x128xf32, #tpu.memory_space<vmem>> -> memref<16x128xf32, #tpu.memory_space<vmem>>
      %dma_wait3A_541 = arith.constant 0 : i32
      %dma_wait3A_542 = arith.constant 0 : i32
      %dma_wait3A_543 = tpu.memref_slice %arg8[%dma_wait3A_541, %dma_wait3A_542] : memref<200000x128xf32, #tpu.memory_space<hbm>> -> memref<200000x128xf32, #tpu.memory_space<hbm>>
      tpu.wait_indirect_dma semaphore(%arg15 : memref<!tpu.dma_semaphore, #tpu.memory_space<semaphore_mem>>) src(%dma_wait3A_540 : memref<16x128xf32, #tpu.memory_space<vmem>>) dst(%dma_wait3A_543 : memref<200000x128xf32, #tpu.memory_space<hbm>>)
      %dma_wait3A_544 = arith.constant 80 : i32
      %dma_wait3A_545 = arith.constant 0 : i32
      %dma_wait3A_546 = tpu.memref_slice %arg12[%dma_wait3A_544, %dma_wait3A_545] : memref<128x128xf32, #tpu.memory_space<vmem>> -> memref<16x128xf32, #tpu.memory_space<vmem>>
      %dma_wait3A_547 = arith.constant 0 : i32
      %dma_wait3A_548 = arith.constant 0 : i32
      %dma_wait3A_549 = tpu.memref_slice %arg8[%dma_wait3A_547, %dma_wait3A_548] : memref<200000x128xf32, #tpu.memory_space<hbm>> -> memref<200000x128xf32, #tpu.memory_space<hbm>>
      tpu.wait_indirect_dma semaphore(%arg14 : memref<!tpu.dma_semaphore, #tpu.memory_space<semaphore_mem>>) src(%dma_wait3A_546 : memref<16x128xf32, #tpu.memory_space<vmem>>) dst(%dma_wait3A_549 : memref<200000x128xf32, #tpu.memory_space<hbm>>)
      %dma_wait3A_550 = arith.constant 80 : i32
      %dma_wait3A_551 = arith.constant 0 : i32
      %dma_wait3A_552 = tpu.memref_slice %arg13[%dma_wait3A_550, %dma_wait3A_551] : memref<128x128xf32, #tpu.memory_space<vmem>> -> memref<16x128xf32, #tpu.memory_space<vmem>>
      %dma_wait3A_553 = arith.constant 0 : i32
      %dma_wait3A_554 = arith.constant 0 : i32
      %dma_wait3A_555 = tpu.memref_slice %arg8[%dma_wait3A_553, %dma_wait3A_554] : memref<200000x128xf32, #tpu.memory_space<hbm>> -> memref<200000x128xf32, #tpu.memory_space<hbm>>
      tpu.wait_indirect_dma semaphore(%arg15 : memref<!tpu.dma_semaphore, #tpu.memory_space<semaphore_mem>>) src(%dma_wait3A_552 : memref<16x128xf32, #tpu.memory_space<vmem>>) dst(%dma_wait3A_555 : memref<200000x128xf32, #tpu.memory_space<hbm>>)
      %dma_wait3A_556 = arith.constant 96 : i32
      %dma_wait3A_557 = arith.constant 0 : i32
      %dma_wait3A_558 = tpu.memref_slice %arg12[%dma_wait3A_556, %dma_wait3A_557] : memref<128x128xf32, #tpu.memory_space<vmem>> -> memref<16x128xf32, #tpu.memory_space<vmem>>
      %dma_wait3A_559 = arith.constant 0 : i32
      %dma_wait3A_560 = arith.constant 0 : i32
      %dma_wait3A_561 = tpu.memref_slice %arg8[%dma_wait3A_559, %dma_wait3A_560] : memref<200000x128xf32, #tpu.memory_space<hbm>> -> memref<200000x128xf32, #tpu.memory_space<hbm>>
      tpu.wait_indirect_dma semaphore(%arg14 : memref<!tpu.dma_semaphore, #tpu.memory_space<semaphore_mem>>) src(%dma_wait3A_558 : memref<16x128xf32, #tpu.memory_space<vmem>>) dst(%dma_wait3A_561 : memref<200000x128xf32, #tpu.memory_space<hbm>>)
      %dma_wait3A_562 = arith.constant 96 : i32
      %dma_wait3A_563 = arith.constant 0 : i32
      %dma_wait3A_564 = tpu.memref_slice %arg13[%dma_wait3A_562, %dma_wait3A_563] : memref<128x128xf32, #tpu.memory_space<vmem>> -> memref<16x128xf32, #tpu.memory_space<vmem>>
      %dma_wait3A_565 = arith.constant 0 : i32
      %dma_wait3A_566 = arith.constant 0 : i32
      %dma_wait3A_567 = tpu.memref_slice %arg8[%dma_wait3A_565, %dma_wait3A_566] : memref<200000x128xf32, #tpu.memory_space<hbm>> -> memref<200000x128xf32, #tpu.memory_space<hbm>>
      tpu.wait_indirect_dma semaphore(%arg15 : memref<!tpu.dma_semaphore, #tpu.memory_space<semaphore_mem>>) src(%dma_wait3A_564 : memref<16x128xf32, #tpu.memory_space<vmem>>) dst(%dma_wait3A_567 : memref<200000x128xf32, #tpu.memory_space<hbm>>)
      %dma_wait3A_568 = arith.constant 112 : i32
      %dma_wait3A_569 = arith.constant 0 : i32
      %dma_wait3A_570 = tpu.memref_slice %arg12[%dma_wait3A_568, %dma_wait3A_569] : memref<128x128xf32, #tpu.memory_space<vmem>> -> memref<16x128xf32, #tpu.memory_space<vmem>>
      %dma_wait3A_571 = arith.constant 0 : i32
      %dma_wait3A_572 = arith.constant 0 : i32
      %dma_wait3A_573 = tpu.memref_slice %arg8[%dma_wait3A_571, %dma_wait3A_572] : memref<200000x128xf32, #tpu.memory_space<hbm>> -> memref<200000x128xf32, #tpu.memory_space<hbm>>
      tpu.wait_indirect_dma semaphore(%arg14 : memref<!tpu.dma_semaphore, #tpu.memory_space<semaphore_mem>>) src(%dma_wait3A_570 : memref<16x128xf32, #tpu.memory_space<vmem>>) dst(%dma_wait3A_573 : memref<200000x128xf32, #tpu.memory_space<hbm>>)
      %dma_wait3A_574 = arith.constant 112 : i32
      %dma_wait3A_575 = arith.constant 0 : i32
      %dma_wait3A_576 = tpu.memref_slice %arg13[%dma_wait3A_574, %dma_wait3A_575] : memref<128x128xf32, #tpu.memory_space<vmem>> -> memref<16x128xf32, #tpu.memory_space<vmem>>
      %dma_wait3A_577 = arith.constant 0 : i32
      %dma_wait3A_578 = arith.constant 0 : i32
      %dma_wait3A_579 = tpu.memref_slice %arg8[%dma_wait3A_577, %dma_wait3A_578] : memref<200000x128xf32, #tpu.memory_space<hbm>> -> memref<200000x128xf32, #tpu.memory_space<hbm>>
      tpu.wait_indirect_dma semaphore(%arg15 : memref<!tpu.dma_semaphore, #tpu.memory_space<semaphore_mem>>) src(%dma_wait3A_576 : memref<16x128xf32, #tpu.memory_space<vmem>>) dst(%dma_wait3A_579 : memref<200000x128xf32, #tpu.memory_space<hbm>>)
      %while3A_580 = arith.constant 0 : i32
      scf.yield %while3A_580 : i32
    }
    return
  }
}

module attributes {stable_mosaic.version = 14 : i64} {
  func.func @_gru_body(%arg0: i32, %arg1: memref<2048x128xf32, #tpu.memory_space<vmem>>, %arg2: memref<2048x128xf32, #tpu.memory_space<vmem>>, %arg3: memref<2048x128xf32, #tpu.memory_space<vmem>>, %arg4: memref<128x384xf32, #tpu.memory_space<vmem>>, %arg5: memref<128x384xf32, #tpu.memory_space<vmem>>, %arg6: memref<1x384xf32, #tpu.memory_space<vmem>>, %arg7: memref<1x384xf32, #tpu.memory_space<vmem>>, %arg8: memref<2048x128xf32, #tpu.memory_space<vmem>>, %arg9: memref<2048x128xf32, #tpu.memory_space<vmem>>) attributes {dimension_semantics = [#tpu.dimension_semantics<arbitrary>], iteration_bounds = array<i64: 8>, scalar_prefetch = 0 : i64, scratch_operands = 0 : i64, tpu.core_type = #tpu.core_type<tc>, window_params = [{transform_indices = @transform_0, window_bounds = array<i64: 2048, 128>}, {transform_indices = @transform_1, window_bounds = array<i64: 2048, 128>}, {transform_indices = @transform_2, window_bounds = array<i64: 2048, 128>}, {pipeline_mode = #tpu.pipeline_mode<synchronous>, transform_indices = @transform_3, window_bounds = array<i64: 128, 384>}, {pipeline_mode = #tpu.pipeline_mode<synchronous>, transform_indices = @transform_4, window_bounds = array<i64: 128, 384>}, {pipeline_mode = #tpu.pipeline_mode<synchronous>, transform_indices = @transform_5, window_bounds = array<i64: 1, 384>}, {pipeline_mode = #tpu.pipeline_mode<synchronous>, transform_indices = @transform_6, window_bounds = array<i64: 1, 384>}, {transform_indices = @transform_7, window_bounds = array<i64: 2048, 128>}, {transform_indices = @transform_8, window_bounds = array<i64: 2048, 128>}]} {
    %get3A = arith.constant 0 : index
    %get3A_0 = arith.constant 0 : index
    %get3A_1 = vector.load %arg1[%get3A, %get3A_0] : memref<2048x128xf32, #tpu.memory_space<vmem>>, vector<2048x128xf32>
    %get3A_2 = arith.constant 0 : index
    %get3A_3 = arith.constant 0 : index
    %get3A_4 = vector.load %arg2[%get3A_2, %get3A_3] : memref<2048x128xf32, #tpu.memory_space<vmem>>, vector<2048x128xf32>
    %get3A_5 = arith.constant 0 : index
    %get3A_6 = arith.constant 0 : index
    %get3A_7 = vector.load %arg4[%get3A_5, %get3A_6] : memref<128x384xf32, #tpu.memory_space<vmem>>, vector<128x384xf32>
    %dot_general3A = arith.constant dense<0.000000e+00> : vector<2048x384xf32>
    %dot_general3A_8 = tpu.matmul %get3A_1, %get3A_7, %dot_general3A {dimension_numbers = #tpu.dot_dimension_numbers<[1], [0], [0], [1], [0, 0, 1, 1], [], []>, transpose_lhs_hint = false} : vector<2048x128xf32>, vector<128x384xf32>, vector<2048x384xf32> -> vector<2048x384xf32>
    %get3A_9 = arith.constant 0 : index
    %get3A_10 = arith.constant 0 : index
    %get3A_11 = vector.load %arg6[%get3A_9, %get3A_10] : memref<1x384xf32, #tpu.memory_space<vmem>>, vector<1x384xf32>
    %add3A = vector.broadcast %get3A_11 : vector<1x384xf32> to vector<2048x384xf32>
    %add3A_12 = arith.addf %dot_general3A_8, %add3A : vector<2048x384xf32>
    %get3A_13 = arith.constant 0 : index
    %get3A_14 = arith.constant 0 : index
    %get3A_15 = vector.load %arg5[%get3A_13, %get3A_14] : memref<128x384xf32, #tpu.memory_space<vmem>>, vector<128x384xf32>
    %dot_general3A_16 = arith.constant dense<0.000000e+00> : vector<2048x384xf32>
    %dot_general3A_17 = tpu.matmul %get3A_4, %get3A_15, %dot_general3A_16 {dimension_numbers = #tpu.dot_dimension_numbers<[1], [0], [0], [1], [0, 0, 1, 1], [], []>, transpose_lhs_hint = false} : vector<2048x128xf32>, vector<128x384xf32>, vector<2048x384xf32> -> vector<2048x384xf32>
    %get3A_18 = arith.constant 0 : index
    %get3A_19 = arith.constant 0 : index
    %get3A_20 = vector.load %arg7[%get3A_18, %get3A_19] : memref<1x384xf32, #tpu.memory_space<vmem>>, vector<1x384xf32>
    %add3A_21 = vector.broadcast %get3A_20 : vector<1x384xf32> to vector<2048x384xf32>
    %add3A_22 = arith.addf %dot_general3A_17, %add3A_21 : vector<2048x384xf32>
    %slice3A = vector.extract_strided_slice %add3A_12 {offsets = [0, 0], sizes = [2048, 128], strides = [1, 1]} : vector<2048x384xf32> to vector<2048x128xf32>
    %slice3A_23 = vector.extract_strided_slice %add3A_22 {offsets = [0, 0], sizes = [2048, 128], strides = [1, 1]} : vector<2048x384xf32> to vector<2048x128xf32>
    %add3A_24 = arith.addf %slice3A, %slice3A_23 : vector<2048x128xf32>
    %logistic3A = arith.negf %add3A_24 : vector<2048x128xf32>
    %logistic3A_25 = math.exp %logistic3A : vector<2048x128xf32>
    %logistic3A_26 = arith.constant 1.000000e+00 : f32
    %logistic3A_27 = vector.broadcast %logistic3A_26 : f32 to vector<2048x128xf32>
    %logistic3A_28 = arith.addf %logistic3A_27, %logistic3A_25 : vector<2048x128xf32>
    %logistic3A_29 = arith.divf %logistic3A_27, %logistic3A_28 : vector<2048x128xf32>
    %slice3A_30 = vector.extract_strided_slice %add3A_12 {offsets = [0, 128], sizes = [2048, 128], strides = [1, 1]} : vector<2048x384xf32> to vector<2048x128xf32>
    %slice3A_31 = vector.extract_strided_slice %add3A_22 {offsets = [0, 128], sizes = [2048, 128], strides = [1, 1]} : vector<2048x384xf32> to vector<2048x128xf32>
    %add3A_32 = arith.addf %slice3A_30, %slice3A_31 : vector<2048x128xf32>
    %logistic3A_33 = arith.negf %add3A_32 : vector<2048x128xf32>
    %logistic3A_34 = math.exp %logistic3A_33 : vector<2048x128xf32>
    %logistic3A_35 = arith.constant 1.000000e+00 : f32
    %logistic3A_36 = vector.broadcast %logistic3A_35 : f32 to vector<2048x128xf32>
    %logistic3A_37 = arith.addf %logistic3A_36, %logistic3A_34 : vector<2048x128xf32>
    %logistic3A_38 = arith.divf %logistic3A_36, %logistic3A_37 : vector<2048x128xf32>
    %slice3A_39 = vector.extract_strided_slice %add3A_12 {offsets = [0, 256], sizes = [2048, 128], strides = [1, 1]} : vector<2048x384xf32> to vector<2048x128xf32>
    %slice3A_40 = vector.extract_strided_slice %add3A_22 {offsets = [0, 256], sizes = [2048, 128], strides = [1, 1]} : vector<2048x384xf32> to vector<2048x128xf32>
    %mul3A = arith.mulf %logistic3A_29, %slice3A_40 : vector<2048x128xf32>
    %add3A_41 = arith.addf %slice3A_39, %mul3A : vector<2048x128xf32>
    %tanh3A = math.tanh %add3A_41 : vector<2048x128xf32>
    %sub3A = arith.constant 1.000000e+00 : f32
    %sub3A_42 = vector.broadcast %sub3A : f32 to vector<2048x128xf32>
    %sub3A_43 = arith.subf %sub3A_42, %logistic3A_38 : vector<2048x128xf32>
    %mul3A_44 = arith.mulf %sub3A_43, %tanh3A : vector<2048x128xf32>
    %mul3A_45 = arith.mulf %logistic3A_38, %get3A_4 : vector<2048x128xf32>
    %add3A_46 = arith.addf %mul3A_44, %mul3A_45 : vector<2048x128xf32>
    %swap3A = arith.constant 0 : index
    %swap3A_47 = arith.constant 0 : index
    %swap3A_48 = vector.load %arg8[%swap3A, %swap3A_47] : memref<2048x128xf32, #tpu.memory_space<vmem>>, vector<2048x128xf32>
    tpu.vector_store %arg8[%swap3A, %swap3A_47], %add3A_46 {strides = array<i32>} : memref<2048x128xf32, #tpu.memory_space<vmem>>, vector<2048x128xf32>,
    %sub3A_49 = arith.subf %add3A_46, %get3A_4 : vector<2048x128xf32>
    %get3A_50 = arith.constant 0 : index
    %get3A_51 = arith.constant 0 : index
    %get3A_52 = vector.load %arg3[%get3A_50, %get3A_51] : memref<2048x128xf32, #tpu.memory_space<vmem>>, vector<2048x128xf32>
    %mul3A_53 = arith.constant 0.899999976 : f32
    %mul3A_54 = vector.broadcast %mul3A_53 : f32 to vector<2048x128xf32>
    %mul3A_55 = arith.mulf %mul3A_54, %get3A_52 : vector<2048x128xf32>
    %mul3A_56 = arith.constant 1.000000e-01 : f32
    %mul3A_57 = vector.broadcast %mul3A_56 : f32 to vector<2048x128xf32>
    %mul3A_58 = arith.mulf %mul3A_57, %sub3A_49 : vector<2048x128xf32>
    %mul3A_59 = arith.mulf %mul3A_58, %sub3A_49 : vector<2048x128xf32>
    %add3A_60 = arith.addf %mul3A_55, %mul3A_59 : vector<2048x128xf32>
    %swap3A_61 = arith.constant 0 : index
    %swap3A_62 = arith.constant 0 : index
    %swap3A_63 = vector.load %arg9[%swap3A_61, %swap3A_62] : memref<2048x128xf32, #tpu.memory_space<vmem>>, vector<2048x128xf32>
    tpu.vector_store %arg9[%swap3A_61, %swap3A_62], %add3A_60 {strides = array<i32>} : memref<2048x128xf32, #tpu.memory_space<vmem>>, vector<2048x128xf32>,
    return
  }
  func.func @transform_0(%arg0: i32) -> (i32, i32) {
    %c0_i32 = arith.constant 0 : i32
    %c0_i32_0 = arith.constant 0 : i32
    return %arg0, %c0_i32 : i32, i32
  }
  func.func @transform_1(%arg0: i32) -> (i32, i32) {
    %c0_i32 = arith.constant 0 : i32
    %c0_i32_0 = arith.constant 0 : i32
    return %arg0, %c0_i32 : i32, i32
  }
  func.func @transform_2(%arg0: i32) -> (i32, i32) {
    %c0_i32 = arith.constant 0 : i32
    %c0_i32_0 = arith.constant 0 : i32
    return %arg0, %c0_i32 : i32, i32
  }
  func.func @transform_3(%arg0: i32) -> (i32, i32) {
    %c0_i32 = arith.constant 0 : i32
    %c0_i32_0 = arith.constant 0 : i32
    %c0_i32_1 = arith.constant 0 : i32
    return %c0_i32, %c0_i32_0 : i32, i32
  }
  func.func @transform_4(%arg0: i32) -> (i32, i32) {
    %c0_i32 = arith.constant 0 : i32
    %c0_i32_0 = arith.constant 0 : i32
    %c0_i32_1 = arith.constant 0 : i32
    return %c0_i32, %c0_i32_0 : i32, i32
  }
  func.func @transform_5(%arg0: i32) -> (i32, i32) {
    %c0_i32 = arith.constant 0 : i32
    %c0_i32_0 = arith.constant 0 : i32
    %c0_i32_1 = arith.constant 0 : i32
    return %c0_i32, %c0_i32_0 : i32, i32
  }
  func.func @transform_6(%arg0: i32) -> (i32, i32) {
    %c0_i32 = arith.constant 0 : i32
    %c0_i32_0 = arith.constant 0 : i32
    %c0_i32_1 = arith.constant 0 : i32
    return %c0_i32, %c0_i32_0 : i32, i32
  }
  func.func @transform_7(%arg0: i32) -> (i32, i32) {
    %c0_i32 = arith.constant 0 : i32
    %c0_i32_0 = arith.constant 0 : i32
    return %arg0, %c0_i32 : i32, i32
  }
  func.func @transform_8(%arg0: i32) -> (i32, i32) {
    %c0_i32 = arith.constant 0 : i32
    %c0_i32_0 = arith.constant 0 : i32
    return %arg0, %c0_i32 : i32, i32
  }
}

module attributes {stable_mosaic.version = 14 : i64} {
  func.func @_copy_body(%arg0: i32, %arg1: memref<5000x128xf32, #tpu.memory_space<vmem>>, %arg2: memref<5000x128xf32, #tpu.memory_space<vmem>>, %arg3: memref<2x5000x128xf32, #tpu.memory_space<vmem>>) attributes {dimension_semantics = [#tpu.dimension_semantics<arbitrary>], iteration_bounds = array<i64: 20>, scalar_prefetch = 0 : i64, scratch_operands = 0 : i64, tpu.core_type = #tpu.core_type<tc>, window_params = [{transform_indices = @transform_0, window_bounds = array<i64: 5000, 128>}, {transform_indices = @transform_1, window_bounds = array<i64: 5000, 128>}, {transform_indices = @transform_2, window_bounds = array<i64: 2, 5000, 128>}]} {
    %get3A = arith.constant 0 : index
    %get3A_0 = arith.constant 0 : index
    %get3A_1 = vector.load %arg1[%get3A, %get3A_0] : memref<5000x128xf32, #tpu.memory_space<vmem>>, vector<5000x128xf32>
    %swap3A = arith.constant 0 : index
    %swap3A_2 = arith.constant 0 : index
    %swap3A_3 = arith.constant 0 : index
    %swap3A_4 = vector.load %arg3[%swap3A, %swap3A_2, %swap3A_3] : memref<2x5000x128xf32, #tpu.memory_space<vmem>>, vector<1x5000x128xf32>
    %swap3A_5 = vector.shape_cast %swap3A_4 : vector<1x5000x128xf32> to vector<5000x128xf32>
    %swap3A_6 = vector.shape_cast %get3A_1 : vector<5000x128xf32> to vector<1x5000x128xf32>
    tpu.vector_store %arg3[%swap3A, %swap3A_2, %swap3A_3], %swap3A_6 {strides = array<i32>} : memref<2x5000x128xf32, #tpu.memory_space<vmem>>, vector<1x5000x128xf32>,
    %get3A_7 = arith.constant 0 : index
    %get3A_8 = arith.constant 0 : index
    %get3A_9 = vector.load %arg2[%get3A_7, %get3A_8] : memref<5000x128xf32, #tpu.memory_space<vmem>>, vector<5000x128xf32>
    %swap3A_10 = arith.constant 1 : index
    %swap3A_11 = arith.constant 0 : index
    %swap3A_12 = arith.constant 0 : index
    %swap3A_13 = vector.load %arg3[%swap3A_10, %swap3A_11, %swap3A_12] : memref<2x5000x128xf32, #tpu.memory_space<vmem>>, vector<1x5000x128xf32>
    %swap3A_14 = vector.shape_cast %swap3A_13 : vector<1x5000x128xf32> to vector<5000x128xf32>
    %swap3A_15 = vector.shape_cast %get3A_9 : vector<5000x128xf32> to vector<1x5000x128xf32>
    tpu.vector_store %arg3[%swap3A_10, %swap3A_11, %swap3A_12], %swap3A_15 {strides = array<i32>} : memref<2x5000x128xf32, #tpu.memory_space<vmem>>, vector<1x5000x128xf32>,
    return
  }
  func.func @transform_0(%arg0: i32) -> (i32, i32) {
    %c0_i32 = arith.constant 0 : i32
    %c0_i32_0 = arith.constant 0 : i32
    return %arg0, %c0_i32 : i32, i32
  }
  func.func @transform_1(%arg0: i32) -> (i32, i32) {
    %c0_i32 = arith.constant 0 : i32
    %c0_i32_0 = arith.constant 0 : i32
    return %arg0, %c0_i32 : i32, i32
  }
  func.func @transform_2(%arg0: i32) -> (i32, i32, i32) {
    %c0_i32 = arith.constant 0 : i32
    %c0_i32_0 = arith.constant 0 : i32
    %c0_i32_1 = arith.constant 0 : i32
    return %c0_i32, %arg0, %c0_i32_0 : i32, i32, i32
  }
}

</mosaic_0001>

<sc_bundles>
// kernel: kernel.6.cloned.1.call-start
scs
__scs_entry_jumppad:
0x0: {  	(pc) =	sbr.rel $0x88, $3  }
0x1: {  	(tag) =	ssettag $0x0;
	lr =	simm.s32 $0x1  }
0x2: {  	[smem:$0x3F99] =	sst lr;
	_ =	strace $0xD0000000  }
0x3: {  	_ = 	snop  }
0x4: {  	_ = 	snop  }
0x5: {  	_ = 	snop  }
0x6: {  	_ = 	snop  }
0x7: {  	_ = 	snop  }
__scs_overlays_trampoline_lowered:
0x8: {  	[smem:$0x3FA8] =	sst s0  }
0x9: {  	[smem:$0x3FA9] =	sst s1  }
0xa: {  	[smem:$0x3FAA] =	sst s2  }
0xb: {  	[smem:$0x3FAB] =	sst s3  }
0xc: {  	[smem:$0x3FAC] =	sst s4  }
0xd: {  	[smem:$0x3FAD] =	sst s5  }
0xe: {  	[smem:$0x3FAE] =	sst s6  }
0xf: {  	[smem:$0x3FAF] =	sst s7  }
0x10: {  	[smem:$0x3FB0] =	sst s8  }
0x11: {  	[smem:$0x3FB1] =	sst s9;
	s0 =	simm.s32 @!p0 $0x0  }
0x12: {  	s1 =	sld [smem:$0x3F97];
	s0 =	simm.s32 @p0 $0x1  }
0x13: {  	[smem:$0x3FB2] =	sst s0;
	s0 =	simm.s32 @!p1 $0x0  }
0x14: {  	s2 =	sld [smem:$0x3F96];
	s0 =	simm.s32 @p1 $0x1  }
0x15: {  	[smem:$0x3FB3] =	sst s0;
	s0 =	simm.s32 @!p2 $0x0  }
0x16: {  	s3 =	sld [smem:$0x3FDB];
	s0 =	simm.s32 @p2 $0x1  }
0x17: {  	s4 =	simm.s32 $0x1BF5;
	[smem:$0x3FB5] =	sst s0  }
0x18: {  	s0 =	sld [smem:$0x3F98];
	_ =	swait.ge [sflag:s4], $0x0  }
0x19: {  	s7 =	sld [smem:$0x3F99]  }
0x1a: {  	s8 =	sadd.s32 $0xFFFFE003, lr  }
0x1b: {  	s9 =	sadd.s32 $0xFFFFFEF7, lr;
	s5 =	simm.s32 $0xFFFFFFFF;
	p2 =	slt.u32 s8, $0xFFFFF086  }
0x1c: {  	p1 =	slt.u32 s9, $0xF7A;
	s5 =	simm.s32 @!p2 $0x0  }
0x1d: {  	s5 =	simm.s32 @p1 $0x1;
	p0 =	seq.s32 s7, s2  }
0x1e: {  	s7 =	smul.u32 @!p0 $0xF7A, s2;
	p2 =	seq.s32 @!p0 s5, $0x0  }
0x1f: {  	s9 =	smul.u32 $0xF7A, s1;
	s8 =	simm.s32 @!p0 $0x1BF5;
	p2 =	por !p2, p0  }
0x20: {  	[sflag:s8] =	ssyncset.s32 @!p0 $0xFFFFF086;
	s6 =	sadd.s32 @!p0 s3, s7;
	s7 =	simm.s32 @!p0 $0x108  }
0x21: {  	s3 =	sadd.s32 s3, s9;
	s6 =	sadd.s32 @!p0 $0x88, s6;
	s7 =	simm.s32 @p2 $0x1082  }
0x22: {  	[simem:s7], [sflag:s8] =	dma.local @!p0 [hbm:s6], $0xF7A  }
0x23: {  	s9 =	sor.u32 $0xD0000000, s2;
	s6 =	simm.s32 $0x108;
	_ =	swait.ge @!p0 [sflag:s8], $0x0  }
0x24: {  	s3 =	sadd.s32 $0x88, s3;
	s6 =	simm.s32 @!p1 $0x1082;
	[sflag:s4] =	ssyncset.s32 $0xFFFFF086  }
0x25: {  	[simem:s6], [sflag:s4] =	dma.local [hbm:s3], $0xF7A  }
0x26: {  	[smem:$0x3F99] =	sst s1;
	(tag) =	ssettag s2;
	_ =	strace s9  }
0x27: {  	s1 =	sld [smem:$0x3FA9]  }
0x28: {  	s2 =	sld [smem:$0x3FAA]  }
0x29: {  	s4 =	sld [smem:$0x3FAC]  }
0x2a: {  	p0 =	seq.s32 s5, $0x0;
	s5 =	sld [smem:$0x3FAD]  }
0x2b: {  	s6 =	sld [smem:$0x3FAE]  }
0x2c: {  	s7 =	sld [smem:$0x3FAF]  }
0x2d: {  	s3 =	simm.s32 $0x108;
	s8 =	sld [smem:$0x3FB0]  }
0x2e: {  	s3 =	simm.s32 @!p0 $0x1082;
	s9 =	sld [smem:$0x3FB1]  }
0x2f: {  	lr =	sadd.s32 s0, s3;
	s0 =	sld [smem:$0x3FA8]  }
0x30: {  	s3 =	sld [smem:$0x3FAB]  }
0x31: {  	[smem:$0x3FB4] =	sst s10  }
0x32: {  	s10 =	sld [smem:$0x3FB2];
	_ =	sdelay $0x3  }
0x33: {  	p0 =	seq.s32 s10, $0x1;
	s10 =	sld [smem:$0x3FB4];
	_ =	sdelay $0x3  }
0x34: {  	[smem:$0x3FB4] =	sst s10  }
0x35: {  	s10 =	sld [smem:$0x3FB3];
	_ =	sdelay $0x3  }
0x36: {  	p1 =	seq.s32 s10, $0x1;
	s10 =	sld [smem:$0x3FB4];
	_ =	sdelay $0x3  }
0x37: {  	[smem:$0x3FB4] =	sst s10  }
0x38: {  	s10 =	sld [smem:$0x3FB5]  }
0x39: {  	_ = 	snop;
	(pc) =	sbr.ind lr, $3  }
0x3a: {  	_ = 	snop  }
0x3b: {  	_ = 	snop  }
0x3c: {  	p2 =	seq.s32 s10, $0x1;
	s10 =	sld [smem:$0x3FB4]  }
0x3d: {  	_ =	shalt  }
0x3e: {  	_ =	shalt  }
0x3f: {  	_ =	shalt  }
0x40: {  	_ =	shalt  }
0x41: {  	_ =	shalt  }
0x42: {  	_ =	shalt  }
0x43: {  	_ =	shalt  }
0x44: {  	_ =	shalt  }
0x45: {  	_ =	shalt  }
0x46: {  	_ =	shalt  }
0x47: {  	_ =	shalt  }
0x48: {  	_ =	shalt  }
0x49: {  	_ =	shalt  }
0x4a: {  	_ =	shalt  }
0x4b: {  	_ =	shalt  }
0x4c: {  	_ =	shalt  }
0x4d: {  	_ =	shalt  }
0x4e: {  	_ =	shalt  }
0x4f: {  	_ =	shalt  }
0x50: {  	_ =	shalt  }
0x51: {  	_ =	shalt  }
0x52: {  	_ =	shalt  }
0x53: {  	_ =	shalt  }
0x54: {  	_ =	shalt  }
0x55: {  	_ =	shalt  }
0x56: {  	_ =	shalt  }
0x57: {  	_ =	shalt  }
0x58: {  	_ =	shalt  }
0x59: {  	_ =	shalt  }
0x5a: {  	_ =	shalt  }
0x5b: {  	_ =	shalt  }
0x5c: {  	_ =	shalt  }
0x5d: {  	_ =	shalt  }
0x5e: {  	_ =	shalt  }
0x5f: {  	_ =	shalt  }
0x60: {  	_ =	shalt  }
0x61: {  	_ =	shalt  }
0x62: {  	_ =	shalt  }
0x63: {  	_ =	shalt  }
0x64: {  	_ =	shalt  }
0x65: {  	_ =	shalt  }
0x66: {  	_ =	shalt  }
0x67: {  	_ =	shalt  }
0x68: {  	_ =	shalt  }
0x69: {  	_ =	shalt  }
0x6a: {  	_ =	shalt  }
0x6b: {  	_ =	shalt  }
0x6c: {  	_ =	shalt  }
0x6d: {  	_ =	shalt  }
0x6e: {  	_ =	shalt  }
0x6f: {  	_ =	shalt  }
0x70: {  	_ =	shalt  }
0x71: {  	_ =	shalt  }
0x72: {  	_ =	shalt  }
0x73: {  	_ =	shalt  }
0x74: {  	_ =	shalt  }
0x75: {  	_ =	shalt  }
0x76: {  	_ =	shalt  }
0x77: {  	_ =	shalt  }
0x78: {  	_ =	shalt  }
0x79: {  	_ =	shalt  }
0x7a: {  	_ =	shalt  }
0x7b: {  	_ =	shalt  }
0x7c: {  	_ =	shalt  }
0x7d: {  	_ =	shalt  }
0x7e: {  	_ =	shalt  }
0x7f: {  	_ =	shalt  }
0x80: {  	_ =	shalt  }
0x81: {  	_ =	shalt  }
0x82: {  	_ =	shalt  }
0x83: {  	_ =	shalt  }
0x84: {  	_ =	shalt  }
0x85: {  	_ =	shalt  }
0x86: {  	_ =	shalt  }
0x87: {  	_ =	shalt  }
.Lfunc_end0:
.L_simem_size_0:
called_computation_lowered:
.L_overlay_start_0:
0x88: {  	s2 =	sld [smem:$0x3FD9]  }
0x89: {  	s3 =	sld [smem:$0x3FFE];
	_ =	sdelay $0x1  }
0x8a: {  	s1 =	srdreg.scid  }
0x8b: {  	s0 =	sand.u32 $0x1, s1  }
0x8c: {  	s17 =	sshll.u32 s0, $0xA;
	s2 =	sadd.s32 s3, s2  }
0x8d: {  	s2 =	sadd.s32 s2, s17  }
0x8e: {  	[smem:$0x3FC0] =	sst s2  }
0x8f: {  	_ = 	snop  }
0x90: {  	s2 =	sld [smem:$0x3FC8]  }
0x91: {  	s18 =	sld [smem:$0x3FC7]  }
0x92: {  	s4 =	sld [smem:$0x3FC6];
	(tm) =	ssettm $0x1  }
0x93: {  	s5 =	sld [smem:$0x3FFB];
	_ =	sdelay $0x3  }
0x94: {  	_ =	strace s5  }
0x95: {  	s5 =	sld [smem:$0x3FFC];
	_ =	sdelay $0x3  }
0x96: {  	_ =	strace s5  }
0x97: {  	s5 =	sld [smem:$0x3FFD];
	_ =	sdelay $0x3  }
0x98: {  	_ =	strace s5  }
0x99: {  	_ =	strace $0x8FFFFFFF  }
0x9a: {  	s19 =	sld [smem:$0x3FDB];
	_ =	sdelay $0x1  }
0x9b: {  	s6 =	simm.s32 $_scs_section_size  }
0x9c: {  	s7 =	simm.s32 $_size__tile_overlayer_lowered;
	s8 =	simm.s32 $_tile_overlayer_lowered  }
0x9d: {  	s22 =	simm.s32 $0x1BFF;
	s21 =	sshll.u32 s8, $0x1;
	s5 =	sadd.s32 s6, s19  }
0x9e: {  	s9 =	simm.s32 $0x0;
	s20 =	sshll.u32 s7, $0x1;
	s7 =	sadd.s32 s21, s5  }
0x9f: {  	[timem:s9], [sflag:s22] =	dma.local [hbm:s7], s20  }
0xa0: {  	_ =	swait.ge [sflag:s22], s20  }
0xa1: {  	s6 =	ssub.s32 $0x0, s20;
	[sflag:s22] =	ssyncset.done $0x0  }
0xa2: {  	[sflag:s22] =	ssyncadd.s32 s6;
	_ =	sdelay $0x1  }
0xa3: {  	s23 =	simm.s32 $0x1B8B  }
0xa4: {  	_ =	swait.ge [sflag:s23], $0x1  }
0xa5: {  	[sflag:s23] =	ssyncset.done $0x0  }
0xa6: {  	s25 =	simm.s32 $0x1B8E;
	s24 =	sld [smem:$0x3FFE];
	[sflag:s23] =	ssyncadd.s32 $0xFFFFFFFF  }
0xa7: {  	s26 =	simm.s32 $execute0_lowered;
	[smem:$0x3FD2] =	sst s25  }
0xa8: {  	s7 =	sshll.u32 s26, $0x1;
	_ =	strace $0x80000046;
	[dreg:$0x1] =	wrdreg $0xFFFFFFFF  }
0xa9: {  	s28 =	simm.s32 $_size_execute0_lowered;
	s5 =	sadd.s32 s5, s7;
	[dreg:$0x0] =	wrdreg $0x0  }
0xaa: {  	s7 =	sshll.u32 s28, $0x1;
	[dreg:$0x2] =	wrdreg s5  }
0xab: {  	[dreg:$0x3] =	wrdreg s7  }
0xac: {  	[dreg:$0x4] =	wrdreg $0xC0  }
0xad: {  	_ =	task [dreg:s9], $0x5FFFF  }
0xae: {  	[dreg:$0x1] =	wrdreg $0xFFFFFFFF  }
0xaf: {  	[dreg:$0x0] =	wrdreg $0x60  }
0xb0: {  	[dreg:$0x2] =	wrdreg s2  }
0xb1: {  	[dreg:$0x3] =	wrdreg s18  }
0xb2: {  	[dreg:$0x4] =	wrdreg s4  }
0xb3: {  	[dreg:$0x5] =	wrdreg s24  }
0xb4: {  	[dreg:$0x6] =	wrdreg $0x9  }
0xb5: {  	_ =	task.clear_ibuf [dreg:s9], $0x7FFFF;
	_ =	strace $0x90000046  }
0xb6: {  	s29 =	simm.s32 $0x9;
	_ =	strace $0x80000048  }
0xb7: {  	_ =	swait.ge [sflag:s29], $0x1  }
0xb8: {  	[sflag:s29] =	ssyncadd.s32 $0xFFFFFFFF  }
0xb9: {  	_ =	strace $0x90000048  }
0xba: {  	_ =	sfence  }
0xbb: {  	s30 =	sld [smem:$0x0];
	_ =	sdelay $0x2  }
0xbc: {  	s31 =	sshll.u32 s1, $0xD;
	s1 =	sshrl.u32 s1, $0x2  }
0xbd: {  	s3 =	sand.u32 $0x4000, s31;
	s1 =	sadd.s32 s1, s30  }
0xbe: {  	s0 =	sor.u32 s3, s0;
	s1 =	sshll.u32 s1, $0x11  }
0xbf: {  	s0 =	sor.u32 s1, s0  }
0xc0: {  	s0 =	sadd.s32 $0x8F2B, s0  }
0xc1: {  	[sflag:s0] =	ssyncadd.remote.s32 $0x1  }
0xc2: {  	_ =	sfence.sel $0xFFFF  }
0xc3: {  	[dreg:$0x0] =	wrdreg $0xFFFFFFFF;
	(pc) =	sbr.abs _section_cstart, $3  }
0xc4: {  	[dreg:$0x1] =	wrdreg $0xFFFFFFFF  }
0xc5: {  	_ =	task.clear_ibuf [dreg:s9], $0x2FFFF;
	_ =	strace $0x9FFFFFFF  }
0xc6: {  	(tm) =	ssettm $0x7FFFFFFF  }
0xc7: {  	_ =	shalt  }
tec
execute0_lowered:
.L_overlay_start_1:
0x0: {  	(tag) =	ssettag $0x1  }
0x1: {  	s2 =	rddreg [dreg:$0x1]  }
0x2: {  	s0 =	srdreg.scid;
	s4 =	rddreg [dreg:$0x2]  }
0x3: {  	s16 =	stileid.u32;
	s3 =	rddreg [dreg:$0x3]  }
0x4: {  	s5 =	simm.s32 $0x0;
	s28 =	simm.s32 $0xE700;
	s29 =	simm.s32 $0x12700  }
0x5: {  	s30 =	simm.s32 $0x4000;
	s31 =	simm.s32 $0x400;
	s0 =	sand.u32 $0x1, s0  }
0x6: {  	[smem:$0x7FF] =	sst s5;
	s7 =	sshll.u32 s16, $0x7;
	s9 =	sadd.s32 $0x1A00, s3  }
0x7: {  	s11 =	sadd.s32 $0x41A00, s3;
	s26 =	smul.u32 $0xC38, s16;
	s1 =	sshll.u32 s0, $0x4  }
0x8: {  	_ =	strace $0x80000047;
	s7 =	sand.u32 $0x380, s7;
	s1 =	sor.u32 s16, s1  }
0x9: {  	v0 =	vimm.s32 $0xFFEDCBA9;
	s19 =	ssub.s32 $0x2, s0;
	s6 =	sshrl.u32 s1, $0x3;
	s12 =	smul.u32 $0xC38, s1  }
0xa: {  	v1 =	vimm.s32 $0x87654321;
	v0 =	vunpack.c.l.s4.s8 v0;
	s20 =	sshrl.u32 s19, $0x1;
	s8 =	smul.u32 $0x6800, s6;
	s6 =	sshll.u32 s6, $0xA  }
0xb: {  	v1 =	vunpack.c.l.s4.s8 v1;
	s0 =	smul.u32 $0xC380, s0;
	s13 =	ssub.s32 s19, s20;
	s6 =	sor.u32 s7, s6  }
0xc: {  	v2 =	vunpack.c.0.s8.s32 v0;
	s10 =	smin.u32 s12, $0x17A68;
	v0 =	vmov s12;
	s12 =	simm.s32 $0x6;
	s8 =	sor.u32 s7, s8  }
0xd: {  	v3 =	vunpack.c.0.s8.s32 v1;
	s6 =	sshrl.u32 s6, $0x3;
	s15 =	sadd.s32 $0xC38, s10;
	s8 =	sshrl.u32 s8, $0x3  }
0xe: {  	s8 =	sadd.s32 s8, s3;
	s3 =	sadd.s32 s6, s3;
	s6 =	sshll.u32 s1, $0x9  }
0xf: {  	v5 =	vcombine.low v3, v2;
	v2 =	vmov s15;
	s15 =	simm.s32 $0x0;
	s1 =	sshll.u32 s1, $0xD;
	s7 =	sor.u32 $0x80, s6  }
0x10: {  	s21 =	sadd.s32 $0x81A00, s8;
	s22 =	sadd.s32 s9, s1;
	s10 =	sor.u32 $0x100, s6  }
0x11: {  	s1 =	sadd.s32 s11, s1;
	s8 =	sadd.s32 $0x84E00, s8;
	[dreg:$0x5] =	wrdreg s21  }
0x12: {  	s20 =	sadd.s32 $0x88200, s3;
	s3 =	simm.s32 $0x1;
	[dreg:$0x6] =	wrdreg s22  }
0x13: {  	s14 =	sshll.u32 s7, $0x4;
	[dreg:$0x7] =	wrdreg s1;
	s24 =	sshll.u32 s10, $0x4  }
0x14: {  	[dreg:$0xe] =	wrdreg s8;
	s21 =	smax.u32 s13, $0x1;
	s22 =	sadd.s32 s26, s0  }
0x15: {  	s26 =	simm.s32 $0xA700;
	s0 =	simm.s32 $0x2;
	s23 =	sadd.s32 s9, s14  }
0x16: {  	s8 =	simm.s32 $0x4;
	s14 =	sadd.s32 s11, s14;
	[dreg:$0x8] =	wrdreg s23  }
0x17: {  	s13 =	simm.s32 $0x8;
	s17 =	sadd.s32 s9, s24;
	[dreg:$0x9] =	wrdreg s14  }
0x18: {  	s1 =	sadd.s32 s11, s24;
	s14 =	sor.u32 $0x180, s6;
	[dreg:$0xa] =	wrdreg s17  }
0x19: {  	s24 =	simm.s32 $0x80;
	[dreg:$0xb] =	wrdreg s1;
	s25 =	sshll.u32 s14, $0x4  }
0x1a: {  	s23 =	simm.s32 $0x9;
	s9 =	sadd.s32 s9, s25;
	s1 =	sadd.s32 s11, s25  }
0x1b: {  	vm0 =	vcmask $0x3F3C;
	v6 =	vimm.s32 $0x0;
	v1 =	vlaneseq.u32;
	s25 =	simm.s32 $0x6700;
	s11 =	simm.s32 $0x7;
	[dreg:$0xc] =	wrdreg s9  }
0x1c: {  	v4 =	vor.u32 $0x80000000, v1;
	v3 =	vimm.s32 $0xFFFFFFFF;
	v5 =	vand.u32 $0xF, v5;
	[dreg:$0xd] =	wrdreg s1;
	s1 =	simm.s32 $0x3;
	s9 =	simm.s32 $0x5  }
.LBB2_1:
0x1d: {  	s16 =	rddreg [dreg:$0x0]  }
0x1e: {  	[tilespmem:s5], [sflag:$0x9] =	stream.linear.gather [hbm4b:s16+s5], $0x4000, $0x38;
	[tilespmem:$0x16700] =	vst v63  }
0x1f: {  	_ =	swait.ge [sflag:s23], $0x4000  }
0x20: {  	[sflag:s23] =	ssyncset.done $0x0  }
0x21: {  	[sflag:s23] =	ssyncadd.s32 $0xFFFFC000  }
0x22: {  	[tilespmem:s25], [sflag:$0x1] =	stream.indirect.gather [hbm4b:s2+s24], $0x80, s6, s24, $0xb8;
	[tilespmem:$0x16700] =	vst v63  }
0x23: {  	_ = 	snop  }
0x24: {  	[tilespmem:s26], [sflag:$0x2] =	stream.indirect.gather [hbm4b:s2+s24], $0x80, s7, s24, $0xb8;
	[tilespmem:$0x16700] =	vst v63  }
0x25: {  	_ = 	snop  }
0x26: {  	[tilespmem:s28], [sflag:$0x3] =	stream.indirect.gather [hbm4b:s4+s24], $0x80, s6, s24, $0xb8;
	[tilespmem:$0x16700] =	vst v63  }
0x27: {  	s16 =	simm.s32 $0x0  }
0x28: {  	[tilespmem:s29], [sflag:$0x4] =	stream.indirect.gather [hbm4b:s4+s24], $0x80, s7, s24, $0xb8;
	[tilespmem:$0x16700] =	vst v63  }
.LBB2_2:
0x29: {  	p0 =	sne.s32 s16, $0x30C0  }
.Ltmp0:
0x2a: {  	_ = 	snop;
	(pc) =	sbr.rel @p0 .LBB2_2-.Ltmp0, $3  }
0x2b: {  	_ =	sdelay $0x1  }
0x2c: {  	s17 =	sshra.s32 s16, $0x2  }
0x2d: {  	s16 =	sadd.s32 $0x40, s16;
	[tilespmem:s17+$0x4000] =	vst v3  }
0x2e: {  	s16 =	simm.s32 $0x0;
	s17 =	simm.s32 $0x20;
	s18 =	simm.s32 $0x0  }
.LBB2_4:
0x2f: {  	v7 =	vld [tilespmem:s17+$0xFFFFFFE0];
	_ =	sdelay $0x4  }
0x30: {  	v7 =	vshll.u32 v7, $0x4  }
0x31: {  	v8 =	vor.u32 s18, v1;
	v7 =	vxor.u32 v4, v7  }
0x32: {  	(xrf1) =	vsort.ascd.msk.u32 $0xffff, v7, v8;
	_ =	sdelay $0xd  }
0x33: {  	v7, v8, _ =	vpop (xrf1)  }
0x34: {  	v7 =	vshra.s32 v7, $0x4  }
0x35: {  	v7 =	vxor.u32 $0xF8000000, v7  }
0x36: {  	v9 =	vperm.xlane v7, v5;
	_ =	sdelay $0x1  }
0x37: {  	vm2 =	vge.s32 v7, v0;
	vm3 =	vlt.s32 v7, v2;
	vm1 =	vne.s32 v7, v9  }
0x38: {  	vm2 =	vmand vm2, vm3;
	vm1 =	vmor vm1, vm0  }
0x39: {  	vm1 =	vmand vm1, vm2  }
0x3a: {  	v7 =	vsub.s32 v7, v0;
	_ =	sdelay $0x4  }
0x3b: {  	[tilespmem:v7+s30+$0x0] =	vst.idx.msk vm1, v8  }
0x3c: {  	v7 =	vld [tilespmem:s17+$0xFFFFFFF0];
	_ =	sdelay $0x4  }
0x3d: {  	s19 =	sadd.s32 $0x10, s18;
	v7 =	vshll.u32 v7, $0x4  }
0x3e: {  	v8 =	vor.u32 s19, v1;
	v7 =	vxor.u32 v4, v7  }
0x3f: {  	(xrf1) =	vsort.ascd.msk.u32 $0xffff, v7, v8;
	_ =	sdelay $0xd  }
0x40: {  	v7, v8, _ =	vpop (xrf1)  }
0x41: {  	v7 =	vshra.s32 v7, $0x4  }
0x42: {  	v7 =	vxor.u32 $0xF8000000, v7  }
0x43: {  	v61 =	vperm.xlane v7, v5;
	_ =	sdelay $0x1  }
0x44: {  	vm2 =	vge.s32 v7, v0;
	vm3 =	vlt.s32 v7, v2;
	vm1 =	vne.s32 v7, v61  }
0x45: {  	vm2 =	vmand vm2, vm3;
	vm1 =	vmor vm1, vm0  }
0x46: {  	vm1 =	vmand vm1, vm2  }
0x47: {  	v7 =	vsub.s32 v7, v0;
	_ =	sdelay $0x4  }
0x48: {  	[tilespmem:v7+s30+$0x0] =	vst.idx.msk vm1, v8  }
0x49: {  	v7 =	vld [tilespmem:s17+$0x0];
	_ =	sdelay $0x4  }
0x4a: {  	s19 =	sadd.s32 $0x20, s18;
	v7 =	vshll.u32 v7, $0x4  }
0x4b: {  	v8 =	vor.u32 s19, v1;
	v7 =	vxor.u32 v4, v7  }
0x4c: {  	(xrf1) =	vsort.ascd.msk.u32 $0xffff, v7, v8;
	_ =	sdelay $0xd  }
0x4d: {  	v7, v8, _ =	vpop (xrf1)  }
0x4e: {  	v7 =	vshra.s32 v7, $0x4  }
0x4f: {  	v7 =	vxor.u32 $0xF8000000, v7  }
0x50: {  	v62 =	vperm.xlane v7, v5;
	_ =	sdelay $0x1  }
0x51: {  	vm2 =	vge.s32 v7, v0;
	vm3 =	vlt.s32 v7, v2;
	vm1 =	vne.s32 v7, v62  }
0x52: {  	vm2 =	vmand vm2, vm3;
	vm1 =	vmor vm1, vm0  }
0x53: {  	vm1 =	vmand vm1, vm2  }
0x54: {  	v7 =	vsub.s32 v7, v0;
	_ =	sdelay $0x4  }
0x55: {  	[tilespmem:v7+s30+$0x0] =	vst.idx.msk vm1, v8  }
0x56: {  	v7 =	vld [tilespmem:s17+$0x10];
	_ =	sdelay $0x4  }
0x57: {  	s19 =	sadd.s32 $0x30, s18;
	v7 =	vshll.u32 v7, $0x4  }
0x58: {  	v8 =	vor.u32 s19, v1;
	v7 =	vxor.u32 v4, v7  }
0x59: {  	(xrf1) =	vsort.ascd.msk.u32 $0xffff, v7, v8;
	_ =	sdelay $0xd  }
0x5a: {  	v7, v8, _ =	vpop (xrf1)  }
0x5b: {  	v7 =	vshra.s32 v7, $0x4  }
0x5c: {  	v7 =	vxor.u32 $0xF8000000, v7  }
0x5d: {  	v63 =	vperm.xlane v7, v5;
	_ =	sdelay $0x1  }
0x5e: {  	vm2 =	vge.s32 v7, v0;
	vm3 =	vlt.s32 v7, v2;
	vm1 =	vne.s32 v7, v63  }
0x5f: {  	vm2 =	vmand vm2, vm3;
	vm1 =	vmor vm1, vm0  }
0x60: {  	vm1 =	vmand vm1, vm2  }
0x61: {  	p0 =	sne.s32 s18, $0x3FC0;
	v7 =	vsub.s32 v7, v0  }
.Ltmp1:
0x62: {  	_ = 	snop;
	(pc) =	sbr.rel @p0 .LBB2_4-.Ltmp1, $2  }
0x63: {  	_ =	sdelay $0x2  }
0x64: {  	s18 =	sadd.s32 $0x40, s18;
	s17 =	sadd.s32 $0x40, s17;
	[tilespmem:v7+s30+$0x0] =	vst.idx.msk vm1, v8  }
0x65: {  	s17 =	sshra.s32 s16, $0x2  }
0x66: {  	v7 =	vld [tilespmem:s17+$0x4000];
	_ =	sdelay $0x4  }
0x67: {  	vm1 =	vgt.s32 v7, $0xFFFFFFFF  }
0x68: {  	v8 =	vsel vm1, $0x1, v6  }
0x69: {  	(xrf0) =	vadd.scan.msk.s32 $0xffff, v8;
	_ =	sdelay $0x5  }
0x6a: {  	v9, _, _ =	vpop (xrf0)  }
0x6b: {  	v8 =	vadd.s32 s22, v1;
	(v2sf) =	vpush v9, $0xF  }
0x6c: {  	s18 =	sadd.s32 $0x40, s16;
	[tilespmem:s16+$0x4C80] =	vst.msk vm1, v8  }
0x6d: {  	s19 =	sshra.s32 s18, $0x2;
	s18 =	sadd.s32 $0x40, s18;
	s17 =	smov.u32 s22;
	[tilespmem:s16+$0x5980] =	vst.msk vm1, v7  }
.LBB2_6:
0x6e: {  	p0 =	sne.s32 s18, $0x30C0;
	v7 =	vld [tilespmem:s19+$0x4000];
	_ =	sdelay $0x4  }
0x6f: {  	vm1 =	vgt.s32 v7, $0xFFFFFFFF  }
0x70: {  	v8 =	vsel vm1, $0x1, v6  }
0x71: {  	(xrf0) =	vadd.scan.msk.s32 $0xffff, v8;
	_ =	sdelay $0x4  }
.Ltmp2:
0x72: {  	s17 =	sadd.s32 $0x10, s17;
	s19 =	spop (v2sf);
	(pc) =	sbr.rel @p0 .LBB2_6-.Ltmp2, $4  }
0x73: {  	v8 =	vadd.s32 s17, v1;
	v9, _, _ =	vpop (xrf0);
	s16 =	sadd.s32 s16, s19  }
0x74: {  	[tilespmem:s16+$0x4C80] =	vst.msk vm1, v8;
	(v2sf) =	vpush v9, $0xF  }
0x75: {  	[tilespmem:s16+$0x5980] =	vst.msk vm1, v7  }
0x76: {  	s19 =	sshra.s32 s18, $0x2;
	s18 =	sadd.s32 $0x40, s18  }
0x77: {  	v7 =	vld [tilespmem:s19+$0x4000];
	_ =	sdelay $0x4  }
0x78: {  	vm1 =	vgt.s32 v7, $0xFFFFFFFF  }
0x79: {  	v8 =	vsel vm1, $0x1, v6  }
0x7a: {  	(xrf0) =	vadd.scan.msk.s32 $0xffff, v8;
	_ =	sdelay $0x5  }
0x7b: {  	v8, _, _ =	vpop (xrf0)  }
0x7c: {  	(v2sf) =	vpush v8, $0xF;
	_ =	sdelay $0xd  }
0x7d: {  	s17 =	sadd.s32 $0x10, s17;
	s18 =	spop (v2sf)  }
0x7e: {  	s16 =	sadd.s32 s16, s18;
	v8 =	vadd.s32 s17, v1;
	s19 =	spop (v2sf)  }
0x7f: {  	[tilespmem:s16+$0x4C80] =	vst.msk vm1, v8;
	s17 =	sadd.s32 s16, s19  }
0x80: {  	[tilespmem:s16+$0x5980] =	vst.msk vm1, v7;
	p0 =	slt.s32 s17, $0x1  }
0x81: {  	v7 =	vld @!p0 [tilespmem:$0x4C80]  }
0x82: {  	v8 =	vld @!p0 [tilespmem:$0x5980];
	_ =	sdelay $0x2  }
0x83: {  	v9 =	vimm.s32 @!p0 $0x0  }
0x84: {  	v7 =	vperm.xlane @!p0 v7, v9  }
0x85: {  	v8 =	vperm.xlane @!p0 v8, v9  }
0x86: {  	[tilespmem:s17+$0x4C80] =	vst @!p0 v7  }
0x87: {  	[tilespmem:s17+$0x5980] =	vst @!p0 v8  }
0x88: {  	[tilespmem:s17+$0x4C90] =	vst @!p0 v7  }
0x89: {  	[tilespmem:s17+$0x5990] =	vst @!p0 v8  }
0x8a: {  	[tilespmem:s17+$0x4CA0] =	vst @!p0 v7  }
0x8b: {  	[tilespmem:s17+$0x59A0] =	vst @!p0 v8  }
0x8c: {  	[tilespmem:s17+$0x4CB0] =	vst @!p0 v7  }
0x8d: {  	[tilespmem:s17+$0x59B0] =	vst @!p0 v8  }
0x8e: {  	[tilespmem:s17+$0x4CC0] =	vst @!p0 v7  }
0x8f: {  	[tilespmem:s17+$0x59C0] =	vst @!p0 v8  }
0x90: {  	[tilespmem:s17+$0x4CD0] =	vst @!p0 v7  }
0x91: {  	[tilespmem:s17+$0x59D0] =	vst @!p0 v8  }
0x92: {  	[tilespmem:s17+$0x4CE0] =	vst @!p0 v7  }
0x93: {  	[tilespmem:s17+$0x59E0] =	vst @!p0 v8  }
0x94: {  	[tilespmem:s17+$0x4CF0] =	vst @!p0 v7  }
0x95: {  	[tilespmem:s17+$0x59F0] =	vst @!p0 v8;
	v7 =	vmov s17  }
0x96: {  	s18 =	rddreg [dreg:$0x5];
	s19 =	simm.s32 $0x4C80;
	[tilespmem:$0x6680] =	vst v7  }
0x97: {  	[hbm4b:s18+s24] =	stream.strided.scatter [tilespmem:s19], [sflag:$0x9], $0xD00, s31, s24, $0x38;
	[tilespmem:$0x16700] =	vst v63  }
0x98: {  	_ =	swait.ge [sflag:s23], $0xD00  }
0x99: {  	[sflag:s23] =	ssyncset.done $0x0  }
0x9a: {  	s19 =	simm.s32 $0x5980;
	s18 =	rddreg [dreg:$0xe];
	[sflag:s23] =	ssyncadd.s32 $0xFFFFF300  }
0x9b: {  	[hbm4b:s18+s24] =	stream.strided.scatter [tilespmem:s19], [sflag:$0x9], $0xD00, s31, s24, $0x38;
	[tilespmem:$0x16700] =	vst v63  }
0x9c: {  	_ =	swait.ge [sflag:s23], $0xD00  }
0x9d: {  	[sflag:s23] =	ssyncset.done $0x0  }
0x9e: {  	s17 =	simm.s32 $0x6680;
	[sflag:s23] =	ssyncadd.s32 $0xFFFFF300  }
0x9f: {  	[hbm4b:s20+s5] =	stream.linear.scatter [tilespmem:s17], [sflag:$0x9], $0x80, $0x38;
	[tilespmem:$0x16700] =	vst v63  }
0xa0: {  	_ =	swait.ge [sflag:s23], $0x80  }
0xa1: {  	[sflag:s23] =	ssyncset.done $0x0  }
0xa2: {  	[sflag:s23] =	ssyncadd.s32 $0xFFFFFF80  }
0xa3: {  	_ =	swait.ge [sflag:s3], $0x4000  }
0xa4: {  	[sflag:s3] =	ssyncset.done $0x0  }
0xa5: {  	s18 =	rddreg [dreg:$0x6];
	[sflag:s3] =	ssyncadd.s32 $0xFFFFC000  }
0xa6: {  	[hbm4b:s18+s5] =	stream.linear.scatter [tilespmem:s25], [sflag:$0x5], $0x4000, $0x38;
	[tilespmem:$0x16700] =	vst v63  }
0xa7: {  	_ =	swait.ge [sflag:s1], $0x4000  }
0xa8: {  	[sflag:s1] =	ssyncset.done $0x0  }
0xa9: {  	s19 =	rddreg [dreg:$0x7];
	[sflag:s1] =	ssyncadd.s32 $0xFFFFC000  }
0xaa: {  	[hbm4b:s19+s5] =	stream.linear.scatter [tilespmem:s28], [sflag:$0x7], $0x4000, $0x38;
	[tilespmem:$0x16700] =	vst v63  }
0xab: {  	_ =	swait.ge [sflag:s0], $0x4000  }
0xac: {  	[sflag:s0] =	ssyncset.done $0x0  }
0xad: {  	s17 =	rddreg [dreg:$0x8];
	[sflag:s0] =	ssyncadd.s32 $0xFFFFC000  }
0xae: {  	[hbm4b:s17+s5] =	stream.linear.scatter [tilespmem:s26], [sflag:$0x6], $0x4000, $0x38;
	[tilespmem:$0x16700] =	vst v63  }
0xaf: {  	_ =	swait.ge [sflag:s8], $0x4000  }
0xb0: {  	[sflag:s8] =	ssyncset.done $0x0  }
0xb1: {  	s18 =	rddreg [dreg:$0x9];
	[sflag:s8] =	ssyncadd.s32 $0xFFFFC000  }
0xb2: {  	[hbm4b:s18+s5] =	stream.linear.scatter [tilespmem:s29], [sflag:$0x8], $0x4000, $0x38;
	[tilespmem:$0x16700] =	vst v63  }
0xb3: {  	_ =	swait.ge [sflag:s9], $0x4000  }
0xb4: {  	[sflag:s9] =	ssyncset.done $0x0  }
0xb5: {  	[sflag:s9] =	ssyncadd.s32 $0xFFFFC000  }
0xb6: {  	[tilespmem:s25], [sflag:$0x1] =	stream.indirect.gather [hbm4b:s2+s24], $0x80, s10, s24, $0xb8;
	[tilespmem:$0x16700] =	vst v63  }
0xb7: {  	_ =	swait.ge [sflag:s11], $0x4000  }
0xb8: {  	[sflag:s11] =	ssyncset.done $0x0  }
0xb9: {  	[sflag:s11] =	ssyncadd.s32 $0xFFFFC000  }
0xba: {  	[tilespmem:s28], [sflag:$0x3] =	stream.indirect.gather [hbm4b:s4+s24], $0x80, s10, s24, $0xb8;
	[tilespmem:$0x16700] =	vst v63  }
0xbb: {  	_ =	swait.ge [sflag:s12], $0x4000  }
0xbc: {  	[sflag:s12] =	ssyncset.done $0x0  }
0xbd: {  	[sflag:s12] =	ssyncadd.s32 $0xFFFFC000  }
0xbe: {  	[tilespmem:s26], [sflag:$0x2] =	stream.indirect.gather [hbm4b:s2+s24], $0x80, s14, s24, $0xb8;
	[tilespmem:$0x16700] =	vst v63  }
0xbf: {  	_ =	swait.ge [sflag:s13], $0x4000  }
0xc0: {  	[sflag:s13] =	ssyncset.done $0x0  }
0xc1: {  	[sflag:s13] =	ssyncadd.s32 $0xFFFFC000  }
0xc2: {  	[tilespmem:s29], [sflag:$0x4] =	stream.indirect.gather [hbm4b:s4+s24], $0x80, s14, s24, $0xb8;
	[tilespmem:$0x16700] =	vst v63  }
0xc3: {  	_ =	swait.ge [sflag:s3], $0x4000  }
0xc4: {  	[sflag:s3] =	ssyncset.done $0x0  }
0xc5: {  	s19 =	rddreg [dreg:$0xa];
	[sflag:s3] =	ssyncadd.s32 $0xFFFFC000  }
0xc6: {  	[hbm4b:s19+s5] =	stream.linear.scatter [tilespmem:s25], [sflag:$0x5], $0x4000, $0x38;
	[tilespmem:$0x16700] =	vst v63  }
0xc7: {  	_ =	swait.ge [sflag:s1], $0x4000  }
0xc8: {  	[sflag:s1] =	ssyncset.done $0x0  }
0xc9: {  	s17 =	rddreg [dreg:$0xb];
	[sflag:s1] =	ssyncadd.s32 $0xFFFFC000  }
0xca: {  	[hbm4b:s17+s5] =	stream.linear.scatter [tilespmem:s28], [sflag:$0x7], $0x4000, $0x38;
	[tilespmem:$0x16700] =	vst v63  }
0xcb: {  	_ =	swait.ge [sflag:s0], $0x4000  }
0xcc: {  	[sflag:s0] =	ssyncset.done $0x0  }
0xcd: {  	s18 =	rddreg [dreg:$0xc];
	[sflag:s0] =	ssyncadd.s32 $0xFFFFC000  }
0xce: {  	[hbm4b:s18+s5] =	stream.linear.scatter [tilespmem:s26], [sflag:$0x6], $0x4000, $0x38;
	[tilespmem:$0x16700] =	vst v63  }
0xcf: {  	_ =	swait.ge [sflag:s8], $0x4000  }
0xd0: {  	[sflag:s8] =	ssyncset.done $0x0  }
0xd1: {  	s19 =	rddreg [dreg:$0xd];
	[sflag:s8] =	ssyncadd.s32 $0xFFFFC000  }
0xd2: {  	[hbm4b:s19+s5] =	stream.linear.scatter [tilespmem:s29], [sflag:$0x8], $0x4000, $0x38;
	[tilespmem:$0x16700] =	vst v63  }
0xd3: {  	_ =	swait.ge [sflag:s9], $0x4000  }
0xd4: {  	[sflag:s9] =	ssyncset.done $0x0  }
0xd5: {  	[sflag:s9] =	ssyncadd.s32 $0xFFFFC000  }
0xd6: {  	_ =	swait.ge [sflag:s11], $0x4000  }
0xd7: {  	[sflag:s11] =	ssyncset.done $0x0  }
0xd8: {  	s15 =	sadd.s32 $0x1, s15;
	[sflag:s11] =	ssyncadd.s32 $0xFFFFC000  }
0xd9: {  	p0 =	sne.s32 s15, s21;
	_ =	swait.ge [sflag:s12], $0x4000  }
.Ltmp3:
0xda: {  	[sflag:s12] =	ssyncset.done $0x0;
	(pc) =	sbr.rel @p0 .LBB2_1-.Ltmp3, $4  }
0xdb: {  	[sflag:s12] =	ssyncadd.s32 $0xFFFFC000  }
0xdc: {  	_ =	swait.ge [sflag:s13], $0x4000  }
0xdd: {  	[sflag:s13] =	ssyncset.done $0x0  }
0xde: {  	[sflag:s13] =	ssyncadd.s32 $0xFFFFC000  }
0xdf: {  	_ =	sfence.sel $0x180000  }
0xe0: {  	[bflag:$0x0] =	sbarrier.arrive $0xFFFF  }
0xe1: {  	_ =	strace $0x90000047  }
0xe2: {  	s0 =	stileid.u32;
	[bflag:$0x2] =	sbarrier.arrive $0xFFFF  }
0xe3: {  	p0 =	sne.s32 s0, $0x0;
	s0 =	rddreg [dreg:$0x4]  }
0xe4: {  	s0 =	sadd.s32 @!p0 $0x100000, s0  }
0xe5: {  	[sflag:s0] =	ssyncadd.tile.s32 @!p0 $0x1;
	_ =	shalt  }
.Lfunc_end2:
_tile_overlayer_lowered:
.L_overlay_start_2:
0xe6: {  	(tag) =	ssettag $0x2  }
0xe7: {  	s0 =	rddreg [dreg:$0x0];
	s2 =	stileid.u32  }
0xe8: {  	s1 =	rddreg [dreg:$0x1];
	p0 =	sne.s32 s2, $0x0  }
0xe9: {  	s3 =	rddreg [dreg:$0x2];
	[bflag:$0x3] =	sbarrier.arrive $0xFFFF;
	s2 =	simm.s32 @!p0 $0x1C09  }
0xea: {  	[timem:s3], [sflag:s2] =	dma.local @!p0 [hbm:s0], s1  }
0xeb: {  	s0 =	simm.s32 @!p0 $0x9  }
0xec: {  	_ =	swait.ge @!p0 [sflag:s0], s1  }
0xed: {  	s1 =	ssub.s32 @!p0 $0x0, s1;
	[sflag:s0] =	ssyncset.done @!p0 $0x0  }
0xee: {  	[sflag:s0] =	ssyncadd.s32 @!p0 s1  }
0xef: {  	[bflag:$0x3] =	sbarrier.arrive $0xFFFF  }
0xf0: {  	_ =	shalt  }

// kernel: kernel.9.cloned.1.call-start
scs
__scs_entry_jumppad:
0x0: {  	(pc) =	sbr.rel $0x88, $3  }
0x1: {  	(tag) =	ssettag $0x0;
	lr =	simm.s32 $0x1  }
0x2: {  	[smem:$0x3F99] =	sst lr;
	_ =	strace $0xD0000000  }
0x3: {  	_ = 	snop  }
0x4: {  	_ = 	snop  }
0x5: {  	_ = 	snop  }
0x6: {  	_ = 	snop  }
0x7: {  	_ = 	snop  }
__scs_overlays_trampoline_lowered:
0x8: {  	[smem:$0x3FA8] =	sst s0  }
0x9: {  	[smem:$0x3FA9] =	sst s1  }
0xa: {  	[smem:$0x3FAA] =	sst s2  }
0xb: {  	[smem:$0x3FAB] =	sst s3  }
0xc: {  	[smem:$0x3FAC] =	sst s4  }
0xd: {  	[smem:$0x3FAD] =	sst s5  }
0xe: {  	[smem:$0x3FAE] =	sst s6  }
0xf: {  	[smem:$0x3FAF] =	sst s7  }
0x10: {  	[smem:$0x3FB0] =	sst s8  }
0x11: {  	[smem:$0x3FB1] =	sst s9;
	s0 =	simm.s32 @!p0 $0x0  }
0x12: {  	s1 =	sld [smem:$0x3F97];
	s0 =	simm.s32 @p0 $0x1  }
0x13: {  	[smem:$0x3FB2] =	sst s0;
	s0 =	simm.s32 @!p1 $0x0  }
0x14: {  	s2 =	sld [smem:$0x3F96];
	s0 =	simm.s32 @p1 $0x1  }
0x15: {  	[smem:$0x3FB3] =	sst s0;
	s0 =	simm.s32 @!p2 $0x0  }
0x16: {  	s3 =	sld [smem:$0x3FDB];
	s0 =	simm.s32 @p2 $0x1  }
0x17: {  	s4 =	simm.s32 $0x1BF5;
	[smem:$0x3FB5] =	sst s0  }
0x18: {  	s0 =	sld [smem:$0x3F98];
	_ =	swait.ge [sflag:s4], $0x0  }
0x19: {  	s7 =	sld [smem:$0x3F99]  }
0x1a: {  	s8 =	sadd.s32 $0xFFFFE003, lr  }
0x1b: {  	s9 =	sadd.s32 $0xFFFFFEF7, lr;
	s5 =	simm.s32 $0xFFFFFFFF;
	p2 =	slt.u32 s8, $0xFFFFF086  }
0x1c: {  	p1 =	slt.u32 s9, $0xF7A;
	s5 =	simm.s32 @!p2 $0x0  }
0x1d: {  	s5 =	simm.s32 @p1 $0x1;
	p0 =	seq.s32 s7, s2  }
0x1e: {  	s7 =	smul.u32 @!p0 $0xF7A, s2;
	p2 =	seq.s32 @!p0 s5, $0x0  }
0x1f: {  	s9 =	smul.u32 $0xF7A, s1;
	s8 =	simm.s32 @!p0 $0x1BF5;
	p2 =	por !p2, p0  }
0x20: {  	[sflag:s8] =	ssyncset.s32 @!p0 $0xFFFFF086;
	s6 =	sadd.s32 @!p0 s3, s7;
	s7 =	simm.s32 @!p0 $0x108  }
0x21: {  	s3 =	sadd.s32 s3, s9;
	s6 =	sadd.s32 @!p0 $0x88, s6;
	s7 =	simm.s32 @p2 $0x1082  }
0x22: {  	[simem:s7], [sflag:s8] =	dma.local @!p0 [hbm:s6], $0xF7A  }
0x23: {  	s9 =	sor.u32 $0xD0000000, s2;
	s6 =	simm.s32 $0x108;
	_ =	swait.ge @!p0 [sflag:s8], $0x0  }
0x24: {  	s3 =	sadd.s32 $0x88, s3;
	s6 =	simm.s32 @!p1 $0x1082;
	[sflag:s4] =	ssyncset.s32 $0xFFFFF086  }
0x25: {  	[simem:s6], [sflag:s4] =	dma.local [hbm:s3], $0xF7A  }
0x26: {  	[smem:$0x3F99] =	sst s1;
	(tag) =	ssettag s2;
	_ =	strace s9  }
0x27: {  	s1 =	sld [smem:$0x3FA9]  }
0x28: {  	s2 =	sld [smem:$0x3FAA]  }
0x29: {  	s4 =	sld [smem:$0x3FAC]  }
0x2a: {  	p0 =	seq.s32 s5, $0x0;
	s5 =	sld [smem:$0x3FAD]  }
0x2b: {  	s6 =	sld [smem:$0x3FAE]  }
0x2c: {  	s7 =	sld [smem:$0x3FAF]  }
0x2d: {  	s3 =	simm.s32 $0x108;
	s8 =	sld [smem:$0x3FB0]  }
0x2e: {  	s3 =	simm.s32 @!p0 $0x1082;
	s9 =	sld [smem:$0x3FB1]  }
0x2f: {  	lr =	sadd.s32 s0, s3;
	s0 =	sld [smem:$0x3FA8]  }
0x30: {  	s3 =	sld [smem:$0x3FAB]  }
0x31: {  	[smem:$0x3FB4] =	sst s10  }
0x32: {  	s10 =	sld [smem:$0x3FB2];
	_ =	sdelay $0x3  }
0x33: {  	p0 =	seq.s32 s10, $0x1;
	s10 =	sld [smem:$0x3FB4];
	_ =	sdelay $0x3  }
0x34: {  	[smem:$0x3FB4] =	sst s10  }
0x35: {  	s10 =	sld [smem:$0x3FB3];
	_ =	sdelay $0x3  }
0x36: {  	p1 =	seq.s32 s10, $0x1;
	s10 =	sld [smem:$0x3FB4];
	_ =	sdelay $0x3  }
0x37: {  	[smem:$0x3FB4] =	sst s10  }
0x38: {  	s10 =	sld [smem:$0x3FB5]  }
0x39: {  	_ = 	snop;
	(pc) =	sbr.ind lr, $3  }
0x3a: {  	_ = 	snop  }
0x3b: {  	_ = 	snop  }
0x3c: {  	p2 =	seq.s32 s10, $0x1;
	s10 =	sld [smem:$0x3FB4]  }
0x3d: {  	_ =	shalt  }
0x3e: {  	_ =	shalt  }
0x3f: {  	_ =	shalt  }
0x40: {  	_ =	shalt  }
0x41: {  	_ =	shalt  }
0x42: {  	_ =	shalt  }
0x43: {  	_ =	shalt  }
0x44: {  	_ =	shalt  }
0x45: {  	_ =	shalt  }
0x46: {  	_ =	shalt  }
0x47: {  	_ =	shalt  }
0x48: {  	_ =	shalt  }
0x49: {  	_ =	shalt  }
0x4a: {  	_ =	shalt  }
0x4b: {  	_ =	shalt  }
0x4c: {  	_ =	shalt  }
0x4d: {  	_ =	shalt  }
0x4e: {  	_ =	shalt  }
0x4f: {  	_ =	shalt  }
0x50: {  	_ =	shalt  }
0x51: {  	_ =	shalt  }
0x52: {  	_ =	shalt  }
0x53: {  	_ =	shalt  }
0x54: {  	_ =	shalt  }
0x55: {  	_ =	shalt  }
0x56: {  	_ =	shalt  }
0x57: {  	_ =	shalt  }
0x58: {  	_ =	shalt  }
0x59: {  	_ =	shalt  }
0x5a: {  	_ =	shalt  }
0x5b: {  	_ =	shalt  }
0x5c: {  	_ =	shalt  }
0x5d: {  	_ =	shalt  }
0x5e: {  	_ =	shalt  }
0x5f: {  	_ =	shalt  }
0x60: {  	_ =	shalt  }
0x61: {  	_ =	shalt  }
0x62: {  	_ =	shalt  }
0x63: {  	_ =	shalt  }
0x64: {  	_ =	shalt  }
0x65: {  	_ =	shalt  }
0x66: {  	_ =	shalt  }
0x67: {  	_ =	shalt  }
0x68: {  	_ =	shalt  }
0x69: {  	_ =	shalt  }
0x6a: {  	_ =	shalt  }
0x6b: {  	_ =	shalt  }
0x6c: {  	_ =	shalt  }
0x6d: {  	_ =	shalt  }
0x6e: {  	_ =	shalt  }
0x6f: {  	_ =	shalt  }
0x70: {  	_ =	shalt  }
0x71: {  	_ =	shalt  }
0x72: {  	_ =	shalt  }
0x73: {  	_ =	shalt  }
0x74: {  	_ =	shalt  }
0x75: {  	_ =	shalt  }
0x76: {  	_ =	shalt  }
0x77: {  	_ =	shalt  }
0x78: {  	_ =	shalt  }
0x79: {  	_ =	shalt  }
0x7a: {  	_ =	shalt  }
0x7b: {  	_ =	shalt  }
0x7c: {  	_ =	shalt  }
0x7d: {  	_ =	shalt  }
0x7e: {  	_ =	shalt  }
0x7f: {  	_ =	shalt  }
0x80: {  	_ =	shalt  }
0x81: {  	_ =	shalt  }
0x82: {  	_ =	shalt  }
0x83: {  	_ =	shalt  }
0x84: {  	_ =	shalt  }
0x85: {  	_ =	shalt  }
0x86: {  	_ =	shalt  }
0x87: {  	_ =	shalt  }
.Lfunc_end0:
.L_simem_size_0:
called_computation.1_lowered:
.L_overlay_start_0:
0x88: {  	s2 =	sld [smem:$0x3FD9]  }
0x89: {  	s3 =	sld [smem:$0x3FFE];
	_ =	sdelay $0x1  }
0x8a: {  	s1 =	srdreg.scid  }
0x8b: {  	s0 =	sand.u32 $0x1, s1  }
0x8c: {  	s17 =	sshll.u32 s0, $0xA;
	s2 =	sadd.s32 s3, s2  }
0x8d: {  	s2 =	sadd.s32 s2, s17  }
0x8e: {  	[smem:$0x3FC0] =	sst s2  }
0x8f: {  	_ = 	snop  }
0x90: {  	s2 =	sld [smem:$0x3FD0];
	(tm) =	ssettm $0x1  }
0x91: {  	s18 =	sld [smem:$0x3FFB];
	_ =	sdelay $0x3  }
0x92: {  	_ =	strace s18  }
0x93: {  	s3 =	sld [smem:$0x3FFC];
	_ =	sdelay $0x3  }
0x94: {  	_ =	strace s3  }
0x95: {  	s3 =	sld [smem:$0x3FFD];
	_ =	sdelay $0x3  }
0x96: {  	_ =	strace s3  }
0x97: {  	_ =	strace $0x8FFFFFFF  }
0x98: {  	s19 =	sld [smem:$0x3FDB];
	_ =	sdelay $0x1  }
0x99: {  	s4 =	simm.s32 $_scs_section_size  }
0x9a: {  	s5 =	simm.s32 $_size__tile_overlayer_lowered;
	s6 =	simm.s32 $_tile_overlayer_lowered  }
0x9b: {  	s22 =	simm.s32 $0x1BFF;
	s21 =	sshll.u32 s6, $0x1;
	s3 =	sadd.s32 s4, s19  }
0x9c: {  	s7 =	simm.s32 $0x0;
	s20 =	sshll.u32 s5, $0x1;
	s5 =	sadd.s32 s21, s3  }
0x9d: {  	[timem:s7], [sflag:s22] =	dma.local [hbm:s5], s20  }
0x9e: {  	_ =	swait.ge [sflag:s22], s20  }
0x9f: {  	s4 =	ssub.s32 $0x0, s20;
	[sflag:s22] =	ssyncset.done $0x0  }
0xa0: {  	[sflag:s22] =	ssyncadd.s32 s4;
	_ =	sdelay $0x1  }
0xa1: {  	s23 =	simm.s32 $0x1B8B  }
0xa2: {  	_ =	swait.ge [sflag:s23], $0x1  }
0xa3: {  	[sflag:s23] =	ssyncset.done $0x0  }
0xa4: {  	s25 =	simm.s32 $0x1B8E;
	s24 =	sld [smem:$0x3FFE];
	[sflag:s23] =	ssyncadd.s32 $0xFFFFFFFF  }
0xa5: {  	s26 =	simm.s32 $execute0_lowered;
	[smem:$0x3FD2] =	sst s25  }
0xa6: {  	s5 =	sshll.u32 s26, $0x1;
	_ =	strace $0x80000049;
	[dreg:$0x1] =	wrdreg $0xFFFFFFFF  }
0xa7: {  	s28 =	simm.s32 $_size_execute0_lowered;
	s3 =	sadd.s32 s3, s5;
	[dreg:$0x0] =	wrdreg $0x0  }
0xa8: {  	s5 =	sshll.u32 s28, $0x1;
	[dreg:$0x2] =	wrdreg s3  }
0xa9: {  	[dreg:$0x3] =	wrdreg s5  }
0xaa: {  	[dreg:$0x4] =	wrdreg $0xC0  }
0xab: {  	_ =	task [dreg:s7], $0x5FFFF  }
0xac: {  	[dreg:$0x1] =	wrdreg $0xFFFFFFFF  }
0xad: {  	[dreg:$0x0] =	wrdreg $0x60  }
0xae: {  	[dreg:$0x2] =	wrdreg s24  }
0xaf: {  	[dreg:$0x3] =	wrdreg s2  }
0xb0: {  	[dreg:$0x4] =	wrdreg $0x9  }
0xb1: {  	_ =	task.clear_ibuf [dreg:s7], $0x5FFFF;
	_ =	strace $0x90000049  }
0xb2: {  	s29 =	simm.s32 $0x9;
	_ =	strace $0x8000004B  }
0xb3: {  	_ =	swait.ge [sflag:s29], $0x1  }
0xb4: {  	[sflag:s29] =	ssyncadd.s32 $0xFFFFFFFF  }
0xb5: {  	_ =	strace $0x9000004B  }
0xb6: {  	_ =	sfence  }
0xb7: {  	s30 =	sld [smem:$0x0];
	_ =	sdelay $0x2  }
0xb8: {  	s31 =	sshll.u32 s1, $0xD;
	s1 =	sshrl.u32 s1, $0x2  }
0xb9: {  	s3 =	sand.u32 $0x4000, s31;
	s1 =	sadd.s32 s1, s30  }
0xba: {  	s0 =	sor.u32 s3, s0;
	s1 =	sshll.u32 s1, $0x11  }
0xbb: {  	s0 =	sor.u32 s1, s0  }
0xbc: {  	s0 =	sadd.s32 $0x8F2B, s0  }
0xbd: {  	[sflag:s0] =	ssyncadd.remote.s32 $0x1  }
0xbe: {  	_ =	sfence.sel $0xFFFF  }
0xbf: {  	[dreg:$0x0] =	wrdreg $0xFFFFFFFF;
	(pc) =	sbr.abs _section_cstart, $3  }
0xc0: {  	[dreg:$0x1] =	wrdreg $0xFFFFFFFF  }
0xc1: {  	_ =	task.clear_ibuf [dreg:s7], $0x2FFFF;
	_ =	strace $0x9FFFFFFF  }
0xc2: {  	(tm) =	ssettm $0x7FFFFFFF  }
0xc3: {  	_ =	shalt  }
tec
execute0_lowered:
.L_overlay_start_1:
0x0: {  	(tag) =	ssettag $0x1  }
0x1: {  	s0 =	rddreg [dreg:$0x0]  }
0x2: {  	s1 =	rddreg [dreg:$0x1]  }
0x3: {  	s2 =	srdreg.scid;
	s3 =	simm.s32 $0x0;
	s5 =	stileid.u32  }
0x4: {  	s10 =	simm.s32 $0x80;
	s11 =	simm.s32 $0x400;
	s14 =	simm.s32 $0x1  }
0x5: {  	s15 =	simm.s32 $0x2;
	s16 =	simm.s32 $0x1A80;
	s17 =	simm.s32 $0x5A80  }
0x6: {  	s18 =	simm.s32 $0x2280;
	s19 =	simm.s32 $0x6280;
	s20 =	simm.s32 $0x2A80  }
0x7: {  	s21 =	simm.s32 $0x6A80;
	s22 =	simm.s32 $0x3280;
	s23 =	simm.s32 $0x7280  }
0x8: {  	s28 =	simm.s32 $0x8280;
	s29 =	simm.s32 $0x4A80;
	s30 =	simm.s32 $0x8A80  }
0x9: {  	s31 =	simm.s32 $0x5280;
	s2 =	sand.u32 $0x1, s2;
	[smem:$0x7FF] =	sst s3  }
0xa: {  	s7 =	sshll.u32 s5, $0x7;
	s4 =	sshll.u32 s2, $0x4;
	_ =	strace $0x8000004A  }
0xb: {  	s7 =	sand.u32 $0x380, s7;
	s2 =	ssub.s32 $0x2, s2;
	s4 =	sor.u32 s5, s4  }
0xc: {  	s5 =	sadd.s32 $0x41A00, s0;
	s25 =	sshrl.u32 s2, $0x1;
	s6 =	sshrl.u32 s4, $0x3  }
0xd: {  	s4 =	sadd.s32 $0x1A00, s0;
	s2 =	ssub.s32 s2, s25;
	s8 =	smul.u32 $0x6800, s6  }
0xe: {  	s25 =	simm.s32 $0x7A80;
	s6 =	sshll.u32 s6, $0xA;
	s9 =	smax.u32 s2, $0x1  }
.Ltmp0:
0xf: {  	s6 =	sor.u32 s7, s6;
	s8 =	sor.u32 s7, s8;
	(pc) =	sbr.rel .LBB2_1-.Ltmp0, $4  }
0x10: {  	s2 =	simm.s32 $0x0;
	s6 =	sshrl.u32 s6, $0x3;
	s24 =	sshrl.u32 s8, $0x3  }
0x11: {  	s7 =	sadd.s32 s24, s0;
	s0 =	sadd.s32 s6, s0;
	s24 =	simm.s32 $0x3A80  }
0x12: {  	s26 =	sadd.s32 $0x81A00, s7;
	s7 =	sadd.s32 $0x84E00, s7;
	s8 =	sadd.s32 $0x88200, s0  }
0x13: {  	vm0 =	vmmov $0xffff;
	s0 =	simm.s32 $0x9280;
	[dreg:$0x3] =	wrdreg s26;
	s26 =	simm.s32 $0x4280  }
.LBB2_4:
0x14: {  	s2 =	sadd.s32 $0x1, s2  }
0x15: {  	p0 =	sne.s32 s2, s9  }
.Ltmp1:
0x16: {  	_ = 	snop;
	(pc) =	sbr.rel @!p0 .LBB2_5-.Ltmp1, $1  }
0x17: {  	_ =	sdelay $0x3  }
.LBB2_1:
0x18: {  	s6 =	rddreg [dreg:$0x3]  }
0x19: {  	[tilespmem:s3], [sflag:$0x1] =	stream.strided.gather [hbm4b:s6+s10], $0xD00, s11, s10, $0x38;
	[tilespmem:$0x9A80] =	vst v63  }
0x1a: {  	s12 =	simm.s32 $0xD00  }
0x1b: {  	[tilespmem:s12], [sflag:$0x2] =	stream.strided.gather [hbm4b:s7+s10], $0xD00, s11, s10, $0x38;
	[tilespmem:$0x9A80] =	vst v63  }
0x1c: {  	s13 =	simm.s32 $0x1A00  }
0x1d: {  	[tilespmem:s13], [sflag:$0x1] =	stream.linear.gather [hbm4b:s8+s3], $0x80, $0x38;
	[tilespmem:$0x9A80] =	vst v63  }
0x1e: {  	_ =	swait.ge [sflag:s14], $0xD00  }
0x1f: {  	[sflag:s14] =	ssyncset.done $0x0  }
0x20: {  	[sflag:s14] =	ssyncadd.s32 $0xFFFFF300  }
0x21: {  	_ =	swait.ge [sflag:s15], $0xD00  }
0x22: {  	[sflag:s15] =	ssyncset.done $0x0  }
0x23: {  	[sflag:s15] =	ssyncadd.s32 $0xFFFFF300  }
0x24: {  	_ =	swait.ge [sflag:s14], $0x80  }
0x25: {  	[sflag:s14] =	ssyncset.done $0x0  }
0x26: {  	[sflag:s14] =	ssyncadd.s32 $0xFFFFFF80  }
0x27: {  	v0 =	vld [tilespmem:$0x1A00];
	_ =	sdelay $0x4  }
0x28: {  	v0 =	vxor.u32 $0x80000000, v0  }
0x29: {  	(xrf0) =	vmax.scan.msk.u32 $0xffff, v0;
	_ =	sdelay $0x5  }
0x2a: {  	v0, _, _ =	vpop (xrf0)  }
0x2b: {  	(v2sf) =	vpush v0, $0xF;
	_ =	sdelay $0xe  }
0x2c: {  	s12 =	spop (v2sf)  }
0x2d: {  	s6 =	sadd.s32 $0x8000007F, s12  }
0x2e: {  	s12 =	sand.u32 $0x7F, s6  }
0x2f: {  	s13 =	sshra.s32 s6, $0x1F;
	p1 =	slt.s32 s6, $0x1;
	p0 =	sne.s32 s12, $0x0  }
0x30: {  	s12 =	sshrl.u32 s13, $0x19;
	p0 =	por !p1, !p0  }
0x31: {  	s6 =	sadd.s32 s12, s6;
	s12 =	simm.s32 $0x1;
	p0 =	por !p0, !p0  }
0x32: {  	s6 =	sshra.s32 s6, $0x7;
	s12 =	simm.s32 @!p0 $0x0  }
0x33: {  	s12 =	ssub.s32 s6, s12  }
0x34: {  	p0 =	slt.s32 s12, $0x1  }
.Ltmp2:
0x35: {  	_ = 	snop;
	(pc) =	sbr.rel @p0 .LBB2_4-.Ltmp2, $1  }
0x36: {  	_ =	sdelay $0x3  }
0x37: {  	s13 =	simm.s32 $0xD40;
	s6 =	simm.s32 $0x40  }
.LBB2_3:
0x38: {  	v0 =	vld [tilespmem:s13+$0xFFFFFFC0];
	_ =	sdelay $0x7  }
0x39: {  	[tilespmem:s16], [sflag:$0x1] =	stream.indirect_vreg.gather [hbm4b:s4+s3], $0x80, v0, vm0, $0xb8;
	[tilespmem:$0x9A80] =	vst v63  }
0x3a: {  	_ = 	snop  }
0x3b: {  	[tilespmem:s17], [sflag:$0x2] =	stream.indirect_vreg.gather [hbm4b:s5+s3], $0x80, v0, vm0, $0xb8;
	[tilespmem:$0x9A80] =	vst v63  }
0x3c: {  	v0 =	vld [tilespmem:s13+$0xFFFFFFD0];
	_ =	sdelay $0x7  }
0x3d: {  	[tilespmem:s18], [sflag:$0x1] =	stream.indirect_vreg.gather [hbm4b:s4+s3], $0x80, v0, vm0, $0xb8;
	[tilespmem:$0x9A80] =	vst v63  }
0x3e: {  	_ = 	snop  }
0x3f: {  	[tilespmem:s19], [sflag:$0x2] =	stream.indirect_vreg.gather [hbm4b:s5+s3], $0x80, v0, vm0, $0xb8;
	[tilespmem:$0x9A80] =	vst v63  }
0x40: {  	v0 =	vld [tilespmem:s13+$0xFFFFFFE0];
	_ =	sdelay $0x7  }
0x41: {  	[tilespmem:s20], [sflag:$0x1] =	stream.indirect_vreg.gather [hbm4b:s4+s3], $0x80, v0, vm0, $0xb8;
	[tilespmem:$0x9A80] =	vst v63  }
0x42: {  	_ = 	snop  }
0x43: {  	[tilespmem:s21], [sflag:$0x2] =	stream.indirect_vreg.gather [hbm4b:s5+s3], $0x80, v0, vm0, $0xb8;
	[tilespmem:$0x9A80] =	vst v63  }
0x44: {  	v0 =	vld [tilespmem:s13+$0xFFFFFFF0];
	_ =	sdelay $0x7  }
0x45: {  	[tilespmem:s22], [sflag:$0x1] =	stream.indirect_vreg.gather [hbm4b:s4+s3], $0x80, v0, vm0, $0xb8;
	[tilespmem:$0x9A80] =	vst v63  }
0x46: {  	_ = 	snop  }
0x47: {  	[tilespmem:s23], [sflag:$0x2] =	stream.indirect_vreg.gather [hbm4b:s5+s3], $0x80, v0, vm0, $0xb8;
	[tilespmem:$0x9A80] =	vst v63  }
0x48: {  	v0 =	vld [tilespmem:s13+$0x0];
	_ =	sdelay $0x7  }
0x49: {  	[tilespmem:s24], [sflag:$0x1] =	stream.indirect_vreg.gather [hbm4b:s4+s3], $0x80, v0, vm0, $0xb8;
	[tilespmem:$0x9A80] =	vst v63  }
0x4a: {  	_ = 	snop  }
0x4b: {  	[tilespmem:s25], [sflag:$0x2] =	stream.indirect_vreg.gather [hbm4b:s5+s3], $0x80, v0, vm0, $0xb8;
	[tilespmem:$0x9A80] =	vst v63  }
0x4c: {  	v0 =	vld [tilespmem:s13+$0x10];
	_ =	sdelay $0x7  }
0x4d: {  	[tilespmem:s26], [sflag:$0x1] =	stream.indirect_vreg.gather [hbm4b:s4+s3], $0x80, v0, vm0, $0xb8;
	[tilespmem:$0x9A80] =	vst v63  }
0x4e: {  	_ = 	snop  }
0x4f: {  	[tilespmem:s28], [sflag:$0x2] =	stream.indirect_vreg.gather [hbm4b:s5+s3], $0x80, v0, vm0, $0xb8;
	[tilespmem:$0x9A80] =	vst v63  }
0x50: {  	v0 =	vld [tilespmem:s13+$0x20];
	_ =	sdelay $0x7  }
0x51: {  	[tilespmem:s29], [sflag:$0x1] =	stream.indirect_vreg.gather [hbm4b:s4+s3], $0x80, v0, vm0, $0xb8;
	[tilespmem:$0x9A80] =	vst v63  }
0x52: {  	_ = 	snop  }
0x53: {  	[tilespmem:s30], [sflag:$0x2] =	stream.indirect_vreg.gather [hbm4b:s5+s3], $0x80, v0, vm0, $0xb8;
	[tilespmem:$0x9A80] =	vst v63  }
0x54: {  	v0 =	vld [tilespmem:s13+$0x30];
	_ =	sdelay $0x7  }
0x55: {  	[tilespmem:s31], [sflag:$0x1] =	stream.indirect_vreg.gather [hbm4b:s4+s3], $0x80, v0, vm0, $0xb8;
	[tilespmem:$0x9A80] =	vst v63  }
0x56: {  	_ = 	snop  }
0x57: {  	[tilespmem:s0], [sflag:$0x2] =	stream.indirect_vreg.gather [hbm4b:s5+s3], $0x80, v0, vm0, $0xb8;
	[tilespmem:$0x9A80] =	vst v63  }
0x58: {  	_ =	swait.ge [sflag:s14], $0x800  }
0x59: {  	[sflag:s14] =	ssyncset.done $0x0  }
0x5a: {  	[sflag:s14] =	ssyncadd.s32 $0xFFFFF800  }
0x5b: {  	_ =	swait.ge [sflag:s15], $0x800  }
0x5c: {  	[sflag:s15] =	ssyncset.done $0x0  }
0x5d: {  	[sflag:s15] =	ssyncadd.s32 $0xFFFFF800  }
0x5e: {  	_ =	swait.ge [sflag:s14], $0x800  }
0x5f: {  	[sflag:s14] =	ssyncset.done $0x0  }
0x60: {  	[sflag:s14] =	ssyncadd.s32 $0xFFFFF800  }
0x61: {  	_ =	swait.ge [sflag:s15], $0x800  }
0x62: {  	[sflag:s15] =	ssyncset.done $0x0  }
0x63: {  	[sflag:s15] =	ssyncadd.s32 $0xFFFFF800  }
0x64: {  	_ =	swait.ge [sflag:s14], $0x800  }
0x65: {  	[sflag:s14] =	ssyncset.done $0x0  }
0x66: {  	[sflag:s14] =	ssyncadd.s32 $0xFFFFF800  }
0x67: {  	_ =	swait.ge [sflag:s15], $0x800  }
0x68: {  	[sflag:s15] =	ssyncset.done $0x0  }
0x69: {  	[sflag:s15] =	ssyncadd.s32 $0xFFFFF800  }
0x6a: {  	_ =	swait.ge [sflag:s14], $0x800  }
0x6b: {  	[sflag:s14] =	ssyncset.done $0x0  }
0x6c: {  	[sflag:s14] =	ssyncadd.s32 $0xFFFFF800  }
0x6d: {  	_ =	swait.ge [sflag:s15], $0x800  }
0x6e: {  	[sflag:s15] =	ssyncset.done $0x0  }
0x6f: {  	[sflag:s15] =	ssyncadd.s32 $0xFFFFF800  }
0x70: {  	_ =	swait.ge [sflag:s14], $0x800  }
0x71: {  	[sflag:s14] =	ssyncset.done $0x0  }
0x72: {  	[sflag:s14] =	ssyncadd.s32 $0xFFFFF800  }
0x73: {  	_ =	swait.ge [sflag:s15], $0x800  }
0x74: {  	[sflag:s15] =	ssyncset.done $0x0  }
0x75: {  	[sflag:s15] =	ssyncadd.s32 $0xFFFFF800  }
0x76: {  	_ =	swait.ge [sflag:s14], $0x800  }
0x77: {  	[sflag:s14] =	ssyncset.done $0x0  }
0x78: {  	[sflag:s14] =	ssyncadd.s32 $0xFFFFF800  }
0x79: {  	_ =	swait.ge [sflag:s15], $0x800  }
0x7a: {  	[sflag:s15] =	ssyncset.done $0x0  }
0x7b: {  	[sflag:s15] =	ssyncadd.s32 $0xFFFFF800  }
0x7c: {  	_ =	swait.ge [sflag:s14], $0x800  }
0x7d: {  	[sflag:s14] =	ssyncset.done $0x0  }
0x7e: {  	[sflag:s14] =	ssyncadd.s32 $0xFFFFF800  }
0x7f: {  	_ =	swait.ge [sflag:s15], $0x800  }
0x80: {  	[sflag:s15] =	ssyncset.done $0x0  }
0x81: {  	[sflag:s15] =	ssyncadd.s32 $0xFFFFF800  }
0x82: {  	_ =	swait.ge [sflag:s14], $0x800  }
0x83: {  	[sflag:s14] =	ssyncset.done $0x0  }
0x84: {  	[sflag:s14] =	ssyncadd.s32 $0xFFFFF800  }
0x85: {  	_ =	swait.ge [sflag:s15], $0x800  }
0x86: {  	[sflag:s15] =	ssyncset.done $0x0  }
0x87: {  	[sflag:s15] =	ssyncadd.s32 $0xFFFFF800  }
0x88: {  	v56 =	vld [tilespmem:s6+$0xFFFFFFC0];
	_ =	sdelay $0x4  }
0x89: {  	v1 =	vadd.s32 $0x186A0, v56;
	_ =	sdelay $0x2  }
0x8a: {  	[hbm4b:s1+s3] =	stream.indirect_vreg.scatter [tilespmem:s16], [sflag:$0x1], $0x80, v56, vm0, $0xb8;
	[tilespmem:$0x9A80] =	vst v63  }
0x8b: {  	_ = 	snop  }
0x8c: {  	[hbm4b:s1+s3] =	stream.indirect_vreg.scatter [tilespmem:s17], [sflag:$0x2], $0x80, v1, vm0, $0xb8;
	[tilespmem:$0x9A80] =	vst v63  }
0x8d: {  	v0 =	vld [tilespmem:s6+$0xFFFFFFD0];
	_ =	sdelay $0x4  }
0x8e: {  	v57 =	vadd.s32 $0x186A0, v0;
	_ =	sdelay $0x2  }
0x8f: {  	[hbm4b:s1+s3] =	stream.indirect_vreg.scatter [tilespmem:s18], [sflag:$0x1], $0x80, v0, vm0, $0xb8;
	[tilespmem:$0x9A80] =	vst v63  }
0x90: {  	_ = 	snop  }
0x91: {  	[hbm4b:s1+s3] =	stream.indirect_vreg.scatter [tilespmem:s19], [sflag:$0x2], $0x80, v57, vm0, $0xb8;
	[tilespmem:$0x9A80] =	vst v63  }
0x92: {  	v0 =	vld [tilespmem:s6+$0xFFFFFFE0];
	_ =	sdelay $0x4  }
0x93: {  	v58 =	vadd.s32 $0x186A0, v0;
	_ =	sdelay $0x2  }
0x94: {  	[hbm4b:s1+s3] =	stream.indirect_vreg.scatter [tilespmem:s20], [sflag:$0x1], $0x80, v0, vm0, $0xb8;
	[tilespmem:$0x9A80] =	vst v63  }
0x95: {  	_ = 	snop  }
0x96: {  	[hbm4b:s1+s3] =	stream.indirect_vreg.scatter [tilespmem:s21], [sflag:$0x2], $0x80, v58, vm0, $0xb8;
	[tilespmem:$0x9A80] =	vst v63  }
0x97: {  	v0 =	vld [tilespmem:s6+$0xFFFFFFF0];
	_ =	sdelay $0x4  }
0x98: {  	v59 =	vadd.s32 $0x186A0, v0;
	_ =	sdelay $0x2  }
0x99: {  	[hbm4b:s1+s3] =	stream.indirect_vreg.scatter [tilespmem:s22], [sflag:$0x1], $0x80, v0, vm0, $0xb8;
	[tilespmem:$0x9A80] =	vst v63  }
0x9a: {  	_ = 	snop  }
0x9b: {  	[hbm4b:s1+s3] =	stream.indirect_vreg.scatter [tilespmem:s23], [sflag:$0x2], $0x80, v59, vm0, $0xb8;
	[tilespmem:$0x9A80] =	vst v63  }
0x9c: {  	v0 =	vld [tilespmem:s6+$0x0];
	_ =	sdelay $0x4  }
0x9d: {  	v60 =	vadd.s32 $0x186A0, v0;
	_ =	sdelay $0x2  }
0x9e: {  	[hbm4b:s1+s3] =	stream.indirect_vreg.scatter [tilespmem:s24], [sflag:$0x1], $0x80, v0, vm0, $0xb8;
	[tilespmem:$0x9A80] =	vst v63  }
0x9f: {  	_ = 	snop  }
0xa0: {  	[hbm4b:s1+s3] =	stream.indirect_vreg.scatter [tilespmem:s25], [sflag:$0x2], $0x80, v60, vm0, $0xb8;
	[tilespmem:$0x9A80] =	vst v63  }
0xa1: {  	v0 =	vld [tilespmem:s6+$0x10];
	_ =	sdelay $0x4  }
0xa2: {  	v61 =	vadd.s32 $0x186A0, v0;
	_ =	sdelay $0x2  }
0xa3: {  	[hbm4b:s1+s3] =	stream.indirect_vreg.scatter [tilespmem:s26], [sflag:$0x1], $0x80, v0, vm0, $0xb8;
	[tilespmem:$0x9A80] =	vst v63  }
0xa4: {  	_ = 	snop  }
0xa5: {  	[hbm4b:s1+s3] =	stream.indirect_vreg.scatter [tilespmem:s28], [sflag:$0x2], $0x80, v61, vm0, $0xb8;
	[tilespmem:$0x9A80] =	vst v63  }
0xa6: {  	v0 =	vld [tilespmem:s6+$0x20];
	_ =	sdelay $0x4  }
0xa7: {  	v62 =	vadd.s32 $0x186A0, v0;
	_ =	sdelay $0x2  }
0xa8: {  	[hbm4b:s1+s3] =	stream.indirect_vreg.scatter [tilespmem:s29], [sflag:$0x1], $0x80, v0, vm0, $0xb8;
	[tilespmem:$0x9A80] =	vst v63  }
0xa9: {  	_ = 	snop  }
0xaa: {  	[hbm4b:s1+s3] =	stream.indirect_vreg.scatter [tilespmem:s30], [sflag:$0x2], $0x80, v62, vm0, $0xb8;
	[tilespmem:$0x9A80] =	vst v63  }
0xab: {  	v0 =	vld [tilespmem:s6+$0x30];
	_ =	sdelay $0x4  }
0xac: {  	v63 =	vadd.s32 $0x186A0, v0;
	_ =	sdelay $0x2  }
0xad: {  	[hbm4b:s1+s3] =	stream.indirect_vreg.scatter [tilespmem:s31], [sflag:$0x1], $0x80, v0, vm0, $0xb8;
	[tilespmem:$0x9A80] =	vst v63  }
0xae: {  	_ = 	snop  }
0xaf: {  	[hbm4b:s1+s3] =	stream.indirect_vreg.scatter [tilespmem:s0], [sflag:$0x2], $0x80, v63, vm0, $0xb8;
	[tilespmem:$0x9A80] =	vst v63  }
0xb0: {  	_ =	swait.ge [sflag:s14], $0x800  }
0xb1: {  	[sflag:s14] =	ssyncset.done $0x0  }
0xb2: {  	[sflag:s14] =	ssyncadd.s32 $0xFFFFF800  }
0xb3: {  	_ =	swait.ge [sflag:s15], $0x800  }
0xb4: {  	[sflag:s15] =	ssyncset.done $0x0  }
0xb5: {  	[sflag:s15] =	ssyncadd.s32 $0xFFFFF800  }
0xb6: {  	_ =	swait.ge [sflag:s14], $0x800  }
0xb7: {  	[sflag:s14] =	ssyncset.done $0x0  }
0xb8: {  	[sflag:s14] =	ssyncadd.s32 $0xFFFFF800  }
0xb9: {  	_ =	swait.ge [sflag:s15], $0x800  }
0xba: {  	[sflag:s15] =	ssyncset.done $0x0  }
0xbb: {  	[sflag:s15] =	ssyncadd.s32 $0xFFFFF800  }
0xbc: {  	_ =	swait.ge [sflag:s14], $0x800  }
0xbd: {  	[sflag:s14] =	ssyncset.done $0x0  }
0xbe: {  	[sflag:s14] =	ssyncadd.s32 $0xFFFFF800  }
0xbf: {  	_ =	swait.ge [sflag:s15], $0x800  }
0xc0: {  	[sflag:s15] =	ssyncset.done $0x0  }
0xc1: {  	[sflag:s15] =	ssyncadd.s32 $0xFFFFF800  }
0xc2: {  	_ =	swait.ge [sflag:s14], $0x800  }
0xc3: {  	[sflag:s14] =	ssyncset.done $0x0  }
0xc4: {  	[sflag:s14] =	ssyncadd.s32 $0xFFFFF800  }
0xc5: {  	_ =	swait.ge [sflag:s15], $0x800  }
0xc6: {  	[sflag:s15] =	ssyncset.done $0x0  }
0xc7: {  	[sflag:s15] =	ssyncadd.s32 $0xFFFFF800  }
0xc8: {  	_ =	swait.ge [sflag:s14], $0x800  }
0xc9: {  	[sflag:s14] =	ssyncset.done $0x0  }
0xca: {  	[sflag:s14] =	ssyncadd.s32 $0xFFFFF800  }
0xcb: {  	_ =	swait.ge [sflag:s15], $0x800  }
0xcc: {  	[sflag:s15] =	ssyncset.done $0x0  }
0xcd: {  	[sflag:s15] =	ssyncadd.s32 $0xFFFFF800  }
0xce: {  	_ =	swait.ge [sflag:s14], $0x800  }
0xcf: {  	[sflag:s14] =	ssyncset.done $0x0  }
0xd0: {  	[sflag:s14] =	ssyncadd.s32 $0xFFFFF800  }
0xd1: {  	_ =	swait.ge [sflag:s15], $0x800  }
0xd2: {  	[sflag:s15] =	ssyncset.done $0x0  }
0xd3: {  	[sflag:s15] =	ssyncadd.s32 $0xFFFFF800  }
0xd4: {  	_ =	swait.ge [sflag:s14], $0x800  }
0xd5: {  	[sflag:s14] =	ssyncset.done $0x0  }
0xd6: {  	[sflag:s14] =	ssyncadd.s32 $0xFFFFF800  }
0xd7: {  	_ =	swait.ge [sflag:s15], $0x800  }
0xd8: {  	[sflag:s15] =	ssyncset.done $0x0  }
0xd9: {  	[sflag:s15] =	ssyncadd.s32 $0xFFFFF800  }
0xda: {  	p0 =	sne.s32 s12, $0x1;
	_ =	swait.ge [sflag:s14], $0x800  }
.Ltmp3:
0xdb: {  	[sflag:s14] =	ssyncset.done $0x0;
	(pc) =	sbr.rel @p0 .LBB2_3-.Ltmp3, $4  }
0xdc: {  	[sflag:s14] =	ssyncadd.s32 $0xFFFFF800  }
0xdd: {  	_ =	swait.ge [sflag:s15], $0x800  }
0xde: {  	s12 =	sadd.s32 $0xFFFFFFFF, s12;
	[sflag:s15] =	ssyncset.done $0x0  }
0xdf: {  	s13 =	sadd.s32 $0x80, s13;
	s6 =	sadd.s32 $0x80, s6;
	[sflag:s15] =	ssyncadd.s32 $0xFFFFF800  }
.Ltmp4:
0xe0: {  	_ = 	snop;
	(pc) =	sbr.rel .LBB2_4-.Ltmp4, $1  }
0xe1: {  	_ =	sdelay $0x3  }
.LBB2_5:
0xe2: {  	_ =	sfence.sel $0x180000  }
0xe3: {  	[bflag:$0x0] =	sbarrier.arrive $0xFFFF  }
0xe4: {  	_ =	strace $0x9000004A  }
0xe5: {  	s0 =	stileid.u32;
	[bflag:$0x2] =	sbarrier.arrive $0xFFFF  }
0xe6: {  	p0 =	sne.s32 s0, $0x0;
	s0 =	rddreg [dreg:$0x2]  }
0xe7: {  	s0 =	sadd.s32 @!p0 $0x100000, s0  }
0xe8: {  	[sflag:s0] =	ssyncadd.tile.s32 @!p0 $0x1;
	_ =	shalt  }
.Lfunc_end2:
_tile_overlayer_lowered:
.L_overlay_start_2:
0xe9: {  	(tag) =	ssettag $0x2  }
0xea: {  	s0 =	rddreg [dreg:$0x0];
	s2 =	stileid.u32  }
0xeb: {  	s1 =	rddreg [dreg:$0x1];
	p0 =	sne.s32 s2, $0x0  }
0xec: {  	s3 =	rddreg [dreg:$0x2];
	[bflag:$0x3] =	sbarrier.arrive $0xFFFF;
	s2 =	simm.s32 @!p0 $0x1C03  }
0xed: {  	[timem:s3], [sflag:s2] =	dma.local @!p0 [hbm:s0], s1  }
0xee: {  	s0 =	simm.s32 @!p0 $0x3  }
0xef: {  	_ =	swait.ge @!p0 [sflag:s0], s1  }
0xf0: {  	s1 =	ssub.s32 @!p0 $0x0, s1;
	[sflag:s0] =	ssyncset.done @!p0 $0x0  }
0xf1: {  	[sflag:s0] =	ssyncadd.s32 @!p0 s1  }
0xf2: {  	[bflag:$0x3] =	sbarrier.arrive $0xFFFF  }
0xf3: {  	_ =	shalt  }

</sc_bundles>
